<compile_context>
chip_gen: v7x
topology: tpu7x:2x2x1
jax: 0.10.2.dev20260603
libtpu: 0.0.44.dev20260713+nightly
codegen_flags: <defaults>
</compile_context>

<pallas_src>
import functools

import jax
import jax.numpy as jnp
from jax import lax
from jax.experimental import pallas as pl
from jax.experimental.pallas import tpu as pltpu
from jax.experimental.pallas import tpu_sc as plsc

N = 10000
E = 320000
HD = 128
ED = 16
H = 8
D = 16
FF = 4 * HD

NC = 2
NS = 16
NW = NC * NS
EPT = E // NW
C = 400
SUB = 50
NSUB = C // SUB
NCH = EPT // C
NPAD = 10240
RPS = NPAD // NS
EB = 4000
SCALE = 1.0 / (D ** 0.5)

_f32 = jnp.float32



def _qkv_body(x_ref, wq_ref, bq_ref, wk_ref, bk_ref, wv_ref, bv_ref,
              q_ref, k_ref, v_ref):
    xb = x_ref[...]
    q_ref[...] = jnp.dot(xb, wq_ref[...], preferred_element_type=_f32) + bq_ref[...]
    k_ref[...] = jnp.dot(xb, wk_ref[...], preferred_element_type=_f32) + bk_ref[...]
    v_ref[...] = jnp.dot(xb, wv_ref[...], preferred_element_type=_f32) + bv_ref[...]


def _qkv_call(x, Wq, bq, Wk, bk, Wv, bv):
    blk = 2000
    grid = (N // blk,)
    full = lambda shape: pl.BlockSpec(shape, lambda i: (0, 0))
    rows = pl.BlockSpec((blk, HD), lambda i: (i, 0))
    return pl.pallas_call(
        _qkv_body,
        grid=grid,
        in_specs=[rows, full((HD, HD)), full((1, HD)), full((HD, HD)),
                  full((1, HD)), full((HD, HD)), full((1, HD))],
        out_specs=[rows, rows, rows],
        out_shape=[jax.ShapeDtypeStruct((N, HD), _f32)] * 3,
    )(x, Wq, bq, Wk, bk, Wv, bv)


def _score_body(qg_ref, kg_ref, ea_ref, we_ref, be_ref, s_ref, m_ref, z_ref):
    i = pl.program_id(0)
    p = qg_ref[...] * kg_ref[...]
    row = lax.broadcasted_iota(jnp.int32, (HD, H), 0)
    col = lax.broadcasted_iota(jnp.int32, (HD, H), 1)
    maskm = (row // D == col).astype(_f32)
    s = (jnp.dot(p, maskm, preferred_element_type=_f32) * SCALE
         + jnp.dot(ea_ref[...], we_ref[...], preferred_element_type=_f32)
         + be_ref[...])
    s_ref[...] = s
    bm = jnp.max(s, axis=0, keepdims=True)

    @pl.when(i == 0)
    def _():
        m_ref[...] = bm
        z_ref[...] = jnp.sum(jnp.exp(s - bm), axis=0, keepdims=True)

    @pl.when(i != 0)
    def _():
        mo = m_ref[...]
        mn = jnp.maximum(mo, bm)
        z_ref[...] = (z_ref[...] * jnp.exp(mo - mn)
                      + jnp.sum(jnp.exp(s - mn), axis=0, keepdims=True))
        m_ref[...] = mn


def _score_call(qg, kg, edge_attr, We, be):
    grid = (E // EB,)
    rows = pl.BlockSpec((EB, HD), lambda i: (i, 0))
    return pl.pallas_call(
        _score_body,
        grid=grid,
        in_specs=[rows, rows, pl.BlockSpec((EB, ED), lambda i: (i, 0)),
                  pl.BlockSpec((ED, H), lambda i: (0, 0)),
                  pl.BlockSpec((1, H), lambda i: (0, 0))],
        out_specs=[pl.BlockSpec((EB, H), lambda i: (i, 0)),
                   pl.BlockSpec((1, H), lambda i: (0, 0)),
                   pl.BlockSpec((1, H), lambda i: (0, 0))],
        out_shape=[jax.ShapeDtypeStruct((E, H), _f32),
                   jax.ShapeDtypeStruct((1, H), _f32),
                   jax.ShapeDtypeStruct((1, H), _f32)],
    )(qg, kg, edge_attr, We, be)


def _wv_body(s_ref, m_ref, z_ref, vg_ref, o_ref):
    w = jnp.exp(s_ref[...] - m_ref[...]) / z_ref[...]
    row = lax.broadcasted_iota(jnp.int32, (H, HD), 0)
    col = lax.broadcasted_iota(jnp.int32, (H, HD), 1)
    expm = (col // D == row).astype(_f32)
    o_ref[...] = jnp.dot(w, expm, preferred_element_type=_f32) * vg_ref[...]


def _wv_call(s, m, z, vg):
    grid = (E // EB,)
    return pl.pallas_call(
        _wv_body,
        grid=grid,
        in_specs=[pl.BlockSpec((EB, H), lambda i: (i, 0)),
                  pl.BlockSpec((1, H), lambda i: (0, 0)),
                  pl.BlockSpec((1, H), lambda i: (0, 0)),
                  pl.BlockSpec((EB, HD), lambda i: (i, 0))],
        out_specs=pl.BlockSpec((EB, HD), lambda i: (i, 0)),
        out_shape=jax.ShapeDtypeStruct((E, HD), _f32),
    )(s, m, z, vg)


def _ln(t, g, b):
    m = jnp.mean(t, axis=-1, keepdims=True)
    c = t - m
    v = jnp.mean(c * c, axis=-1, keepdims=True)
    return c * jax.lax.rsqrt(v + 1e-5) * g + b


def _post_body(x_ref, p_ref, wo_ref, bo_ref, g1_ref, b1_ref, g2_ref, b2_ref,
               w1_ref, bf1_ref, w2_ref, bf2_ref, o_ref):
    att = p_ref[0] + p_ref[1]
    y = jnp.dot(att, wo_ref[...], preferred_element_type=_f32) + bo_ref[...]
    x1 = _ln(x_ref[...] + y, g1_ref[...], b1_ref[...])
    h1 = jnp.maximum(jnp.dot(x1, w1_ref[...], preferred_element_type=_f32)
                     + bf1_ref[...], 0.0)
    ffo = jnp.dot(h1, w2_ref[...], preferred_element_type=_f32) + bf2_ref[...]
    o_ref[...] = _ln(x1 + ffo, g2_ref[...], b2_ref[...])


def _post_call(x, parts, Wo, bo, g1, bn1, g2, bn2, W1, bf1, W2, bf2):
    blk = 2000
    grid = (N // blk,)
    rows = pl.BlockSpec((blk, HD), lambda i: (i, 0))
    full = lambda shape: pl.BlockSpec(shape, lambda i: tuple(0 for _ in shape))
    return pl.pallas_call(
        _post_body,
        grid=grid,
        in_specs=[rows, pl.BlockSpec((NC, blk, HD), lambda i: (0, i, 0)),
                  full((HD, HD)), full((1, HD)), full((1, HD)), full((1, HD)),
                  full((1, HD)), full((1, HD)), full((HD, FF)), full((1, FF)),
                  full((FF, HD)), full((1, HD))],
        out_specs=rows,
        out_shape=jax.ShapeDtypeStruct((N, HD), _f32),
    )(x, parts, Wo, bo, g1, bn1, g2, bn2, W1, bf1, W2, bf2)



_MESH = plsc.VectorSubcoreMesh(core_axis_name="c", subcore_axis_name="s")


SC2 = 200
NS2 = C // SC2
RSB = SC2 // SUB


@functools.partial(
    pl.kernel, mesh=_MESH,
    out_type=[jax.ShapeDtypeStruct((E, HD), _f32),
              jax.ShapeDtypeStruct((E, HD), _f32),
              jax.ShapeDtypeStruct((E, HD), _f32)],
    scratch_types=[pltpu.VMEM((NSUB, SUB), jnp.int32),
                   pltpu.VMEM((NSUB, SUB), jnp.int32),
                   pltpu.VMEM((SC2, HD), _f32),
                   pltpu.VMEM((SC2, HD), _f32),
                   pltpu.VMEM((SC2, HD), _f32),
                   pltpu.SemaphoreType.DMA],
)
def _sc_gather_qkv(src_hbm, dst_hbm, q_hbm, k_hbm, v_hbm,
                   qg_hbm, kg_hbm, vg_hbm, srcv, dstv, qbuf, kbuf, vbuf, sem):
    wid = lax.axis_index("s") * NC + lax.axis_index("c")
    ebase = wid * EPT

    def chunk(i, _):
        base = pl.multiple_of(ebase + i * C, C)
        row0 = pl.multiple_of(base // SUB, NSUB)
        pltpu.sync_copy(src_hbm.at[pl.ds(row0, NSUB)], srcv)
        pltpu.sync_copy(dst_hbm.at[pl.ds(row0, NSUB)], dstv)
        for s in range(NS2):
            cps = []
            for b in range(RSB):
                r = s * RSB + b
                cps.append(pltpu.async_copy(
                    q_hbm.at[srcv.at[r]], qbuf.at[pl.ds(b * SUB, SUB)], sem))
                cps.append(pltpu.async_copy(
                    k_hbm.at[dstv.at[r]], kbuf.at[pl.ds(b * SUB, SUB)], sem))
                cps.append(pltpu.async_copy(
                    v_hbm.at[dstv.at[r]], vbuf.at[pl.ds(b * SUB, SUB)], sem))
            for cp in cps:
                cp.wait()
            sbase = pl.multiple_of(base + s * SC2, SC2)
            pltpu.sync_copy(qbuf, qg_hbm.at[pl.ds(sbase, SC2)])
            pltpu.sync_copy(kbuf, kg_hbm.at[pl.ds(sbase, SC2)])
            pltpu.sync_copy(vbuf, vg_hbm.at[pl.ds(sbase, SC2)])
        return 0

    lax.fori_loop(0, NCH, chunk, 0)


@functools.partial(
    pl.kernel, mesh=_MESH,
    out_type=jax.ShapeDtypeStruct((NC, NPAD, HD), _f32),
    scratch_types=[pltpu.VMEM((NSUB, SUB), jnp.int32),
                   pltpu.VMEM((SC2, HD), _f32),
                   pltpu.VMEM_SHARED((NPAD, HD), _f32),
                   pltpu.SemaphoreType.DMA],
)
def _sc_aggregate(src_hbm, wv_hbm, out_hbm, srcv, vbuf, acc, sem):
    cid = lax.axis_index("c")
    sid = lax.axis_index("s")
    wid = sid * NC + cid
    ebase = wid * EPT

    def zw(r, _):
        for cc in range(HD // 16):
            vbuf[r, pl.ds(cc * 16, 16)] = jnp.zeros((16,), _f32)
        return 0

    lax.fori_loop(0, SC2, zw, 0)
    prow0 = pl.multiple_of(sid * RPS, RPS)
    for j in range(RPS // SC2):
        pltpu.sync_copy(vbuf, acc.at[pl.ds(prow0 + j * SC2, SC2)])
    rem = RPS - (RPS // SC2) * SC2
    if rem:
        pltpu.sync_copy(vbuf.at[pl.ds(0, rem)],
                        acc.at[pl.ds(prow0 + RPS - rem, rem)])
    plsc.subcore_barrier()

    def chunk(i, _):
        base = pl.multiple_of(ebase + i * C, C)
        row0 = pl.multiple_of(base // SUB, NSUB)
        pltpu.sync_copy(src_hbm.at[pl.ds(row0, NSUB)], srcv)
        for s in range(NS2):
            sbase = pl.multiple_of(base + s * SC2, SC2)
            pltpu.sync_copy(wv_hbm.at[pl.ds(sbase, SC2)], vbuf)
            for b in range(RSB):
                pltpu.sync_copy(vbuf.at[pl.ds(b * SUB, SUB)],
                                acc.at[srcv.at[s * RSB + b]], add=True)
        return 0

    lax.fori_loop(0, NCH, chunk, 0)
    plsc.subcore_barrier()
    pltpu.sync_copy(acc.at[pl.ds(prow0, RPS)],
                    out_hbm.at[cid, pl.ds(prow0, RPS)])



def kernel(x, edge_index, edge_attr, Wq, bq, Wk, bk, Wv, bv, We, be, Wo, bo,
           g1, bn1, g2, bn2, W1, bf1, W2, bf2):
    src2d = edge_index[0].reshape(E // SUB, SUB)
    dst2d = edge_index[1].reshape(E // SUB, SUB)
    q, k, v = _qkv_call(x, Wq, bq.reshape(1, HD), Wk, bk.reshape(1, HD),
                        Wv, bv.reshape(1, HD))
    qg, kg, vg = _sc_gather_qkv(src2d, dst2d, q, k, v)
    s, m, z = _score_call(qg, kg, edge_attr, We, be.reshape(1, H))
    wv = _wv_call(s, m, z, vg)
    parts = _sc_aggregate(src2d, wv)
    return _post_call(x, parts, Wo, bo.reshape(1, HD), g1.reshape(1, HD),
                      bn1.reshape(1, HD), g2.reshape(1, HD), bn2.reshape(1, HD),
                      W1, bf1.reshape(1, FF), W2, bf2.reshape(1, HD))

# --- scband reference (transcript-rebuilt; emitter-appended) ---
"""Pipeline reference for scband-graphormer-layer-sparse-17205638988081 (READ-ONLY COPY).

The authoritative reference and input builder live on the scoring server;
editing this copy changes nothing except your own understanding.
"""

import jax, jax.numpy as jnp
import numpy as np

N = 10000
E = 320000
HD = 128
ED = 16
H = 8
D = HD // H
FF = 4 * HD


def setup_inputs(seed: int = 0) -> dict:
    key = jax.random.key(seed)
    ks = jax.random.split(key, 16)
    s = 0.02
    inp = {}
    inp["x"] = jax.random.normal(ks[0], (N, HD), dtype=jnp.float32)
    inp["edge_index"] = jax.random.randint(ks[1], (2, E), 0, N, dtype=jnp.int32)
    inp["edge_attr"] = jax.random.normal(ks[2], (E, ED), dtype=jnp.float32)
    inp["Wq"] = jax.random.normal(ks[3], (HD, HD), dtype=jnp.float32) * s
    inp["bq"] = jnp.zeros((HD,), dtype=jnp.float32)
    inp["Wk"] = jax.random.normal(ks[4], (HD, HD), dtype=jnp.float32) * s
    inp["bk"] = jnp.zeros((HD,), dtype=jnp.float32)
    inp["Wv"] = jax.random.normal(ks[5], (HD, HD), dtype=jnp.float32) * s
    inp["bv"] = jnp.zeros((HD,), dtype=jnp.float32)
    inp["We"] = jax.random.normal(ks[6], (ED, H), dtype=jnp.float32) * s
    inp["be"] = jnp.zeros((H,), dtype=jnp.float32)
    inp["Wo"] = jax.random.normal(ks[7], (HD, HD), dtype=jnp.float32) * s
    inp["bo"] = jnp.zeros((HD,), dtype=jnp.float32)
    inp["g1"] = jnp.ones((HD,), dtype=jnp.float32)
    inp["bn1"] = jnp.zeros((HD,), dtype=jnp.float32)
    inp["g2"] = jnp.ones((HD,), dtype=jnp.float32)
    inp["bn2"] = jnp.zeros((HD,), dtype=jnp.float32)
    inp["W1"] = jax.random.normal(ks[8], (HD, FF), dtype=jnp.float32) * s
    inp["bf1"] = jnp.zeros((FF,), dtype=jnp.float32)
    inp["W2"] = jax.random.normal(ks[9], (FF, HD), dtype=jnp.float32) * s
    inp["bf2"] = jnp.zeros((HD,), dtype=jnp.float32)
    return inp


def _ln(x, g, b):
    m = jnp.mean(x, axis=-1, keepdims=True)
    v = jnp.var(x, axis=-1, keepdims=True)
    return (x - m) / jnp.sqrt(v + 1e-5) * g + b


def reference(x, edge_index, edge_attr, Wq, bq, Wk, bk, Wv, bv, We, be, Wo, bo, g1, bn1, g2, bn2, W1, bf1, W2, bf2):
    n = x.shape[0]
    q = (x @ Wq + bq).reshape(n, H, D)
    k = (x @ Wk + bk).reshape(n, H, D)
    v = (x @ Wv + bv).reshape(n, H, D)
    src = edge_index[0]
    dst = edge_index[1]
    q_i = q[src]
    k_j = k[dst]
    v_j = v[dst]
    score = (q_i * k_j).sum(axis=-1) / (D ** 0.5)
    score = score + (edge_attr @ We + be)
    attn = jax.nn.softmax(score, axis=0)
    out = attn[:, :, None] * v_j
    out = jax.ops.segment_sum(out, src, num_segments=n)
    out = out.reshape(n, -1) @ Wo + bo
    x = _ln(x + out, g1, bn1)
    ff = jax.nn.relu(x @ W1 + bf1) @ W2 + bf2
    x = _ln(x + ff, g2, bn2)
    return x

if __name__ == "__main__":
    import jax
    _d = setup_inputs()
    print(jax.jit(kernel)(*tuple(_d.values())))

</pallas_src>

<mosaic_0001>
#map = affine_map<(d0, d1) -> (0, 0)>
module attributes {stable_mosaic.version = 14 : i64} {
  func.func @_sc_gather_qkv(%arg0: i32, %arg1: i32, %arg2: memref<6400x50xi32, #tpu.memory_space<hbm>>, %arg3: memref<6400x50xi32, #tpu.memory_space<hbm>>, %arg4: memref<10000x128xf32, #tpu.memory_space<hbm>>, %arg5: memref<10000x128xf32, #tpu.memory_space<hbm>>, %arg6: memref<10000x128xf32, #tpu.memory_space<hbm>>, %arg7: memref<320000x128xf32, #tpu.memory_space<hbm>>, %arg8: memref<320000x128xf32, #tpu.memory_space<hbm>>, %arg9: memref<320000x128xf32, #tpu.memory_space<hbm>>, %arg10: memref<8x50xi32, #tpu.memory_space<vmem>>, %arg11: memref<8x50xi32, #tpu.memory_space<vmem>>, %arg12: memref<200x128xf32, #tpu.memory_space<vmem>>, %arg13: memref<200x128xf32, #tpu.memory_space<vmem>>, %arg14: memref<200x128xf32, #tpu.memory_space<vmem>>, %arg15: memref<!tpu.dma_semaphore, #tpu.memory_space<semaphore_mem>>) attributes {dimension_semantics = [#tpu.dimension_semantics<core_parallel>, #tpu.dimension_semantics<subcore_parallel>], iteration_bounds = array<i64: 2, 16>, scalar_prefetch = 0 : i64, scratch_operands = 6 : i64, tpu.core_type = #tpu.core_type<sc_vector_subcore>, window_params = [{transform_indices = #map}, {transform_indices = #map}, {transform_indices = #map}, {transform_indices = #map}, {transform_indices = #map}, {transform_indices = #map}, {transform_indices = #map}, {transform_indices = #map}]} {
    %mul3A = arith.constant 2 : i32
    %mul3A_0 = arith.muli %arg1, %mul3A : i32
    %add3A = arith.addi %mul3A_0, %arg0 : i32
    %mul3A_1 = arith.constant 10000 : i32
    %mul3A_2 = arith.muli %add3A, %mul3A_1 : i32
    %scan3A = arith.constant 0 : i32
    %scan3A_3 = arith.constant 0 : i32
    %scan3A_4 = arith.constant 25 : i32
    %scan3A_5 = arith.addi %scan3A_3, %scan3A_4 : i32
    %scan3A_6 = arith.constant 1 : i32
    %scan3A_7 = scf.for %scan3A_9 = %scan3A_3 to %scan3A_5 step %scan3A_6 iter_args(%scan3A_10 = %scan3A) -> (i32)  : i32 {
      %mul3A_11 = arith.constant 400 : i32
      %mul3A_12 = arith.muli %scan3A_9, %mul3A_11 : i32
      %add3A_13 = arith.addi %mul3A_2, %mul3A_12 : i32
      %multiple_of3A = tpu.assume_multiple %add3A_13, 400 : i32
      %jit3A = arith.constant 50 : i32
      %div3A = arith.divsi %multiple_of3A, %jit3A : i32
      %sign3A = arith.constant 0 : i32
      %sign3A_14 = arith.cmpi sgt, %multiple_of3A, %sign3A : i32
      %sign3A_15 = arith.extui %sign3A_14 : i1 to i32
      %sign3A_16 = arith.constant 0 : i32
      %sign3A_17 = arith.cmpi slt, %multiple_of3A, %sign3A_16 : i32
      %sign3A_18 = arith.extui %sign3A_17 : i1 to i32
      %sign3A_19 = arith.subi %sign3A_15, %sign3A_18 : i32
      %sign3A_20 = arith.constant 0 : i32
      %sign3A_21 = arith.cmpi sgt, %jit3A, %sign3A_20 : i32
      %sign3A_22 = arith.extui %sign3A_21 : i1 to i32
      %sign3A_23 = arith.constant 0 : i32
      %sign3A_24 = arith.cmpi slt, %jit3A, %sign3A_23 : i32
      %sign3A_25 = arith.extui %sign3A_24 : i1 to i32
      %sign3A_26 = arith.subi %sign3A_22, %sign3A_25 : i32
      %ne3A = arith.cmpi ne, %sign3A_19, %sign3A_26 : i32
      %rem3A = arith.remsi %multiple_of3A, %jit3A : i32
      %ne3A_27 = arith.constant 0 : i32
      %ne3A_28 = arith.cmpi ne, %rem3A, %ne3A_27 : i32
      %and3A = arith.andi %ne3A, %ne3A_28 : i1
      %sub3A = arith.constant 1 : i32
      %sub3A_29 = arith.subi %div3A, %sub3A : i32
      %select_n3A = arith.select %and3A, %sub3A_29, %div3A : i32
      %multiple_of3A_30 = tpu.assume_multiple %select_n3A, 8 : i32
      "tpu.region"() ({
        %run_scoped3A = tpu.sem_alloc : memref<!tpu.dma_semaphore, #tpu.memory_space<semaphore_mem>>
        %dma_start3A_516 = arith.constant 0 : i32
        %dma_start3A_517 = tpu.memref_slice %arg2[%multiple_of3A_30, %dma_start3A_516] : memref<6400x50xi32, #tpu.memory_space<hbm>> -> memref<8x50xi32, #tpu.memory_space<hbm>>
        %dma_start3A_518 = arith.constant 0 : i32
        %dma_start3A_519 = tpu.memref_slice %arg2[%multiple_of3A_30, %dma_start3A_518] : memref<6400x50xi32, #tpu.memory_space<hbm>> -> memref<8x50xi32, #tpu.memory_space<hbm>>
        tpu.enqueue_dma source(%dma_start3A_519 : memref<8x50xi32, #tpu.memory_space<hbm>>) target(%arg10 : memref<8x50xi32, #tpu.memory_space<vmem>>) target_semaphore(%run_scoped3A : memref<!tpu.dma_semaphore, #tpu.memory_space<semaphore_mem>>)
        %dma_wait3A_520 = arith.constant 0 : i32
        %dma_wait3A_521 = tpu.memref_slice %arg2[%multiple_of3A_30, %dma_wait3A_520] : memref<6400x50xi32, #tpu.memory_space<hbm>> -> memref<8x50xi32, #tpu.memory_space<hbm>>
        %dma_wait3A_522 = arith.constant 0 : i32
        %dma_wait3A_523 = tpu.memref_slice %arg2[%multiple_of3A_30, %dma_wait3A_522] : memref<6400x50xi32, #tpu.memory_space<hbm>> -> memref<8x50xi32, #tpu.memory_space<hbm>>
        tpu.wait_dma2 semaphore(%run_scoped3A : memref<!tpu.dma_semaphore, #tpu.memory_space<semaphore_mem>>) src(%dma_wait3A_523 : memref<8x50xi32, #tpu.memory_space<hbm>>) dst(%arg10 : memref<8x50xi32, #tpu.memory_space<vmem>>)
        tpu.yield
      }) : () -> ()
      "tpu.region"() ({
        %run_scoped3A = tpu.sem_alloc : memref<!tpu.dma_semaphore, #tpu.memory_space<semaphore_mem>>
        %dma_start3A_516 = arith.constant 0 : i32
        %dma_start3A_517 = tpu.memref_slice %arg3[%multiple_of3A_30, %dma_start3A_516] : memref<6400x50xi32, #tpu.memory_space<hbm>> -> memref<8x50xi32, #tpu.memory_space<hbm>>
        %dma_start3A_518 = arith.constant 0 : i32
        %dma_start3A_519 = tpu.memref_slice %arg3[%multiple_of3A_30, %dma_start3A_518] : memref<6400x50xi32, #tpu.memory_space<hbm>> -> memref<8x50xi32, #tpu.memory_space<hbm>>
        tpu.enqueue_dma source(%dma_start3A_519 : memref<8x50xi32, #tpu.memory_space<hbm>>) target(%arg11 : memref<8x50xi32, #tpu.memory_space<vmem>>) target_semaphore(%run_scoped3A : memref<!tpu.dma_semaphore, #tpu.memory_space<semaphore_mem>>)
        %dma_wait3A_520 = arith.constant 0 : i32
        %dma_wait3A_521 = tpu.memref_slice %arg3[%multiple_of3A_30, %dma_wait3A_520] : memref<6400x50xi32, #tpu.memory_space<hbm>> -> memref<8x50xi32, #tpu.memory_space<hbm>>
        %dma_wait3A_522 = arith.constant 0 : i32
        %dma_wait3A_523 = tpu.memref_slice %arg3[%multiple_of3A_30, %dma_wait3A_522] : memref<6400x50xi32, #tpu.memory_space<hbm>> -> memref<8x50xi32, #tpu.memory_space<hbm>>
        tpu.wait_dma2 semaphore(%run_scoped3A : memref<!tpu.dma_semaphore, #tpu.memory_space<semaphore_mem>>) src(%dma_wait3A_523 : memref<8x50xi32, #tpu.memory_space<hbm>>) dst(%arg11 : memref<8x50xi32, #tpu.memory_space<vmem>>)
        tpu.yield
      }) : () -> ()
      %dma_start3A = arith.constant 0 : i32
      %dma_start3A_31 = arith.constant 0 : i32
      %dma_start3A_32 = arith.constant 0 : i32
      %dma_start3A_33 = tpu.memref_slice %arg12[%dma_start3A_31, %dma_start3A_32] : memref<200x128xf32, #tpu.memory_space<vmem>> -> memref<50x128xf32, #tpu.memory_space<vmem>>
      %dma_start3A_34 = arith.constant 0 : i32
      %dma_start3A_35 = tpu.memref_slice %arg10[%dma_start3A, %dma_start3A_34] : memref<8x50xi32, #tpu.memory_space<vmem>> -> memref<1x50xi32, #tpu.memory_space<vmem>>
      %dma_start3A_36 = tpu.memref_squeeze %dma_start3A_35 : memref<1x50xi32, #tpu.memory_space<vmem>> -> memref<50xi32, #tpu.memory_space<vmem>>
      %dma_start3A_37 = arith.constant 0 : i32
      %dma_start3A_38 = arith.constant 0 : i32
      %dma_start3A_39 = tpu.memref_slice %arg4[%dma_start3A_37, %dma_start3A_38] : memref<10000x128xf32, #tpu.memory_space<hbm>> -> memref<10000x128xf32, #tpu.memory_space<hbm>>
      tpu.enqueue_indirect_dma source(%dma_start3A_39 : memref<10000x128xf32, #tpu.memory_space<hbm>>) target(%dma_start3A_33 : memref<50x128xf32, #tpu.memory_space<vmem>>) offsets(%dma_start3A_36 : memref<50xi32, #tpu.memory_space<vmem>>) semaphore(%arg15 : memref<!tpu.dma_semaphore, #tpu.memory_space<semaphore_mem>>)
      %dma_start3A_40 = arith.constant 0 : i32
      %dma_start3A_41 = arith.constant 0 : i32
      %dma_start3A_42 = arith.constant 0 : i32
      %dma_start3A_43 = tpu.memref_slice %arg13[%dma_start3A_41, %dma_start3A_42] : memref<200x128xf32, #tpu.memory_space<vmem>> -> memref<50x128xf32, #tpu.memory_space<vmem>>
      %dma_start3A_44 = arith.constant 0 : i32
      %dma_start3A_45 = tpu.memref_slice %arg11[%dma_start3A_40, %dma_start3A_44] : memref<8x50xi32, #tpu.memory_space<vmem>> -> memref<1x50xi32, #tpu.memory_space<vmem>>
      %dma_start3A_46 = tpu.memref_squeeze %dma_start3A_45 : memref<1x50xi32, #tpu.memory_space<vmem>> -> memref<50xi32, #tpu.memory_space<vmem>>
      %dma_start3A_47 = arith.constant 0 : i32
      %dma_start3A_48 = arith.constant 0 : i32
      %dma_start3A_49 = tpu.memref_slice %arg5[%dma_start3A_47, %dma_start3A_48] : memref<10000x128xf32, #tpu.memory_space<hbm>> -> memref<10000x128xf32, #tpu.memory_space<hbm>>
      tpu.enqueue_indirect_dma source(%dma_start3A_49 : memref<10000x128xf32, #tpu.memory_space<hbm>>) target(%dma_start3A_43 : memref<50x128xf32, #tpu.memory_space<vmem>>) offsets(%dma_start3A_46 : memref<50xi32, #tpu.memory_space<vmem>>) semaphore(%arg15 : memref<!tpu.dma_semaphore, #tpu.memory_space<semaphore_mem>>)
      %dma_start3A_50 = arith.constant 0 : i32
      %dma_start3A_51 = arith.constant 0 : i32
      %dma_start3A_52 = arith.constant 0 : i32
      %dma_start3A_53 = tpu.memref_slice %arg14[%dma_start3A_51, %dma_start3A_52] : memref<200x128xf32, #tpu.memory_space<vmem>> -> memref<50x128xf32, #tpu.memory_space<vmem>>
      %dma_start3A_54 = arith.constant 0 : i32
      %dma_start3A_55 = tpu.memref_slice %arg11[%dma_start3A_50, %dma_start3A_54] : memref<8x50xi32, #tpu.memory_space<vmem>> -> memref<1x50xi32, #tpu.memory_space<vmem>>
      %dma_start3A_56 = tpu.memref_squeeze %dma_start3A_55 : memref<1x50xi32, #tpu.memory_space<vmem>> -> memref<50xi32, #tpu.memory_space<vmem>>
      %dma_start3A_57 = arith.constant 0 : i32
      %dma_start3A_58 = arith.constant 0 : i32
      %dma_start3A_59 = tpu.memref_slice %arg6[%dma_start3A_57, %dma_start3A_58] : memref<10000x128xf32, #tpu.memory_space<hbm>> -> memref<10000x128xf32, #tpu.memory_space<hbm>>
      tpu.enqueue_indirect_dma source(%dma_start3A_59 : memref<10000x128xf32, #tpu.memory_space<hbm>>) target(%dma_start3A_53 : memref<50x128xf32, #tpu.memory_space<vmem>>) offsets(%dma_start3A_56 : memref<50xi32, #tpu.memory_space<vmem>>) semaphore(%arg15 : memref<!tpu.dma_semaphore, #tpu.memory_space<semaphore_mem>>)
      %dma_start3A_60 = arith.constant 1 : i32
      %dma_start3A_61 = arith.constant 50 : i32
      %dma_start3A_62 = arith.constant 0 : i32
      %dma_start3A_63 = tpu.memref_slice %arg12[%dma_start3A_61, %dma_start3A_62] : memref<200x128xf32, #tpu.memory_space<vmem>> -> memref<50x128xf32, #tpu.memory_space<vmem>>
      %dma_start3A_64 = arith.constant 0 : i32
      %dma_start3A_65 = tpu.memref_slice %arg10[%dma_start3A_60, %dma_start3A_64] : memref<8x50xi32, #tpu.memory_space<vmem>> -> memref<1x50xi32, #tpu.memory_space<vmem>>
      %dma_start3A_66 = tpu.memref_squeeze %dma_start3A_65 : memref<1x50xi32, #tpu.memory_space<vmem>> -> memref<50xi32, #tpu.memory_space<vmem>>
      %dma_start3A_67 = arith.constant 0 : i32
      %dma_start3A_68 = arith.constant 0 : i32
      %dma_start3A_69 = tpu.memref_slice %arg4[%dma_start3A_67, %dma_start3A_68] : memref<10000x128xf32, #tpu.memory_space<hbm>> -> memref<10000x128xf32, #tpu.memory_space<hbm>>
      tpu.enqueue_indirect_dma source(%dma_start3A_69 : memref<10000x128xf32, #tpu.memory_space<hbm>>) target(%dma_start3A_63 : memref<50x128xf32, #tpu.memory_space<vmem>>) offsets(%dma_start3A_66 : memref<50xi32, #tpu.memory_space<vmem>>) semaphore(%arg15 : memref<!tpu.dma_semaphore, #tpu.memory_space<semaphore_mem>>)
      %dma_start3A_70 = arith.constant 1 : i32
      %dma_start3A_71 = arith.constant 50 : i32
      %dma_start3A_72 = arith.constant 0 : i32
      %dma_start3A_73 = tpu.memref_slice %arg13[%dma_start3A_71, %dma_start3A_72] : memref<200x128xf32, #tpu.memory_space<vmem>> -> memref<50x128xf32, #tpu.memory_space<vmem>>
      %dma_start3A_74 = arith.constant 0 : i32
      %dma_start3A_75 = tpu.memref_slice %arg11[%dma_start3A_70, %dma_start3A_74] : memref<8x50xi32, #tpu.memory_space<vmem>> -> memref<1x50xi32, #tpu.memory_space<vmem>>
      %dma_start3A_76 = tpu.memref_squeeze %dma_start3A_75 : memref<1x50xi32, #tpu.memory_space<vmem>> -> memref<50xi32, #tpu.memory_space<vmem>>
      %dma_start3A_77 = arith.constant 0 : i32
      %dma_start3A_78 = arith.constant 0 : i32
      %dma_start3A_79 = tpu.memref_slice %arg5[%dma_start3A_77, %dma_start3A_78] : memref<10000x128xf32, #tpu.memory_space<hbm>> -> memref<10000x128xf32, #tpu.memory_space<hbm>>
      tpu.enqueue_indirect_dma source(%dma_start3A_79 : memref<10000x128xf32, #tpu.memory_space<hbm>>) target(%dma_start3A_73 : memref<50x128xf32, #tpu.memory_space<vmem>>) offsets(%dma_start3A_76 : memref<50xi32, #tpu.memory_space<vmem>>) semaphore(%arg15 : memref<!tpu.dma_semaphore, #tpu.memory_space<semaphore_mem>>)
      %dma_start3A_80 = arith.constant 1 : i32
      %dma_start3A_81 = arith.constant 50 : i32
      %dma_start3A_82 = arith.constant 0 : i32
      %dma_start3A_83 = tpu.memref_slice %arg14[%dma_start3A_81, %dma_start3A_82] : memref<200x128xf32, #tpu.memory_space<vmem>> -> memref<50x128xf32, #tpu.memory_space<vmem>>
      %dma_start3A_84 = arith.constant 0 : i32
      %dma_start3A_85 = tpu.memref_slice %arg11[%dma_start3A_80, %dma_start3A_84] : memref<8x50xi32, #tpu.memory_space<vmem>> -> memref<1x50xi32, #tpu.memory_space<vmem>>
      %dma_start3A_86 = tpu.memref_squeeze %dma_start3A_85 : memref<1x50xi32, #tpu.memory_space<vmem>> -> memref<50xi32, #tpu.memory_space<vmem>>
      %dma_start3A_87 = arith.constant 0 : i32
      %dma_start3A_88 = arith.constant 0 : i32
      %dma_start3A_89 = tpu.memref_slice %arg6[%dma_start3A_87, %dma_start3A_88] : memref<10000x128xf32, #tpu.memory_space<hbm>> -> memref<10000x128xf32, #tpu.memory_space<hbm>>
      tpu.enqueue_indirect_dma source(%dma_start3A_89 : memref<10000x128xf32, #tpu.memory_space<hbm>>) target(%dma_start3A_83 : memref<50x128xf32, #tpu.memory_space<vmem>>) offsets(%dma_start3A_86 : memref<50xi32, #tpu.memory_space<vmem>>) semaphore(%arg15 : memref<!tpu.dma_semaphore, #tpu.memory_space<semaphore_mem>>)
      %dma_start3A_90 = arith.constant 2 : i32
      %dma_start3A_91 = arith.constant 100 : i32
      %dma_start3A_92 = arith.constant 0 : i32
      %dma_start3A_93 = tpu.memref_slice %arg12[%dma_start3A_91, %dma_start3A_92] : memref<200x128xf32, #tpu.memory_space<vmem>> -> memref<50x128xf32, #tpu.memory_space<vmem>>
      %dma_start3A_94 = arith.constant 0 : i32
      %dma_start3A_95 = tpu.memref_slice %arg10[%dma_start3A_90, %dma_start3A_94] : memref<8x50xi32, #tpu.memory_space<vmem>> -> memref<1x50xi32, #tpu.memory_space<vmem>>
      %dma_start3A_96 = tpu.memref_squeeze %dma_start3A_95 : memref<1x50xi32, #tpu.memory_space<vmem>> -> memref<50xi32, #tpu.memory_space<vmem>>
      %dma_start3A_97 = arith.constant 0 : i32
      %dma_start3A_98 = arith.constant 0 : i32
      %dma_start3A_99 = tpu.memref_slice %arg4[%dma_start3A_97, %dma_start3A_98] : memref<10000x128xf32, #tpu.memory_space<hbm>> -> memref<10000x128xf32, #tpu.memory_space<hbm>>
      tpu.enqueue_indirect_dma source(%dma_start3A_99 : memref<10000x128xf32, #tpu.memory_space<hbm>>) target(%dma_start3A_93 : memref<50x128xf32, #tpu.memory_space<vmem>>) offsets(%dma_start3A_96 : memref<50xi32, #tpu.memory_space<vmem>>) semaphore(%arg15 : memref<!tpu.dma_semaphore, #tpu.memory_space<semaphore_mem>>)
      %dma_start3A_100 = arith.constant 2 : i32
      %dma_start3A_101 = arith.constant 100 : i32
      %dma_start3A_102 = arith.constant 0 : i32
      %dma_start3A_103 = tpu.memref_slice %arg13[%dma_start3A_101, %dma_start3A_102] : memref<200x128xf32, #tpu.memory_space<vmem>> -> memref<50x128xf32, #tpu.memory_space<vmem>>
      %dma_start3A_104 = arith.constant 0 : i32
      %dma_start3A_105 = tpu.memref_slice %arg11[%dma_start3A_100, %dma_start3A_104] : memref<8x50xi32, #tpu.memory_space<vmem>> -> memref<1x50xi32, #tpu.memory_space<vmem>>
      %dma_start3A_106 = tpu.memref_squeeze %dma_start3A_105 : memref<1x50xi32, #tpu.memory_space<vmem>> -> memref<50xi32, #tpu.memory_space<vmem>>
      %dma_start3A_107 = arith.constant 0 : i32
      %dma_start3A_108 = arith.constant 0 : i32
      %dma_start3A_109 = tpu.memref_slice %arg5[%dma_start3A_107, %dma_start3A_108] : memref<10000x128xf32, #tpu.memory_space<hbm>> -> memref<10000x128xf32, #tpu.memory_space<hbm>>
      tpu.enqueue_indirect_dma source(%dma_start3A_109 : memref<10000x128xf32, #tpu.memory_space<hbm>>) target(%dma_start3A_103 : memref<50x128xf32, #tpu.memory_space<vmem>>) offsets(%dma_start3A_106 : memref<50xi32, #tpu.memory_space<vmem>>) semaphore(%arg15 : memref<!tpu.dma_semaphore, #tpu.memory_space<semaphore_mem>>)
      %dma_start3A_110 = arith.constant 2 : i32
      %dma_start3A_111 = arith.constant 100 : i32
      %dma_start3A_112 = arith.constant 0 : i32
      %dma_start3A_113 = tpu.memref_slice %arg14[%dma_start3A_111, %dma_start3A_112] : memref<200x128xf32, #tpu.memory_space<vmem>> -> memref<50x128xf32, #tpu.memory_space<vmem>>
      %dma_start3A_114 = arith.constant 0 : i32
      %dma_start3A_115 = tpu.memref_slice %arg11[%dma_start3A_110, %dma_start3A_114] : memref<8x50xi32, #tpu.memory_space<vmem>> -> memref<1x50xi32, #tpu.memory_space<vmem>>
      %dma_start3A_116 = tpu.memref_squeeze %dma_start3A_115 : memref<1x50xi32, #tpu.memory_space<vmem>> -> memref<50xi32, #tpu.memory_space<vmem>>
      %dma_start3A_117 = arith.constant 0 : i32
      %dma_start3A_118 = arith.constant 0 : i32
      %dma_start3A_119 = tpu.memref_slice %arg6[%dma_start3A_117, %dma_start3A_118] : memref<10000x128xf32, #tpu.memory_space<hbm>> -> memref<10000x128xf32, #tpu.memory_space<hbm>>
      tpu.enqueue_indirect_dma source(%dma_start3A_119 : memref<10000x128xf32, #tpu.memory_space<hbm>>) target(%dma_start3A_113 : memref<50x128xf32, #tpu.memory_space<vmem>>) offsets(%dma_start3A_116 : memref<50xi32, #tpu.memory_space<vmem>>) semaphore(%arg15 : memref<!tpu.dma_semaphore, #tpu.memory_space<semaphore_mem>>)
      %dma_start3A_120 = arith.constant 3 : i32
      %dma_start3A_121 = arith.constant 150 : i32
      %dma_start3A_122 = arith.constant 0 : i32
      %dma_start3A_123 = tpu.memref_slice %arg12[%dma_start3A_121, %dma_start3A_122] : memref<200x128xf32, #tpu.memory_space<vmem>> -> memref<50x128xf32, #tpu.memory_space<vmem>>
      %dma_start3A_124 = arith.constant 0 : i32
      %dma_start3A_125 = tpu.memref_slice %arg10[%dma_start3A_120, %dma_start3A_124] : memref<8x50xi32, #tpu.memory_space<vmem>> -> memref<1x50xi32, #tpu.memory_space<vmem>>
      %dma_start3A_126 = tpu.memref_squeeze %dma_start3A_125 : memref<1x50xi32, #tpu.memory_space<vmem>> -> memref<50xi32, #tpu.memory_space<vmem>>
      %dma_start3A_127 = arith.constant 0 : i32
      %dma_start3A_128 = arith.constant 0 : i32
      %dma_start3A_129 = tpu.memref_slice %arg4[%dma_start3A_127, %dma_start3A_128] : memref<10000x128xf32, #tpu.memory_space<hbm>> -> memref<10000x128xf32, #tpu.memory_space<hbm>>
      tpu.enqueue_indirect_dma source(%dma_start3A_129 : memref<10000x128xf32, #tpu.memory_space<hbm>>) target(%dma_start3A_123 : memref<50x128xf32, #tpu.memory_space<vmem>>) offsets(%dma_start3A_126 : memref<50xi32, #tpu.memory_space<vmem>>) semaphore(%arg15 : memref<!tpu.dma_semaphore, #tpu.memory_space<semaphore_mem>>)
      %dma_start3A_130 = arith.constant 3 : i32
      %dma_start3A_131 = arith.constant 150 : i32
      %dma_start3A_132 = arith.constant 0 : i32
      %dma_start3A_133 = tpu.memref_slice %arg13[%dma_start3A_131, %dma_start3A_132] : memref<200x128xf32, #tpu.memory_space<vmem>> -> memref<50x128xf32, #tpu.memory_space<vmem>>
      %dma_start3A_134 = arith.constant 0 : i32
      %dma_start3A_135 = tpu.memref_slice %arg11[%dma_start3A_130, %dma_start3A_134] : memref<8x50xi32, #tpu.memory_space<vmem>> -> memref<1x50xi32, #tpu.memory_space<vmem>>
      %dma_start3A_136 = tpu.memref_squeeze %dma_start3A_135 : memref<1x50xi32, #tpu.memory_space<vmem>> -> memref<50xi32, #tpu.memory_space<vmem>>
      %dma_start3A_137 = arith.constant 0 : i32
      %dma_start3A_138 = arith.constant 0 : i32
      %dma_start3A_139 = tpu.memref_slice %arg5[%dma_start3A_137, %dma_start3A_138] : memref<10000x128xf32, #tpu.memory_space<hbm>> -> memref<10000x128xf32, #tpu.memory_space<hbm>>
      tpu.enqueue_indirect_dma source(%dma_start3A_139 : memref<10000x128xf32, #tpu.memory_space<hbm>>) target(%dma_start3A_133 : memref<50x128xf32, #tpu.memory_space<vmem>>) offsets(%dma_start3A_136 : memref<50xi32, #tpu.memory_space<vmem>>) semaphore(%arg15 : memref<!tpu.dma_semaphore, #tpu.memory_space<semaphore_mem>>)
      %dma_start3A_140 = arith.constant 3 : i32
      %dma_start3A_141 = arith.constant 150 : i32
      %dma_start3A_142 = arith.constant 0 : i32
      %dma_start3A_143 = tpu.memref_slice %arg14[%dma_start3A_141, %dma_start3A_142] : memref<200x128xf32, #tpu.memory_space<vmem>> -> memref<50x128xf32, #tpu.memory_space<vmem>>
      %dma_start3A_144 = arith.constant 0 : i32
      %dma_start3A_145 = tpu.memref_slice %arg11[%dma_start3A_140, %dma_start3A_144] : memref<8x50xi32, #tpu.memory_space<vmem>> -> memref<1x50xi32, #tpu.memory_space<vmem>>
      %dma_start3A_146 = tpu.memref_squeeze %dma_start3A_145 : memref<1x50xi32, #tpu.memory_space<vmem>> -> memref<50xi32, #tpu.memory_space<vmem>>
      %dma_start3A_147 = arith.constant 0 : i32
      %dma_start3A_148 = arith.constant 0 : i32
      %dma_start3A_149 = tpu.memref_slice %arg6[%dma_start3A_147, %dma_start3A_148] : memref<10000x128xf32, #tpu.memory_space<hbm>> -> memref<10000x128xf32, #tpu.memory_space<hbm>>
      tpu.enqueue_indirect_dma source(%dma_start3A_149 : memref<10000x128xf32, #tpu.memory_space<hbm>>) target(%dma_start3A_143 : memref<50x128xf32, #tpu.memory_space<vmem>>) offsets(%dma_start3A_146 : memref<50xi32, #tpu.memory_space<vmem>>) semaphore(%arg15 : memref<!tpu.dma_semaphore, #tpu.memory_space<semaphore_mem>>)
      %dma_wait3A = arith.constant 0 : i32
      %dma_wait3A_150 = arith.constant 0 : i32
      %dma_wait3A_151 = arith.constant 0 : i32
      %dma_wait3A_152 = tpu.memref_slice %arg12[%dma_wait3A_150, %dma_wait3A_151] : memref<200x128xf32, #tpu.memory_space<vmem>> -> memref<50x128xf32, #tpu.memory_space<vmem>>
      %dma_wait3A_153 = arith.constant 0 : i32
      %dma_wait3A_154 = tpu.memref_slice %arg10[%dma_wait3A, %dma_wait3A_153] : memref<8x50xi32, #tpu.memory_space<vmem>> -> memref<1x50xi32, #tpu.memory_space<vmem>>
      %dma_wait3A_155 = tpu.memref_squeeze %dma_wait3A_154 : memref<1x50xi32, #tpu.memory_space<vmem>> -> memref<50xi32, #tpu.memory_space<vmem>>
      %dma_wait3A_156 = arith.constant 0 : i32
      %dma_wait3A_157 = arith.constant 0 : i32
      %dma_wait3A_158 = tpu.memref_slice %arg4[%dma_wait3A_156, %dma_wait3A_157] : memref<10000x128xf32, #tpu.memory_space<hbm>> -> memref<10000x128xf32, #tpu.memory_space<hbm>>
      tpu.wait_indirect_dma semaphore(%arg15 : memref<!tpu.dma_semaphore, #tpu.memory_space<semaphore_mem>>) src(%dma_wait3A_158 : memref<10000x128xf32, #tpu.memory_space<hbm>>) dst(%dma_wait3A_152 : memref<50x128xf32, #tpu.memory_space<vmem>>)
      %dma_wait3A_159 = arith.constant 0 : i32
      %dma_wait3A_160 = arith.constant 0 : i32
      %dma_wait3A_161 = arith.constant 0 : i32
      %dma_wait3A_162 = tpu.memref_slice %arg13[%dma_wait3A_160, %dma_wait3A_161] : memref<200x128xf32, #tpu.memory_space<vmem>> -> memref<50x128xf32, #tpu.memory_space<vmem>>
      %dma_wait3A_163 = arith.constant 0 : i32
      %dma_wait3A_164 = tpu.memref_slice %arg11[%dma_wait3A_159, %dma_wait3A_163] : memref<8x50xi32, #tpu.memory_space<vmem>> -> memref<1x50xi32, #tpu.memory_space<vmem>>
      %dma_wait3A_165 = tpu.memref_squeeze %dma_wait3A_164 : memref<1x50xi32, #tpu.memory_space<vmem>> -> memref<50xi32, #tpu.memory_space<vmem>>
      %dma_wait3A_166 = arith.constant 0 : i32
      %dma_wait3A_167 = arith.constant 0 : i32
      %dma_wait3A_168 = tpu.memref_slice %arg5[%dma_wait3A_166, %dma_wait3A_167] : memref<10000x128xf32, #tpu.memory_space<hbm>> -> memref<10000x128xf32, #tpu.memory_space<hbm>>
      tpu.wait_indirect_dma semaphore(%arg15 : memref<!tpu.dma_semaphore, #tpu.memory_space<semaphore_mem>>) src(%dma_wait3A_168 : memref<10000x128xf32, #tpu.memory_space<hbm>>) dst(%dma_wait3A_162 : memref<50x128xf32, #tpu.memory_space<vmem>>)
      %dma_wait3A_169 = arith.constant 0 : i32
      %dma_wait3A_170 = arith.constant 0 : i32
      %dma_wait3A_171 = arith.constant 0 : i32
      %dma_wait3A_172 = tpu.memref_slice %arg14[%dma_wait3A_170, %dma_wait3A_171] : memref<200x128xf32, #tpu.memory_space<vmem>> -> memref<50x128xf32, #tpu.memory_space<vmem>>
      %dma_wait3A_173 = arith.constant 0 : i32
      %dma_wait3A_174 = tpu.memref_slice %arg11[%dma_wait3A_169, %dma_wait3A_173] : memref<8x50xi32, #tpu.memory_space<vmem>> -> memref<1x50xi32, #tpu.memory_space<vmem>>
      %dma_wait3A_175 = tpu.memref_squeeze %dma_wait3A_174 : memref<1x50xi32, #tpu.memory_space<vmem>> -> memref<50xi32, #tpu.memory_space<vmem>>
      %dma_wait3A_176 = arith.constant 0 : i32
      %dma_wait3A_177 = arith.constant 0 : i32
      %dma_wait3A_178 = tpu.memref_slice %arg6[%dma_wait3A_176, %dma_wait3A_177] : memref<10000x128xf32, #tpu.memory_space<hbm>> -> memref<10000x128xf32, #tpu.memory_space<hbm>>
      tpu.wait_indirect_dma semaphore(%arg15 : memref<!tpu.dma_semaphore, #tpu.memory_space<semaphore_mem>>) src(%dma_wait3A_178 : memref<10000x128xf32, #tpu.memory_space<hbm>>) dst(%dma_wait3A_172 : memref<50x128xf32, #tpu.memory_space<vmem>>)
      %dma_wait3A_179 = arith.constant 1 : i32
      %dma_wait3A_180 = arith.constant 50 : i32
      %dma_wait3A_181 = arith.constant 0 : i32
      %dma_wait3A_182 = tpu.memref_slice %arg12[%dma_wait3A_180, %dma_wait3A_181] : memref<200x128xf32, #tpu.memory_space<vmem>> -> memref<50x128xf32, #tpu.memory_space<vmem>>
      %dma_wait3A_183 = arith.constant 0 : i32
      %dma_wait3A_184 = tpu.memref_slice %arg10[%dma_wait3A_179, %dma_wait3A_183] : memref<8x50xi32, #tpu.memory_space<vmem>> -> memref<1x50xi32, #tpu.memory_space<vmem>>
      %dma_wait3A_185 = tpu.memref_squeeze %dma_wait3A_184 : memref<1x50xi32, #tpu.memory_space<vmem>> -> memref<50xi32, #tpu.memory_space<vmem>>
      %dma_wait3A_186 = arith.constant 0 : i32
      %dma_wait3A_187 = arith.constant 0 : i32
      %dma_wait3A_188 = tpu.memref_slice %arg4[%dma_wait3A_186, %dma_wait3A_187] : memref<10000x128xf32, #tpu.memory_space<hbm>> -> memref<10000x128xf32, #tpu.memory_space<hbm>>
      tpu.wait_indirect_dma semaphore(%arg15 : memref<!tpu.dma_semaphore, #tpu.memory_space<semaphore_mem>>) src(%dma_wait3A_188 : memref<10000x128xf32, #tpu.memory_space<hbm>>) dst(%dma_wait3A_182 : memref<50x128xf32, #tpu.memory_space<vmem>>)
      %dma_wait3A_189 = arith.constant 1 : i32
      %dma_wait3A_190 = arith.constant 50 : i32
      %dma_wait3A_191 = arith.constant 0 : i32
      %dma_wait3A_192 = tpu.memref_slice %arg13[%dma_wait3A_190, %dma_wait3A_191] : memref<200x128xf32, #tpu.memory_space<vmem>> -> memref<50x128xf32, #tpu.memory_space<vmem>>
      %dma_wait3A_193 = arith.constant 0 : i32
      %dma_wait3A_194 = tpu.memref_slice %arg11[%dma_wait3A_189, %dma_wait3A_193] : memref<8x50xi32, #tpu.memory_space<vmem>> -> memref<1x50xi32, #tpu.memory_space<vmem>>
      %dma_wait3A_195 = tpu.memref_squeeze %dma_wait3A_194 : memref<1x50xi32, #tpu.memory_space<vmem>> -> memref<50xi32, #tpu.memory_space<vmem>>
      %dma_wait3A_196 = arith.constant 0 : i32
      %dma_wait3A_197 = arith.constant 0 : i32
      %dma_wait3A_198 = tpu.memref_slice %arg5[%dma_wait3A_196, %dma_wait3A_197] : memref<10000x128xf32, #tpu.memory_space<hbm>> -> memref<10000x128xf32, #tpu.memory_space<hbm>>
      tpu.wait_indirect_dma semaphore(%arg15 : memref<!tpu.dma_semaphore, #tpu.memory_space<semaphore_mem>>) src(%dma_wait3A_198 : memref<10000x128xf32, #tpu.memory_space<hbm>>) dst(%dma_wait3A_192 : memref<50x128xf32, #tpu.memory_space<vmem>>)
      %dma_wait3A_199 = arith.constant 1 : i32
      %dma_wait3A_200 = arith.constant 50 : i32
      %dma_wait3A_201 = arith.constant 0 : i32
      %dma_wait3A_202 = tpu.memref_slice %arg14[%dma_wait3A_200, %dma_wait3A_201] : memref<200x128xf32, #tpu.memory_space<vmem>> -> memref<50x128xf32, #tpu.memory_space<vmem>>
      %dma_wait3A_203 = arith.constant 0 : i32
      %dma_wait3A_204 = tpu.memref_slice %arg11[%dma_wait3A_199, %dma_wait3A_203] : memref<8x50xi32, #tpu.memory_space<vmem>> -> memref<1x50xi32, #tpu.memory_space<vmem>>
      %dma_wait3A_205 = tpu.memref_squeeze %dma_wait3A_204 : memref<1x50xi32, #tpu.memory_space<vmem>> -> memref<50xi32, #tpu.memory_space<vmem>>
      %dma_wait3A_206 = arith.constant 0 : i32
      %dma_wait3A_207 = arith.constant 0 : i32
      %dma_wait3A_208 = tpu.memref_slice %arg6[%dma_wait3A_206, %dma_wait3A_207] : memref<10000x128xf32, #tpu.memory_space<hbm>> -> memref<10000x128xf32, #tpu.memory_space<hbm>>
      tpu.wait_indirect_dma semaphore(%arg15 : memref<!tpu.dma_semaphore, #tpu.memory_space<semaphore_mem>>) src(%dma_wait3A_208 : memref<10000x128xf32, #tpu.memory_space<hbm>>) dst(%dma_wait3A_202 : memref<50x128xf32, #tpu.memory_space<vmem>>)
      %dma_wait3A_209 = arith.constant 2 : i32
      %dma_wait3A_210 = arith.constant 100 : i32
      %dma_wait3A_211 = arith.constant 0 : i32
      %dma_wait3A_212 = tpu.memref_slice %arg12[%dma_wait3A_210, %dma_wait3A_211] : memref<200x128xf32, #tpu.memory_space<vmem>> -> memref<50x128xf32, #tpu.memory_space<vmem>>
      %dma_wait3A_213 = arith.constant 0 : i32
      %dma_wait3A_214 = tpu.memref_slice %arg10[%dma_wait3A_209, %dma_wait3A_213] : memref<8x50xi32, #tpu.memory_space<vmem>> -> memref<1x50xi32, #tpu.memory_space<vmem>>
      %dma_wait3A_215 = tpu.memref_squeeze %dma_wait3A_214 : memref<1x50xi32, #tpu.memory_space<vmem>> -> memref<50xi32, #tpu.memory_space<vmem>>
      %dma_wait3A_216 = arith.constant 0 : i32
      %dma_wait3A_217 = arith.constant 0 : i32
      %dma_wait3A_218 = tpu.memref_slice %arg4[%dma_wait3A_216, %dma_wait3A_217] : memref<10000x128xf32, #tpu.memory_space<hbm>> -> memref<10000x128xf32, #tpu.memory_space<hbm>>
      tpu.wait_indirect_dma semaphore(%arg15 : memref<!tpu.dma_semaphore, #tpu.memory_space<semaphore_mem>>) src(%dma_wait3A_218 : memref<10000x128xf32, #tpu.memory_space<hbm>>) dst(%dma_wait3A_212 : memref<50x128xf32, #tpu.memory_space<vmem>>)
      %dma_wait3A_219 = arith.constant 2 : i32
      %dma_wait3A_220 = arith.constant 100 : i32
      %dma_wait3A_221 = arith.constant 0 : i32
      %dma_wait3A_222 = tpu.memref_slice %arg13[%dma_wait3A_220, %dma_wait3A_221] : memref<200x128xf32, #tpu.memory_space<vmem>> -> memref<50x128xf32, #tpu.memory_space<vmem>>
      %dma_wait3A_223 = arith.constant 0 : i32
      %dma_wait3A_224 = tpu.memref_slice %arg11[%dma_wait3A_219, %dma_wait3A_223] : memref<8x50xi32, #tpu.memory_space<vmem>> -> memref<1x50xi32, #tpu.memory_space<vmem>>
      %dma_wait3A_225 = tpu.memref_squeeze %dma_wait3A_224 : memref<1x50xi32, #tpu.memory_space<vmem>> -> memref<50xi32, #tpu.memory_space<vmem>>
      %dma_wait3A_226 = arith.constant 0 : i32
      %dma_wait3A_227 = arith.constant 0 : i32
      %dma_wait3A_228 = tpu.memref_slice %arg5[%dma_wait3A_226, %dma_wait3A_227] : memref<10000x128xf32, #tpu.memory_space<hbm>> -> memref<10000x128xf32, #tpu.memory_space<hbm>>
      tpu.wait_indirect_dma semaphore(%arg15 : memref<!tpu.dma_semaphore, #tpu.memory_space<semaphore_mem>>) src(%dma_wait3A_228 : memref<10000x128xf32, #tpu.memory_space<hbm>>) dst(%dma_wait3A_222 : memref<50x128xf32, #tpu.memory_space<vmem>>)
      %dma_wait3A_229 = arith.constant 2 : i32
      %dma_wait3A_230 = arith.constant 100 : i32
      %dma_wait3A_231 = arith.constant 0 : i32
      %dma_wait3A_232 = tpu.memref_slice %arg14[%dma_wait3A_230, %dma_wait3A_231] : memref<200x128xf32, #tpu.memory_space<vmem>> -> memref<50x128xf32, #tpu.memory_space<vmem>>
      %dma_wait3A_233 = arith.constant 0 : i32
      %dma_wait3A_234 = tpu.memref_slice %arg11[%dma_wait3A_229, %dma_wait3A_233] : memref<8x50xi32, #tpu.memory_space<vmem>> -> memref<1x50xi32, #tpu.memory_space<vmem>>
      %dma_wait3A_235 = tpu.memref_squeeze %dma_wait3A_234 : memref<1x50xi32, #tpu.memory_space<vmem>> -> memref<50xi32, #tpu.memory_space<vmem>>
      %dma_wait3A_236 = arith.constant 0 : i32
      %dma_wait3A_237 = arith.constant 0 : i32
      %dma_wait3A_238 = tpu.memref_slice %arg6[%dma_wait3A_236, %dma_wait3A_237] : memref<10000x128xf32, #tpu.memory_space<hbm>> -> memref<10000x128xf32, #tpu.memory_space<hbm>>
      tpu.wait_indirect_dma semaphore(%arg15 : memref<!tpu.dma_semaphore, #tpu.memory_space<semaphore_mem>>) src(%dma_wait3A_238 : memref<10000x128xf32, #tpu.memory_space<hbm>>) dst(%dma_wait3A_232 : memref<50x128xf32, #tpu.memory_space<vmem>>)
      %dma_wait3A_239 = arith.constant 3 : i32
      %dma_wait3A_240 = arith.constant 150 : i32
      %dma_wait3A_241 = arith.constant 0 : i32
      %dma_wait3A_242 = tpu.memref_slice %arg12[%dma_wait3A_240, %dma_wait3A_241] : memref<200x128xf32, #tpu.memory_space<vmem>> -> memref<50x128xf32, #tpu.memory_space<vmem>>
      %dma_wait3A_243 = arith.constant 0 : i32
      %dma_wait3A_244 = tpu.memref_slice %arg10[%dma_wait3A_239, %dma_wait3A_243] : memref<8x50xi32, #tpu.memory_space<vmem>> -> memref<1x50xi32, #tpu.memory_space<vmem>>
      %dma_wait3A_245 = tpu.memref_squeeze %dma_wait3A_244 : memref<1x50xi32, #tpu.memory_space<vmem>> -> memref<50xi32, #tpu.memory_space<vmem>>
      %dma_wait3A_246 = arith.constant 0 : i32
      %dma_wait3A_247 = arith.constant 0 : i32
      %dma_wait3A_248 = tpu.memref_slice %arg4[%dma_wait3A_246, %dma_wait3A_247] : memref<10000x128xf32, #tpu.memory_space<hbm>> -> memref<10000x128xf32, #tpu.memory_space<hbm>>
      tpu.wait_indirect_dma semaphore(%arg15 : memref<!tpu.dma_semaphore, #tpu.memory_space<semaphore_mem>>) src(%dma_wait3A_248 : memref<10000x128xf32, #tpu.memory_space<hbm>>) dst(%dma_wait3A_242 : memref<50x128xf32, #tpu.memory_space<vmem>>)
      %dma_wait3A_249 = arith.constant 3 : i32
      %dma_wait3A_250 = arith.constant 150 : i32
      %dma_wait3A_251 = arith.constant 0 : i32
      %dma_wait3A_252 = tpu.memref_slice %arg13[%dma_wait3A_250, %dma_wait3A_251] : memref<200x128xf32, #tpu.memory_space<vmem>> -> memref<50x128xf32, #tpu.memory_space<vmem>>
      %dma_wait3A_253 = arith.constant 0 : i32
      %dma_wait3A_254 = tpu.memref_slice %arg11[%dma_wait3A_249, %dma_wait3A_253] : memref<8x50xi32, #tpu.memory_space<vmem>> -> memref<1x50xi32, #tpu.memory_space<vmem>>
      %dma_wait3A_255 = tpu.memref_squeeze %dma_wait3A_254 : memref<1x50xi32, #tpu.memory_space<vmem>> -> memref<50xi32, #tpu.memory_space<vmem>>
      %dma_wait3A_256 = arith.constant 0 : i32
      %dma_wait3A_257 = arith.constant 0 : i32
      %dma_wait3A_258 = tpu.memref_slice %arg5[%dma_wait3A_256, %dma_wait3A_257] : memref<10000x128xf32, #tpu.memory_space<hbm>> -> memref<10000x128xf32, #tpu.memory_space<hbm>>
      tpu.wait_indirect_dma semaphore(%arg15 : memref<!tpu.dma_semaphore, #tpu.memory_space<semaphore_mem>>) src(%dma_wait3A_258 : memref<10000x128xf32, #tpu.memory_space<hbm>>) dst(%dma_wait3A_252 : memref<50x128xf32, #tpu.memory_space<vmem>>)
      %dma_wait3A_259 = arith.constant 3 : i32
      %dma_wait3A_260 = arith.constant 150 : i32
      %dma_wait3A_261 = arith.constant 0 : i32
      %dma_wait3A_262 = tpu.memref_slice %arg14[%dma_wait3A_260, %dma_wait3A_261] : memref<200x128xf32, #tpu.memory_space<vmem>> -> memref<50x128xf32, #tpu.memory_space<vmem>>
      %dma_wait3A_263 = arith.constant 0 : i32
      %dma_wait3A_264 = tpu.memref_slice %arg11[%dma_wait3A_259, %dma_wait3A_263] : memref<8x50xi32, #tpu.memory_space<vmem>> -> memref<1x50xi32, #tpu.memory_space<vmem>>
      %dma_wait3A_265 = tpu.memref_squeeze %dma_wait3A_264 : memref<1x50xi32, #tpu.memory_space<vmem>> -> memref<50xi32, #tpu.memory_space<vmem>>
      %dma_wait3A_266 = arith.constant 0 : i32
      %dma_wait3A_267 = arith.constant 0 : i32
      %dma_wait3A_268 = tpu.memref_slice %arg6[%dma_wait3A_266, %dma_wait3A_267] : memref<10000x128xf32, #tpu.memory_space<hbm>> -> memref<10000x128xf32, #tpu.memory_space<hbm>>
      tpu.wait_indirect_dma semaphore(%arg15 : memref<!tpu.dma_semaphore, #tpu.memory_space<semaphore_mem>>) src(%dma_wait3A_268 : memref<10000x128xf32, #tpu.memory_space<hbm>>) dst(%dma_wait3A_262 : memref<50x128xf32, #tpu.memory_space<vmem>>)
      %add3A_269 = arith.constant 0 : i32
      %add3A_270 = arith.addi %multiple_of3A, %add3A_269 : i32
      %multiple_of3A_271 = tpu.assume_multiple %add3A_270, 200 : i32
      "tpu.region"() ({
        %run_scoped3A = tpu.sem_alloc : memref<!tpu.dma_semaphore, #tpu.memory_space<semaphore_mem>>
        %dma_start3A_516 = arith.constant 0 : i32
        %dma_start3A_517 = tpu.memref_slice %arg7[%multiple_of3A_271, %dma_start3A_516] : memref<320000x128xf32, #tpu.memory_space<hbm>> -> memref<200x128xf32, #tpu.memory_space<hbm>>
        %dma_start3A_518 = arith.constant 0 : i32
        %dma_start3A_519 = tpu.memref_slice %arg7[%multiple_of3A_271, %dma_start3A_518] : memref<320000x128xf32, #tpu.memory_space<hbm>> -> memref<200x128xf32, #tpu.memory_space<hbm>>
        tpu.enqueue_dma source(%arg12 : memref<200x128xf32, #tpu.memory_space<vmem>>) target(%dma_start3A_519 : memref<200x128xf32, #tpu.memory_space<hbm>>) target_semaphore(%run_scoped3A : memref<!tpu.dma_semaphore, #tpu.memory_space<semaphore_mem>>)
        %dma_wait3A_520 = arith.constant 0 : i32
        %dma_wait3A_521 = tpu.memref_slice %arg7[%multiple_of3A_271, %dma_wait3A_520] : memref<320000x128xf32, #tpu.memory_space<hbm>> -> memref<200x128xf32, #tpu.memory_space<hbm>>
        %dma_wait3A_522 = arith.constant 0 : i32
        %dma_wait3A_523 = tpu.memref_slice %arg7[%multiple_of3A_271, %dma_wait3A_522] : memref<320000x128xf32, #tpu.memory_space<hbm>> -> memref<200x128xf32, #tpu.memory_space<hbm>>
        tpu.wait_dma2 semaphore(%run_scoped3A : memref<!tpu.dma_semaphore, #tpu.memory_space<semaphore_mem>>) src(%arg12 : memref<200x128xf32, #tpu.memory_space<vmem>>) dst(%dma_wait3A_523 : memref<200x128xf32, #tpu.memory_space<hbm>>)
        tpu.yield
      }) : () -> ()
      "tpu.region"() ({
        %run_scoped3A = tpu.sem_alloc : memref<!tpu.dma_semaphore, #tpu.memory_space<semaphore_mem>>
        %dma_start3A_516 = arith.constant 0 : i32
        %dma_start3A_517 = tpu.memref_slice %arg8[%multiple_of3A_271, %dma_start3A_516] : memref<320000x128xf32, #tpu.memory_space<hbm>> -> memref<200x128xf32, #tpu.memory_space<hbm>>
        %dma_start3A_518 = arith.constant 0 : i32
        %dma_start3A_519 = tpu.memref_slice %arg8[%multiple_of3A_271, %dma_start3A_518] : memref<320000x128xf32, #tpu.memory_space<hbm>> -> memref<200x128xf32, #tpu.memory_space<hbm>>
        tpu.enqueue_dma source(%arg13 : memref<200x128xf32, #tpu.memory_space<vmem>>) target(%dma_start3A_519 : memref<200x128xf32, #tpu.memory_space<hbm>>) target_semaphore(%run_scoped3A : memref<!tpu.dma_semaphore, #tpu.memory_space<semaphore_mem>>)
        %dma_wait3A_520 = arith.constant 0 : i32
        %dma_wait3A_521 = tpu.memref_slice %arg8[%multiple_of3A_271, %dma_wait3A_520] : memref<320000x128xf32, #tpu.memory_space<hbm>> -> memref<200x128xf32, #tpu.memory_space<hbm>>
        %dma_wait3A_522 = arith.constant 0 : i32
        %dma_wait3A_523 = tpu.memref_slice %arg8[%multiple_of3A_271, %dma_wait3A_522] : memref<320000x128xf32, #tpu.memory_space<hbm>> -> memref<200x128xf32, #tpu.memory_space<hbm>>
        tpu.wait_dma2 semaphore(%run_scoped3A : memref<!tpu.dma_semaphore, #tpu.memory_space<semaphore_mem>>) src(%arg13 : memref<200x128xf32, #tpu.memory_space<vmem>>) dst(%dma_wait3A_523 : memref<200x128xf32, #tpu.memory_space<hbm>>)
        tpu.yield
      }) : () -> ()
      "tpu.region"() ({
        %run_scoped3A = tpu.sem_alloc : memref<!tpu.dma_semaphore, #tpu.memory_space<semaphore_mem>>
        %dma_start3A_516 = arith.constant 0 : i32
        %dma_start3A_517 = tpu.memref_slice %arg9[%multiple_of3A_271, %dma_start3A_516] : memref<320000x128xf32, #tpu.memory_space<hbm>> -> memref<200x128xf32, #tpu.memory_space<hbm>>
        %dma_start3A_518 = arith.constant 0 : i32
        %dma_start3A_519 = tpu.memref_slice %arg9[%multiple_of3A_271, %dma_start3A_518] : memref<320000x128xf32, #tpu.memory_space<hbm>> -> memref<200x128xf32, #tpu.memory_space<hbm>>
        tpu.enqueue_dma source(%arg14 : memref<200x128xf32, #tpu.memory_space<vmem>>) target(%dma_start3A_519 : memref<200x128xf32, #tpu.memory_space<hbm>>) target_semaphore(%run_scoped3A : memref<!tpu.dma_semaphore, #tpu.memory_space<semaphore_mem>>)
        %dma_wait3A_520 = arith.constant 0 : i32
        %dma_wait3A_521 = tpu.memref_slice %arg9[%multiple_of3A_271, %dma_wait3A_520] : memref<320000x128xf32, #tpu.memory_space<hbm>> -> memref<200x128xf32, #tpu.memory_space<hbm>>
        %dma_wait3A_522 = arith.constant 0 : i32
        %dma_wait3A_523 = tpu.memref_slice %arg9[%multiple_of3A_271, %dma_wait3A_522] : memref<320000x128xf32, #tpu.memory_space<hbm>> -> memref<200x128xf32, #tpu.memory_space<hbm>>
        tpu.wait_dma2 semaphore(%run_scoped3A : memref<!tpu.dma_semaphore, #tpu.memory_space<semaphore_mem>>) src(%arg14 : memref<200x128xf32, #tpu.memory_space<vmem>>) dst(%dma_wait3A_523 : memref<200x128xf32, #tpu.memory_space<hbm>>)
        tpu.yield
      }) : () -> ()
      %dma_start3A_272 = arith.constant 4 : i32
      %dma_start3A_273 = arith.constant 0 : i32
      %dma_start3A_274 = arith.constant 0 : i32
      %dma_start3A_275 = tpu.memref_slice %arg12[%dma_start3A_273, %dma_start3A_274] : memref<200x128xf32, #tpu.memory_space<vmem>> -> memref<50x128xf32, #tpu.memory_space<vmem>>
      %dma_start3A_276 = arith.constant 0 : i32
      %dma_start3A_277 = tpu.memref_slice %arg10[%dma_start3A_272, %dma_start3A_276] : memref<8x50xi32, #tpu.memory_space<vmem>> -> memref<1x50xi32, #tpu.memory_space<vmem>>
      %dma_start3A_278 = tpu.memref_squeeze %dma_start3A_277 : memref<1x50xi32, #tpu.memory_space<vmem>> -> memref<50xi32, #tpu.memory_space<vmem>>
      %dma_start3A_279 = arith.constant 0 : i32
      %dma_start3A_280 = arith.constant 0 : i32
      %dma_start3A_281 = tpu.memref_slice %arg4[%dma_start3A_279, %dma_start3A_280] : memref<10000x128xf32, #tpu.memory_space<hbm>> -> memref<10000x128xf32, #tpu.memory_space<hbm>>
      tpu.enqueue_indirect_dma source(%dma_start3A_281 : memref<10000x128xf32, #tpu.memory_space<hbm>>) target(%dma_start3A_275 : memref<50x128xf32, #tpu.memory_space<vmem>>) offsets(%dma_start3A_278 : memref<50xi32, #tpu.memory_space<vmem>>) semaphore(%arg15 : memref<!tpu.dma_semaphore, #tpu.memory_space<semaphore_mem>>)
      %dma_start3A_282 = arith.constant 4 : i32
      %dma_start3A_283 = arith.constant 0 : i32
      %dma_start3A_284 = arith.constant 0 : i32
      %dma_start3A_285 = tpu.memref_slice %arg13[%dma_start3A_283, %dma_start3A_284] : memref<200x128xf32, #tpu.memory_space<vmem>> -> memref<50x128xf32, #tpu.memory_space<vmem>>
      %dma_start3A_286 = arith.constant 0 : i32
      %dma_start3A_287 = tpu.memref_slice %arg11[%dma_start3A_282, %dma_start3A_286] : memref<8x50xi32, #tpu.memory_space<vmem>> -> memref<1x50xi32, #tpu.memory_space<vmem>>
      %dma_start3A_288 = tpu.memref_squeeze %dma_start3A_287 : memref<1x50xi32, #tpu.memory_space<vmem>> -> memref<50xi32, #tpu.memory_space<vmem>>
      %dma_start3A_289 = arith.constant 0 : i32
      %dma_start3A_290 = arith.constant 0 : i32
      %dma_start3A_291 = tpu.memref_slice %arg5[%dma_start3A_289, %dma_start3A_290] : memref<10000x128xf32, #tpu.memory_space<hbm>> -> memref<10000x128xf32, #tpu.memory_space<hbm>>
      tpu.enqueue_indirect_dma source(%dma_start3A_291 : memref<10000x128xf32, #tpu.memory_space<hbm>>) target(%dma_start3A_285 : memref<50x128xf32, #tpu.memory_space<vmem>>) offsets(%dma_start3A_288 : memref<50xi32, #tpu.memory_space<vmem>>) semaphore(%arg15 : memref<!tpu.dma_semaphore, #tpu.memory_space<semaphore_mem>>)
      %dma_start3A_292 = arith.constant 4 : i32
      %dma_start3A_293 = arith.constant 0 : i32
      %dma_start3A_294 = arith.constant 0 : i32
      %dma_start3A_295 = tpu.memref_slice %arg14[%dma_start3A_293, %dma_start3A_294] : memref<200x128xf32, #tpu.memory_space<vmem>> -> memref<50x128xf32, #tpu.memory_space<vmem>>
      %dma_start3A_296 = arith.constant 0 : i32
      %dma_start3A_297 = tpu.memref_slice %arg11[%dma_start3A_292, %dma_start3A_296] : memref<8x50xi32, #tpu.memory_space<vmem>> -> memref<1x50xi32, #tpu.memory_space<vmem>>
      %dma_start3A_298 = tpu.memref_squeeze %dma_start3A_297 : memref<1x50xi32, #tpu.memory_space<vmem>> -> memref<50xi32, #tpu.memory_space<vmem>>
      %dma_start3A_299 = arith.constant 0 : i32
      %dma_start3A_300 = arith.constant 0 : i32
      %dma_start3A_301 = tpu.memref_slice %arg6[%dma_start3A_299, %dma_start3A_300] : memref<10000x128xf32, #tpu.memory_space<hbm>> -> memref<10000x128xf32, #tpu.memory_space<hbm>>
      tpu.enqueue_indirect_dma source(%dma_start3A_301 : memref<10000x128xf32, #tpu.memory_space<hbm>>) target(%dma_start3A_295 : memref<50x128xf32, #tpu.memory_space<vmem>>) offsets(%dma_start3A_298 : memref<50xi32, #tpu.memory_space<vmem>>) semaphore(%arg15 : memref<!tpu.dma_semaphore, #tpu.memory_space<semaphore_mem>>)
      %dma_start3A_302 = arith.constant 5 : i32
      %dma_start3A_303 = arith.constant 50 : i32
      %dma_start3A_304 = arith.constant 0 : i32
      %dma_start3A_305 = tpu.memref_slice %arg12[%dma_start3A_303, %dma_start3A_304] : memref<200x128xf32, #tpu.memory_space<vmem>> -> memref<50x128xf32, #tpu.memory_space<vmem>>
      %dma_start3A_306 = arith.constant 0 : i32
      %dma_start3A_307 = tpu.memref_slice %arg10[%dma_start3A_302, %dma_start3A_306] : memref<8x50xi32, #tpu.memory_space<vmem>> -> memref<1x50xi32, #tpu.memory_space<vmem>>
      %dma_start3A_308 = tpu.memref_squeeze %dma_start3A_307 : memref<1x50xi32, #tpu.memory_space<vmem>> -> memref<50xi32, #tpu.memory_space<vmem>>
      %dma_start3A_309 = arith.constant 0 : i32
      %dma_start3A_310 = arith.constant 0 : i32
      %dma_start3A_311 = tpu.memref_slice %arg4[%dma_start3A_309, %dma_start3A_310] : memref<10000x128xf32, #tpu.memory_space<hbm>> -> memref<10000x128xf32, #tpu.memory_space<hbm>>
      tpu.enqueue_indirect_dma source(%dma_start3A_311 : memref<10000x128xf32, #tpu.memory_space<hbm>>) target(%dma_start3A_305 : memref<50x128xf32, #tpu.memory_space<vmem>>) offsets(%dma_start3A_308 : memref<50xi32, #tpu.memory_space<vmem>>) semaphore(%arg15 : memref<!tpu.dma_semaphore, #tpu.memory_space<semaphore_mem>>)
      %dma_start3A_312 = arith.constant 5 : i32
      %dma_start3A_313 = arith.constant 50 : i32
      %dma_start3A_314 = arith.constant 0 : i32
      %dma_start3A_315 = tpu.memref_slice %arg13[%dma_start3A_313, %dma_start3A_314] : memref<200x128xf32, #tpu.memory_space<vmem>> -> memref<50x128xf32, #tpu.memory_space<vmem>>
      %dma_start3A_316 = arith.constant 0 : i32
      %dma_start3A_317 = tpu.memref_slice %arg11[%dma_start3A_312, %dma_start3A_316] : memref<8x50xi32, #tpu.memory_space<vmem>> -> memref<1x50xi32, #tpu.memory_space<vmem>>
      %dma_start3A_318 = tpu.memref_squeeze %dma_start3A_317 : memref<1x50xi32, #tpu.memory_space<vmem>> -> memref<50xi32, #tpu.memory_space<vmem>>
      %dma_start3A_319 = arith.constant 0 : i32
      %dma_start3A_320 = arith.constant 0 : i32
      %dma_start3A_321 = tpu.memref_slice %arg5[%dma_start3A_319, %dma_start3A_320] : memref<10000x128xf32, #tpu.memory_space<hbm>> -> memref<10000x128xf32, #tpu.memory_space<hbm>>
      tpu.enqueue_indirect_dma source(%dma_start3A_321 : memref<10000x128xf32, #tpu.memory_space<hbm>>) target(%dma_start3A_315 : memref<50x128xf32, #tpu.memory_space<vmem>>) offsets(%dma_start3A_318 : memref<50xi32, #tpu.memory_space<vmem>>) semaphore(%arg15 : memref<!tpu.dma_semaphore, #tpu.memory_space<semaphore_mem>>)
      %dma_start3A_322 = arith.constant 5 : i32
      %dma_start3A_323 = arith.constant 50 : i32
      %dma_start3A_324 = arith.constant 0 : i32
      %dma_start3A_325 = tpu.memref_slice %arg14[%dma_start3A_323, %dma_start3A_324] : memref<200x128xf32, #tpu.memory_space<vmem>> -> memref<50x128xf32, #tpu.memory_space<vmem>>
      %dma_start3A_326 = arith.constant 0 : i32
      %dma_start3A_327 = tpu.memref_slice %arg11[%dma_start3A_322, %dma_start3A_326] : memref<8x50xi32, #tpu.memory_space<vmem>> -> memref<1x50xi32, #tpu.memory_space<vmem>>
      %dma_start3A_328 = tpu.memref_squeeze %dma_start3A_327 : memref<1x50xi32, #tpu.memory_space<vmem>> -> memref<50xi32, #tpu.memory_space<vmem>>
      %dma_start3A_329 = arith.constant 0 : i32
      %dma_start3A_330 = arith.constant 0 : i32
      %dma_start3A_331 = tpu.memref_slice %arg6[%dma_start3A_329, %dma_start3A_330] : memref<10000x128xf32, #tpu.memory_space<hbm>> -> memref<10000x128xf32, #tpu.memory_space<hbm>>
      tpu.enqueue_indirect_dma source(%dma_start3A_331 : memref<10000x128xf32, #tpu.memory_space<hbm>>) target(%dma_start3A_325 : memref<50x128xf32, #tpu.memory_space<vmem>>) offsets(%dma_start3A_328 : memref<50xi32, #tpu.memory_space<vmem>>) semaphore(%arg15 : memref<!tpu.dma_semaphore, #tpu.memory_space<semaphore_mem>>)
      %dma_start3A_332 = arith.constant 6 : i32
      %dma_start3A_333 = arith.constant 100 : i32
      %dma_start3A_334 = arith.constant 0 : i32
      %dma_start3A_335 = tpu.memref_slice %arg12[%dma_start3A_333, %dma_start3A_334] : memref<200x128xf32, #tpu.memory_space<vmem>> -> memref<50x128xf32, #tpu.memory_space<vmem>>
      %dma_start3A_336 = arith.constant 0 : i32
      %dma_start3A_337 = tpu.memref_slice %arg10[%dma_start3A_332, %dma_start3A_336] : memref<8x50xi32, #tpu.memory_space<vmem>> -> memref<1x50xi32, #tpu.memory_space<vmem>>
      %dma_start3A_338 = tpu.memref_squeeze %dma_start3A_337 : memref<1x50xi32, #tpu.memory_space<vmem>> -> memref<50xi32, #tpu.memory_space<vmem>>
      %dma_start3A_339 = arith.constant 0 : i32
      %dma_start3A_340 = arith.constant 0 : i32
      %dma_start3A_341 = tpu.memref_slice %arg4[%dma_start3A_339, %dma_start3A_340] : memref<10000x128xf32, #tpu.memory_space<hbm>> -> memref<10000x128xf32, #tpu.memory_space<hbm>>
      tpu.enqueue_indirect_dma source(%dma_start3A_341 : memref<10000x128xf32, #tpu.memory_space<hbm>>) target(%dma_start3A_335 : memref<50x128xf32, #tpu.memory_space<vmem>>) offsets(%dma_start3A_338 : memref<50xi32, #tpu.memory_space<vmem>>) semaphore(%arg15 : memref<!tpu.dma_semaphore, #tpu.memory_space<semaphore_mem>>)
      %dma_start3A_342 = arith.constant 6 : i32
      %dma_start3A_343 = arith.constant 100 : i32
      %dma_start3A_344 = arith.constant 0 : i32
      %dma_start3A_345 = tpu.memref_slice %arg13[%dma_start3A_343, %dma_start3A_344] : memref<200x128xf32, #tpu.memory_space<vmem>> -> memref<50x128xf32, #tpu.memory_space<vmem>>
      %dma_start3A_346 = arith.constant 0 : i32
      %dma_start3A_347 = tpu.memref_slice %arg11[%dma_start3A_342, %dma_start3A_346] : memref<8x50xi32, #tpu.memory_space<vmem>> -> memref<1x50xi32, #tpu.memory_space<vmem>>
      %dma_start3A_348 = tpu.memref_squeeze %dma_start3A_347 : memref<1x50xi32, #tpu.memory_space<vmem>> -> memref<50xi32, #tpu.memory_space<vmem>>
      %dma_start3A_349 = arith.constant 0 : i32
      %dma_start3A_350 = arith.constant 0 : i32
      %dma_start3A_351 = tpu.memref_slice %arg5[%dma_start3A_349, %dma_start3A_350] : memref<10000x128xf32, #tpu.memory_space<hbm>> -> memref<10000x128xf32, #tpu.memory_space<hbm>>
      tpu.enqueue_indirect_dma source(%dma_start3A_351 : memref<10000x128xf32, #tpu.memory_space<hbm>>) target(%dma_start3A_345 : memref<50x128xf32, #tpu.memory_space<vmem>>) offsets(%dma_start3A_348 : memref<50xi32, #tpu.memory_space<vmem>>) semaphore(%arg15 : memref<!tpu.dma_semaphore, #tpu.memory_space<semaphore_mem>>)
      %dma_start3A_352 = arith.constant 6 : i32
      %dma_start3A_353 = arith.constant 100 : i32
      %dma_start3A_354 = arith.constant 0 : i32
      %dma_start3A_355 = tpu.memref_slice %arg14[%dma_start3A_353, %dma_start3A_354] : memref<200x128xf32, #tpu.memory_space<vmem>> -> memref<50x128xf32, #tpu.memory_space<vmem>>
      %dma_start3A_356 = arith.constant 0 : i32
      %dma_start3A_357 = tpu.memref_slice %arg11[%dma_start3A_352, %dma_start3A_356] : memref<8x50xi32, #tpu.memory_space<vmem>> -> memref<1x50xi32, #tpu.memory_space<vmem>>
      %dma_start3A_358 = tpu.memref_squeeze %dma_start3A_357 : memref<1x50xi32, #tpu.memory_space<vmem>> -> memref<50xi32, #tpu.memory_space<vmem>>
      %dma_start3A_359 = arith.constant 0 : i32
      %dma_start3A_360 = arith.constant 0 : i32
      %dma_start3A_361 = tpu.memref_slice %arg6[%dma_start3A_359, %dma_start3A_360] : memref<10000x128xf32, #tpu.memory_space<hbm>> -> memref<10000x128xf32, #tpu.memory_space<hbm>>
      tpu.enqueue_indirect_dma source(%dma_start3A_361 : memref<10000x128xf32, #tpu.memory_space<hbm>>) target(%dma_start3A_355 : memref<50x128xf32, #tpu.memory_space<vmem>>) offsets(%dma_start3A_358 : memref<50xi32, #tpu.memory_space<vmem>>) semaphore(%arg15 : memref<!tpu.dma_semaphore, #tpu.memory_space<semaphore_mem>>)
      %dma_start3A_362 = arith.constant 7 : i32
      %dma_start3A_363 = arith.constant 150 : i32
      %dma_start3A_364 = arith.constant 0 : i32
      %dma_start3A_365 = tpu.memref_slice %arg12[%dma_start3A_363, %dma_start3A_364] : memref<200x128xf32, #tpu.memory_space<vmem>> -> memref<50x128xf32, #tpu.memory_space<vmem>>
      %dma_start3A_366 = arith.constant 0 : i32
      %dma_start3A_367 = tpu.memref_slice %arg10[%dma_start3A_362, %dma_start3A_366] : memref<8x50xi32, #tpu.memory_space<vmem>> -> memref<1x50xi32, #tpu.memory_space<vmem>>
      %dma_start3A_368 = tpu.memref_squeeze %dma_start3A_367 : memref<1x50xi32, #tpu.memory_space<vmem>> -> memref<50xi32, #tpu.memory_space<vmem>>
      %dma_start3A_369 = arith.constant 0 : i32
      %dma_start3A_370 = arith.constant 0 : i32
      %dma_start3A_371 = tpu.memref_slice %arg4[%dma_start3A_369, %dma_start3A_370] : memref<10000x128xf32, #tpu.memory_space<hbm>> -> memref<10000x128xf32, #tpu.memory_space<hbm>>
      tpu.enqueue_indirect_dma source(%dma_start3A_371 : memref<10000x128xf32, #tpu.memory_space<hbm>>) target(%dma_start3A_365 : memref<50x128xf32, #tpu.memory_space<vmem>>) offsets(%dma_start3A_368 : memref<50xi32, #tpu.memory_space<vmem>>) semaphore(%arg15 : memref<!tpu.dma_semaphore, #tpu.memory_space<semaphore_mem>>)
      %dma_start3A_372 = arith.constant 7 : i32
      %dma_start3A_373 = arith.constant 150 : i32
      %dma_start3A_374 = arith.constant 0 : i32
      %dma_start3A_375 = tpu.memref_slice %arg13[%dma_start3A_373, %dma_start3A_374] : memref<200x128xf32, #tpu.memory_space<vmem>> -> memref<50x128xf32, #tpu.memory_space<vmem>>
      %dma_start3A_376 = arith.constant 0 : i32
      %dma_start3A_377 = tpu.memref_slice %arg11[%dma_start3A_372, %dma_start3A_376] : memref<8x50xi32, #tpu.memory_space<vmem>> -> memref<1x50xi32, #tpu.memory_space<vmem>>
      %dma_start3A_378 = tpu.memref_squeeze %dma_start3A_377 : memref<1x50xi32, #tpu.memory_space<vmem>> -> memref<50xi32, #tpu.memory_space<vmem>>
      %dma_start3A_379 = arith.constant 0 : i32
      %dma_start3A_380 = arith.constant 0 : i32
      %dma_start3A_381 = tpu.memref_slice %arg5[%dma_start3A_379, %dma_start3A_380] : memref<10000x128xf32, #tpu.memory_space<hbm>> -> memref<10000x128xf32, #tpu.memory_space<hbm>>
      tpu.enqueue_indirect_dma source(%dma_start3A_381 : memref<10000x128xf32, #tpu.memory_space<hbm>>) target(%dma_start3A_375 : memref<50x128xf32, #tpu.memory_space<vmem>>) offsets(%dma_start3A_378 : memref<50xi32, #tpu.memory_space<vmem>>) semaphore(%arg15 : memref<!tpu.dma_semaphore, #tpu.memory_space<semaphore_mem>>)
      %dma_start3A_382 = arith.constant 7 : i32
      %dma_start3A_383 = arith.constant 150 : i32
      %dma_start3A_384 = arith.constant 0 : i32
      %dma_start3A_385 = tpu.memref_slice %arg14[%dma_start3A_383, %dma_start3A_384] : memref<200x128xf32, #tpu.memory_space<vmem>> -> memref<50x128xf32, #tpu.memory_space<vmem>>
      %dma_start3A_386 = arith.constant 0 : i32
      %dma_start3A_387 = tpu.memref_slice %arg11[%dma_start3A_382, %dma_start3A_386] : memref<8x50xi32, #tpu.memory_space<vmem>> -> memref<1x50xi32, #tpu.memory_space<vmem>>
      %dma_start3A_388 = tpu.memref_squeeze %dma_start3A_387 : memref<1x50xi32, #tpu.memory_space<vmem>> -> memref<50xi32, #tpu.memory_space<vmem>>
      %dma_start3A_389 = arith.constant 0 : i32
      %dma_start3A_390 = arith.constant 0 : i32
      %dma_start3A_391 = tpu.memref_slice %arg6[%dma_start3A_389, %dma_start3A_390] : memref<10000x128xf32, #tpu.memory_space<hbm>> -> memref<10000x128xf32, #tpu.memory_space<hbm>>
      tpu.enqueue_indirect_dma source(%dma_start3A_391 : memref<10000x128xf32, #tpu.memory_space<hbm>>) target(%dma_start3A_385 : memref<50x128xf32, #tpu.memory_space<vmem>>) offsets(%dma_start3A_388 : memref<50xi32, #tpu.memory_space<vmem>>) semaphore(%arg15 : memref<!tpu.dma_semaphore, #tpu.memory_space<semaphore_mem>>)
      %dma_wait3A_392 = arith.constant 4 : i32
      %dma_wait3A_393 = arith.constant 0 : i32
      %dma_wait3A_394 = arith.constant 0 : i32
      %dma_wait3A_395 = tpu.memref_slice %arg12[%dma_wait3A_393, %dma_wait3A_394] : memref<200x128xf32, #tpu.memory_space<vmem>> -> memref<50x128xf32, #tpu.memory_space<vmem>>
      %dma_wait3A_396 = arith.constant 0 : i32
      %dma_wait3A_397 = tpu.memref_slice %arg10[%dma_wait3A_392, %dma_wait3A_396] : memref<8x50xi32, #tpu.memory_space<vmem>> -> memref<1x50xi32, #tpu.memory_space<vmem>>
      %dma_wait3A_398 = tpu.memref_squeeze %dma_wait3A_397 : memref<1x50xi32, #tpu.memory_space<vmem>> -> memref<50xi32, #tpu.memory_space<vmem>>
      %dma_wait3A_399 = arith.constant 0 : i32
      %dma_wait3A_400 = arith.constant 0 : i32
      %dma_wait3A_401 = tpu.memref_slice %arg4[%dma_wait3A_399, %dma_wait3A_400] : memref<10000x128xf32, #tpu.memory_space<hbm>> -> memref<10000x128xf32, #tpu.memory_space<hbm>>
      tpu.wait_indirect_dma semaphore(%arg15 : memref<!tpu.dma_semaphore, #tpu.memory_space<semaphore_mem>>) src(%dma_wait3A_401 : memref<10000x128xf32, #tpu.memory_space<hbm>>) dst(%dma_wait3A_395 : memref<50x128xf32, #tpu.memory_space<vmem>>)
      %dma_wait3A_402 = arith.constant 4 : i32
      %dma_wait3A_403 = arith.constant 0 : i32
      %dma_wait3A_404 = arith.constant 0 : i32
      %dma_wait3A_405 = tpu.memref_slice %arg13[%dma_wait3A_403, %dma_wait3A_404] : memref<200x128xf32, #tpu.memory_space<vmem>> -> memref<50x128xf32, #tpu.memory_space<vmem>>
      %dma_wait3A_406 = arith.constant 0 : i32
      %dma_wait3A_407 = tpu.memref_slice %arg11[%dma_wait3A_402, %dma_wait3A_406] : memref<8x50xi32, #tpu.memory_space<vmem>> -> memref<1x50xi32, #tpu.memory_space<vmem>>
      %dma_wait3A_408 = tpu.memref_squeeze %dma_wait3A_407 : memref<1x50xi32, #tpu.memory_space<vmem>> -> memref<50xi32, #tpu.memory_space<vmem>>
      %dma_wait3A_409 = arith.constant 0 : i32
      %dma_wait3A_410 = arith.constant 0 : i32
      %dma_wait3A_411 = tpu.memref_slice %arg5[%dma_wait3A_409, %dma_wait3A_410] : memref<10000x128xf32, #tpu.memory_space<hbm>> -> memref<10000x128xf32, #tpu.memory_space<hbm>>
      tpu.wait_indirect_dma semaphore(%arg15 : memref<!tpu.dma_semaphore, #tpu.memory_space<semaphore_mem>>) src(%dma_wait3A_411 : memref<10000x128xf32, #tpu.memory_space<hbm>>) dst(%dma_wait3A_405 : memref<50x128xf32, #tpu.memory_space<vmem>>)
      %dma_wait3A_412 = arith.constant 4 : i32
      %dma_wait3A_413 = arith.constant 0 : i32
      %dma_wait3A_414 = arith.constant 0 : i32
      %dma_wait3A_415 = tpu.memref_slice %arg14[%dma_wait3A_413, %dma_wait3A_414] : memref<200x128xf32, #tpu.memory_space<vmem>> -> memref<50x128xf32, #tpu.memory_space<vmem>>
      %dma_wait3A_416 = arith.constant 0 : i32
      %dma_wait3A_417 = tpu.memref_slice %arg11[%dma_wait3A_412, %dma_wait3A_416] : memref<8x50xi32, #tpu.memory_space<vmem>> -> memref<1x50xi32, #tpu.memory_space<vmem>>
      %dma_wait3A_418 = tpu.memref_squeeze %dma_wait3A_417 : memref<1x50xi32, #tpu.memory_space<vmem>> -> memref<50xi32, #tpu.memory_space<vmem>>
      %dma_wait3A_419 = arith.constant 0 : i32
      %dma_wait3A_420 = arith.constant 0 : i32
      %dma_wait3A_421 = tpu.memref_slice %arg6[%dma_wait3A_419, %dma_wait3A_420] : memref<10000x128xf32, #tpu.memory_space<hbm>> -> memref<10000x128xf32, #tpu.memory_space<hbm>>
      tpu.wait_indirect_dma semaphore(%arg15 : memref<!tpu.dma_semaphore, #tpu.memory_space<semaphore_mem>>) src(%dma_wait3A_421 : memref<10000x128xf32, #tpu.memory_space<hbm>>) dst(%dma_wait3A_415 : memref<50x128xf32, #tpu.memory_space<vmem>>)
      %dma_wait3A_422 = arith.constant 5 : i32
      %dma_wait3A_423 = arith.constant 50 : i32
      %dma_wait3A_424 = arith.constant 0 : i32
      %dma_wait3A_425 = tpu.memref_slice %arg12[%dma_wait3A_423, %dma_wait3A_424] : memref<200x128xf32, #tpu.memory_space<vmem>> -> memref<50x128xf32, #tpu.memory_space<vmem>>
      %dma_wait3A_426 = arith.constant 0 : i32
      %dma_wait3A_427 = tpu.memref_slice %arg10[%dma_wait3A_422, %dma_wait3A_426] : memref<8x50xi32, #tpu.memory_space<vmem>> -> memref<1x50xi32, #tpu.memory_space<vmem>>
      %dma_wait3A_428 = tpu.memref_squeeze %dma_wait3A_427 : memref<1x50xi32, #tpu.memory_space<vmem>> -> memref<50xi32, #tpu.memory_space<vmem>>
      %dma_wait3A_429 = arith.constant 0 : i32
      %dma_wait3A_430 = arith.constant 0 : i32
      %dma_wait3A_431 = tpu.memref_slice %arg4[%dma_wait3A_429, %dma_wait3A_430] : memref<10000x128xf32, #tpu.memory_space<hbm>> -> memref<10000x128xf32, #tpu.memory_space<hbm>>
      tpu.wait_indirect_dma semaphore(%arg15 : memref<!tpu.dma_semaphore, #tpu.memory_space<semaphore_mem>>) src(%dma_wait3A_431 : memref<10000x128xf32, #tpu.memory_space<hbm>>) dst(%dma_wait3A_425 : memref<50x128xf32, #tpu.memory_space<vmem>>)
      %dma_wait3A_432 = arith.constant 5 : i32
      %dma_wait3A_433 = arith.constant 50 : i32
      %dma_wait3A_434 = arith.constant 0 : i32
      %dma_wait3A_435 = tpu.memref_slice %arg13[%dma_wait3A_433, %dma_wait3A_434] : memref<200x128xf32, #tpu.memory_space<vmem>> -> memref<50x128xf32, #tpu.memory_space<vmem>>
      %dma_wait3A_436 = arith.constant 0 : i32
      %dma_wait3A_437 = tpu.memref_slice %arg11[%dma_wait3A_432, %dma_wait3A_436] : memref<8x50xi32, #tpu.memory_space<vmem>> -> memref<1x50xi32, #tpu.memory_space<vmem>>
      %dma_wait3A_438 = tpu.memref_squeeze %dma_wait3A_437 : memref<1x50xi32, #tpu.memory_space<vmem>> -> memref<50xi32, #tpu.memory_space<vmem>>
      %dma_wait3A_439 = arith.constant 0 : i32
      %dma_wait3A_440 = arith.constant 0 : i32
      %dma_wait3A_441 = tpu.memref_slice %arg5[%dma_wait3A_439, %dma_wait3A_440] : memref<10000x128xf32, #tpu.memory_space<hbm>> -> memref<10000x128xf32, #tpu.memory_space<hbm>>
      tpu.wait_indirect_dma semaphore(%arg15 : memref<!tpu.dma_semaphore, #tpu.memory_space<semaphore_mem>>) src(%dma_wait3A_441 : memref<10000x128xf32, #tpu.memory_space<hbm>>) dst(%dma_wait3A_435 : memref<50x128xf32, #tpu.memory_space<vmem>>)
      %dma_wait3A_442 = arith.constant 5 : i32
      %dma_wait3A_443 = arith.constant 50 : i32
      %dma_wait3A_444 = arith.constant 0 : i32
      %dma_wait3A_445 = tpu.memref_slice %arg14[%dma_wait3A_443, %dma_wait3A_444] : memref<200x128xf32, #tpu.memory_space<vmem>> -> memref<50x128xf32, #tpu.memory_space<vmem>>
      %dma_wait3A_446 = arith.constant 0 : i32
      %dma_wait3A_447 = tpu.memref_slice %arg11[%dma_wait3A_442, %dma_wait3A_446] : memref<8x50xi32, #tpu.memory_space<vmem>> -> memref<1x50xi32, #tpu.memory_space<vmem>>
      %dma_wait3A_448 = tpu.memref_squeeze %dma_wait3A_447 : memref<1x50xi32, #tpu.memory_space<vmem>> -> memref<50xi32, #tpu.memory_space<vmem>>
      %dma_wait3A_449 = arith.constant 0 : i32
      %dma_wait3A_450 = arith.constant 0 : i32
      %dma_wait3A_451 = tpu.memref_slice %arg6[%dma_wait3A_449, %dma_wait3A_450] : memref<10000x128xf32, #tpu.memory_space<hbm>> -> memref<10000x128xf32, #tpu.memory_space<hbm>>
      tpu.wait_indirect_dma semaphore(%arg15 : memref<!tpu.dma_semaphore, #tpu.memory_space<semaphore_mem>>) src(%dma_wait3A_451 : memref<10000x128xf32, #tpu.memory_space<hbm>>) dst(%dma_wait3A_445 : memref<50x128xf32, #tpu.memory_space<vmem>>)
      %dma_wait3A_452 = arith.constant 6 : i32
      %dma_wait3A_453 = arith.constant 100 : i32
      %dma_wait3A_454 = arith.constant 0 : i32
      %dma_wait3A_455 = tpu.memref_slice %arg12[%dma_wait3A_453, %dma_wait3A_454] : memref<200x128xf32, #tpu.memory_space<vmem>> -> memref<50x128xf32, #tpu.memory_space<vmem>>
      %dma_wait3A_456 = arith.constant 0 : i32
      %dma_wait3A_457 = tpu.memref_slice %arg10[%dma_wait3A_452, %dma_wait3A_456] : memref<8x50xi32, #tpu.memory_space<vmem>> -> memref<1x50xi32, #tpu.memory_space<vmem>>
      %dma_wait3A_458 = tpu.memref_squeeze %dma_wait3A_457 : memref<1x50xi32, #tpu.memory_space<vmem>> -> memref<50xi32, #tpu.memory_space<vmem>>
      %dma_wait3A_459 = arith.constant 0 : i32
      %dma_wait3A_460 = arith.constant 0 : i32
      %dma_wait3A_461 = tpu.memref_slice %arg4[%dma_wait3A_459, %dma_wait3A_460] : memref<10000x128xf32, #tpu.memory_space<hbm>> -> memref<10000x128xf32, #tpu.memory_space<hbm>>
      tpu.wait_indirect_dma semaphore(%arg15 : memref<!tpu.dma_semaphore, #tpu.memory_space<semaphore_mem>>) src(%dma_wait3A_461 : memref<10000x128xf32, #tpu.memory_space<hbm>>) dst(%dma_wait3A_455 : memref<50x128xf32, #tpu.memory_space<vmem>>)
      %dma_wait3A_462 = arith.constant 6 : i32
      %dma_wait3A_463 = arith.constant 100 : i32
      %dma_wait3A_464 = arith.constant 0 : i32
      %dma_wait3A_465 = tpu.memref_slice %arg13[%dma_wait3A_463, %dma_wait3A_464] : memref<200x128xf32, #tpu.memory_space<vmem>> -> memref<50x128xf32, #tpu.memory_space<vmem>>
      %dma_wait3A_466 = arith.constant 0 : i32
      %dma_wait3A_467 = tpu.memref_slice %arg11[%dma_wait3A_462, %dma_wait3A_466] : memref<8x50xi32, #tpu.memory_space<vmem>> -> memref<1x50xi32, #tpu.memory_space<vmem>>
      %dma_wait3A_468 = tpu.memref_squeeze %dma_wait3A_467 : memref<1x50xi32, #tpu.memory_space<vmem>> -> memref<50xi32, #tpu.memory_space<vmem>>
      %dma_wait3A_469 = arith.constant 0 : i32
      %dma_wait3A_470 = arith.constant 0 : i32
      %dma_wait3A_471 = tpu.memref_slice %arg5[%dma_wait3A_469, %dma_wait3A_470] : memref<10000x128xf32, #tpu.memory_space<hbm>> -> memref<10000x128xf32, #tpu.memory_space<hbm>>
      tpu.wait_indirect_dma semaphore(%arg15 : memref<!tpu.dma_semaphore, #tpu.memory_space<semaphore_mem>>) src(%dma_wait3A_471 : memref<10000x128xf32, #tpu.memory_space<hbm>>) dst(%dma_wait3A_465 : memref<50x128xf32, #tpu.memory_space<vmem>>)
      %dma_wait3A_472 = arith.constant 6 : i32
      %dma_wait3A_473 = arith.constant 100 : i32
      %dma_wait3A_474 = arith.constant 0 : i32
      %dma_wait3A_475 = tpu.memref_slice %arg14[%dma_wait3A_473, %dma_wait3A_474] : memref<200x128xf32, #tpu.memory_space<vmem>> -> memref<50x128xf32, #tpu.memory_space<vmem>>
      %dma_wait3A_476 = arith.constant 0 : i32
      %dma_wait3A_477 = tpu.memref_slice %arg11[%dma_wait3A_472, %dma_wait3A_476] : memref<8x50xi32, #tpu.memory_space<vmem>> -> memref<1x50xi32, #tpu.memory_space<vmem>>
      %dma_wait3A_478 = tpu.memref_squeeze %dma_wait3A_477 : memref<1x50xi32, #tpu.memory_space<vmem>> -> memref<50xi32, #tpu.memory_space<vmem>>
      %dma_wait3A_479 = arith.constant 0 : i32
      %dma_wait3A_480 = arith.constant 0 : i32
      %dma_wait3A_481 = tpu.memref_slice %arg6[%dma_wait3A_479, %dma_wait3A_480] : memref<10000x128xf32, #tpu.memory_space<hbm>> -> memref<10000x128xf32, #tpu.memory_space<hbm>>
      tpu.wait_indirect_dma semaphore(%arg15 : memref<!tpu.dma_semaphore, #tpu.memory_space<semaphore_mem>>) src(%dma_wait3A_481 : memref<10000x128xf32, #tpu.memory_space<hbm>>) dst(%dma_wait3A_475 : memref<50x128xf32, #tpu.memory_space<vmem>>)
      %dma_wait3A_482 = arith.constant 7 : i32
      %dma_wait3A_483 = arith.constant 150 : i32
      %dma_wait3A_484 = arith.constant 0 : i32
      %dma_wait3A_485 = tpu.memref_slice %arg12[%dma_wait3A_483, %dma_wait3A_484] : memref<200x128xf32, #tpu.memory_space<vmem>> -> memref<50x128xf32, #tpu.memory_space<vmem>>
      %dma_wait3A_486 = arith.constant 0 : i32
      %dma_wait3A_487 = tpu.memref_slice %arg10[%dma_wait3A_482, %dma_wait3A_486] : memref<8x50xi32, #tpu.memory_space<vmem>> -> memref<1x50xi32, #tpu.memory_space<vmem>>
      %dma_wait3A_488 = tpu.memref_squeeze %dma_wait3A_487 : memref<1x50xi32, #tpu.memory_space<vmem>> -> memref<50xi32, #tpu.memory_space<vmem>>
      %dma_wait3A_489 = arith.constant 0 : i32
      %dma_wait3A_490 = arith.constant 0 : i32
      %dma_wait3A_491 = tpu.memref_slice %arg4[%dma_wait3A_489, %dma_wait3A_490] : memref<10000x128xf32, #tpu.memory_space<hbm>> -> memref<10000x128xf32, #tpu.memory_space<hbm>>
      tpu.wait_indirect_dma semaphore(%arg15 : memref<!tpu.dma_semaphore, #tpu.memory_space<semaphore_mem>>) src(%dma_wait3A_491 : memref<10000x128xf32, #tpu.memory_space<hbm>>) dst(%dma_wait3A_485 : memref<50x128xf32, #tpu.memory_space<vmem>>)
      %dma_wait3A_492 = arith.constant 7 : i32
      %dma_wait3A_493 = arith.constant 150 : i32
      %dma_wait3A_494 = arith.constant 0 : i32
      %dma_wait3A_495 = tpu.memref_slice %arg13[%dma_wait3A_493, %dma_wait3A_494] : memref<200x128xf32, #tpu.memory_space<vmem>> -> memref<50x128xf32, #tpu.memory_space<vmem>>
      %dma_wait3A_496 = arith.constant 0 : i32
      %dma_wait3A_497 = tpu.memref_slice %arg11[%dma_wait3A_492, %dma_wait3A_496] : memref<8x50xi32, #tpu.memory_space<vmem>> -> memref<1x50xi32, #tpu.memory_space<vmem>>
      %dma_wait3A_498 = tpu.memref_squeeze %dma_wait3A_497 : memref<1x50xi32, #tpu.memory_space<vmem>> -> memref<50xi32, #tpu.memory_space<vmem>>
      %dma_wait3A_499 = arith.constant 0 : i32
      %dma_wait3A_500 = arith.constant 0 : i32
      %dma_wait3A_501 = tpu.memref_slice %arg5[%dma_wait3A_499, %dma_wait3A_500] : memref<10000x128xf32, #tpu.memory_space<hbm>> -> memref<10000x128xf32, #tpu.memory_space<hbm>>
      tpu.wait_indirect_dma semaphore(%arg15 : memref<!tpu.dma_semaphore, #tpu.memory_space<semaphore_mem>>) src(%dma_wait3A_501 : memref<10000x128xf32, #tpu.memory_space<hbm>>) dst(%dma_wait3A_495 : memref<50x128xf32, #tpu.memory_space<vmem>>)
      %dma_wait3A_502 = arith.constant 7 : i32
      %dma_wait3A_503 = arith.constant 150 : i32
      %dma_wait3A_504 = arith.constant 0 : i32
      %dma_wait3A_505 = tpu.memref_slice %arg14[%dma_wait3A_503, %dma_wait3A_504] : memref<200x128xf32, #tpu.memory_space<vmem>> -> memref<50x128xf32, #tpu.memory_space<vmem>>
      %dma_wait3A_506 = arith.constant 0 : i32
      %dma_wait3A_507 = tpu.memref_slice %arg11[%dma_wait3A_502, %dma_wait3A_506] : memref<8x50xi32, #tpu.memory_space<vmem>> -> memref<1x50xi32, #tpu.memory_space<vmem>>
      %dma_wait3A_508 = tpu.memref_squeeze %dma_wait3A_507 : memref<1x50xi32, #tpu.memory_space<vmem>> -> memref<50xi32, #tpu.memory_space<vmem>>
      %dma_wait3A_509 = arith.constant 0 : i32
      %dma_wait3A_510 = arith.constant 0 : i32
      %dma_wait3A_511 = tpu.memref_slice %arg6[%dma_wait3A_509, %dma_wait3A_510] : memref<10000x128xf32, #tpu.memory_space<hbm>> -> memref<10000x128xf32, #tpu.memory_space<hbm>>
      tpu.wait_indirect_dma semaphore(%arg15 : memref<!tpu.dma_semaphore, #tpu.memory_space<semaphore_mem>>) src(%dma_wait3A_511 : memref<10000x128xf32, #tpu.memory_space<hbm>>) dst(%dma_wait3A_505 : memref<50x128xf32, #tpu.memory_space<vmem>>)
      %add3A_512 = arith.constant 200 : i32
      %add3A_513 = arith.addi %multiple_of3A, %add3A_512 : i32
      %multiple_of3A_514 = tpu.assume_multiple %add3A_513, 200 : i32
      "tpu.region"() ({
        %run_scoped3A = tpu.sem_alloc : memref<!tpu.dma_semaphore, #tpu.memory_space<semaphore_mem>>
        %dma_start3A_516 = arith.constant 0 : i32
        %dma_start3A_517 = tpu.memref_slice %arg7[%multiple_of3A_514, %dma_start3A_516] : memref<320000x128xf32, #tpu.memory_space<hbm>> -> memref<200x128xf32, #tpu.memory_space<hbm>>
        %dma_start3A_518 = arith.constant 0 : i32
        %dma_start3A_519 = tpu.memref_slice %arg7[%multiple_of3A_514, %dma_start3A_518] : memref<320000x128xf32, #tpu.memory_space<hbm>> -> memref<200x128xf32, #tpu.memory_space<hbm>>
        tpu.enqueue_dma source(%arg12 : memref<200x128xf32, #tpu.memory_space<vmem>>) target(%dma_start3A_519 : memref<200x128xf32, #tpu.memory_space<hbm>>) target_semaphore(%run_scoped3A : memref<!tpu.dma_semaphore, #tpu.memory_space<semaphore_mem>>)
        %dma_wait3A_520 = arith.constant 0 : i32
        %dma_wait3A_521 = tpu.memref_slice %arg7[%multiple_of3A_514, %dma_wait3A_520] : memref<320000x128xf32, #tpu.memory_space<hbm>> -> memref<200x128xf32, #tpu.memory_space<hbm>>
        %dma_wait3A_522 = arith.constant 0 : i32
        %dma_wait3A_523 = tpu.memref_slice %arg7[%multiple_of3A_514, %dma_wait3A_522] : memref<320000x128xf32, #tpu.memory_space<hbm>> -> memref<200x128xf32, #tpu.memory_space<hbm>>
        tpu.wait_dma2 semaphore(%run_scoped3A : memref<!tpu.dma_semaphore, #tpu.memory_space<semaphore_mem>>) src(%arg12 : memref<200x128xf32, #tpu.memory_space<vmem>>) dst(%dma_wait3A_523 : memref<200x128xf32, #tpu.memory_space<hbm>>)
        tpu.yield
      }) : () -> ()
      "tpu.region"() ({
        %run_scoped3A = tpu.sem_alloc : memref<!tpu.dma_semaphore, #tpu.memory_space<semaphore_mem>>
        %dma_start3A_516 = arith.constant 0 : i32
        %dma_start3A_517 = tpu.memref_slice %arg8[%multiple_of3A_514, %dma_start3A_516] : memref<320000x128xf32, #tpu.memory_space<hbm>> -> memref<200x128xf32, #tpu.memory_space<hbm>>
        %dma_start3A_518 = arith.constant 0 : i32
        %dma_start3A_519 = tpu.memref_slice %arg8[%multiple_of3A_514, %dma_start3A_518] : memref<320000x128xf32, #tpu.memory_space<hbm>> -> memref<200x128xf32, #tpu.memory_space<hbm>>
        tpu.enqueue_dma source(%arg13 : memref<200x128xf32, #tpu.memory_space<vmem>>) target(%dma_start3A_519 : memref<200x128xf32, #tpu.memory_space<hbm>>) target_semaphore(%run_scoped3A : memref<!tpu.dma_semaphore, #tpu.memory_space<semaphore_mem>>)
        %dma_wait3A_520 = arith.constant 0 : i32
        %dma_wait3A_521 = tpu.memref_slice %arg8[%multiple_of3A_514, %dma_wait3A_520] : memref<320000x128xf32, #tpu.memory_space<hbm>> -> memref<200x128xf32, #tpu.memory_space<hbm>>
        %dma_wait3A_522 = arith.constant 0 : i32
        %dma_wait3A_523 = tpu.memref_slice %arg8[%multiple_of3A_514, %dma_wait3A_522] : memref<320000x128xf32, #tpu.memory_space<hbm>> -> memref<200x128xf32, #tpu.memory_space<hbm>>
        tpu.wait_dma2 semaphore(%run_scoped3A : memref<!tpu.dma_semaphore, #tpu.memory_space<semaphore_mem>>) src(%arg13 : memref<200x128xf32, #tpu.memory_space<vmem>>) dst(%dma_wait3A_523 : memref<200x128xf32, #tpu.memory_space<hbm>>)
        tpu.yield
      }) : () -> ()
      "tpu.region"() ({
        %run_scoped3A = tpu.sem_alloc : memref<!tpu.dma_semaphore, #tpu.memory_space<semaphore_mem>>
        %dma_start3A_516 = arith.constant 0 : i32
        %dma_start3A_517 = tpu.memref_slice %arg9[%multiple_of3A_514, %dma_start3A_516] : memref<320000x128xf32, #tpu.memory_space<hbm>> -> memref<200x128xf32, #tpu.memory_space<hbm>>
        %dma_start3A_518 = arith.constant 0 : i32
        %dma_start3A_519 = tpu.memref_slice %arg9[%multiple_of3A_514, %dma_start3A_518] : memref<320000x128xf32, #tpu.memory_space<hbm>> -> memref<200x128xf32, #tpu.memory_space<hbm>>
        tpu.enqueue_dma source(%arg14 : memref<200x128xf32, #tpu.memory_space<vmem>>) target(%dma_start3A_519 : memref<200x128xf32, #tpu.memory_space<hbm>>) target_semaphore(%run_scoped3A : memref<!tpu.dma_semaphore, #tpu.memory_space<semaphore_mem>>)
        %dma_wait3A_520 = arith.constant 0 : i32
        %dma_wait3A_521 = tpu.memref_slice %arg9[%multiple_of3A_514, %dma_wait3A_520] : memref<320000x128xf32, #tpu.memory_space<hbm>> -> memref<200x128xf32, #tpu.memory_space<hbm>>
        %dma_wait3A_522 = arith.constant 0 : i32
        %dma_wait3A_523 = tpu.memref_slice %arg9[%multiple_of3A_514, %dma_wait3A_522] : memref<320000x128xf32, #tpu.memory_space<hbm>> -> memref<200x128xf32, #tpu.memory_space<hbm>>
        tpu.wait_dma2 semaphore(%run_scoped3A : memref<!tpu.dma_semaphore, #tpu.memory_space<semaphore_mem>>) src(%arg14 : memref<200x128xf32, #tpu.memory_space<vmem>>) dst(%dma_wait3A_523 : memref<200x128xf32, #tpu.memory_space<hbm>>)
        tpu.yield
      }) : () -> ()
      %scan3A_515 = arith.constant 0 : i32
      scf.yield %scan3A_515 : i32
    }
    %scan3A_8 = arith.constant 25 : i32
    return
  }
}

#map = affine_map<(d0, d1) -> (0, 0)>
#map1 = affine_map<(d0, d1) -> (0, 0, 0)>
module attributes {stable_mosaic.version = 14 : i64} {
  func.func @_sc_aggregate(%arg0: i32, %arg1: i32, %arg2: memref<6400x50xi32, #tpu.memory_space<hbm>>, %arg3: memref<320000x128xf32, #tpu.memory_space<hbm>>, %arg4: memref<2x10240x128xf32, #tpu.memory_space<hbm>>, %arg5: memref<8x50xi32, #tpu.memory_space<vmem>>, %arg6: memref<200x128xf32, #tpu.memory_space<vmem>>, %arg7: memref<10240x128xf32, #tpu.memory_space<vmem_shared>>, %arg8: memref<!tpu.dma_semaphore, #tpu.memory_space<semaphore_mem>>) attributes {dimension_semantics = [#tpu.dimension_semantics<core_parallel>, #tpu.dimension_semantics<subcore_parallel>], iteration_bounds = array<i64: 2, 16>, scalar_prefetch = 0 : i64, scratch_operands = 4 : i64, tpu.core_type = #tpu.core_type<sc_vector_subcore>, window_params = [{transform_indices = #map}, {transform_indices = #map}, {transform_indices = #map1}]} {
    %mul3A = arith.constant 2 : i32
    %mul3A_0 = arith.muli %arg1, %mul3A : i32
    %add3A = arith.addi %mul3A_0, %arg0 : i32
    %mul3A_1 = arith.constant 10000 : i32
    %mul3A_2 = arith.muli %add3A, %mul3A_1 : i32
    %scan3A = arith.constant 0 : i32
    %scan3A_3 = arith.constant 0 : i32
    %scan3A_4 = arith.constant 200 : i32
    %scan3A_5 = arith.addi %scan3A_3, %scan3A_4 : i32
    %scan3A_6 = arith.constant 1 : i32
    %scan3A_7 = scf.for %scan3A_28 = %scan3A_3 to %scan3A_5 step %scan3A_6 iter_args(%scan3A_29 = %scan3A) -> (i32)  : i32 {
      %broadcast_in_dim3A = arith.constant 0.000000e+00 : f32
      %broadcast_in_dim3A_30 = vector.broadcast %broadcast_in_dim3A : f32 to vector<16xf32>
      %swap3A = arith.index_cast %scan3A_28 : i32 to index
      %swap3A_31 = arith.constant 0 : index
      %swap3A_32 = tpu.vector_load %arg6[%swap3A, %swap3A_31] {strides = array<i32>} : memref<200x128xf32, #tpu.memory_space<vmem>>, vector<1x16xf32>,
      %swap3A_33 = vector.shape_cast %swap3A_32 : vector<1x16xf32> to vector<16xf32>
      %swap3A_34 = vector.shape_cast %broadcast_in_dim3A_30 : vector<16xf32> to vector<1x16xf32>
      tpu.vector_store %arg6[%swap3A, %swap3A_31], %swap3A_34 {strides = array<i32>} : memref<200x128xf32, #tpu.memory_space<vmem>>, vector<1x16xf32>,
      %broadcast_in_dim3A_35 = arith.constant 0.000000e+00 : f32
      %broadcast_in_dim3A_36 = vector.broadcast %broadcast_in_dim3A_35 : f32 to vector<16xf32>
      %swap3A_37 = arith.index_cast %scan3A_28 : i32 to index
      %swap3A_38 = arith.constant 16 : index
      %swap3A_39 = tpu.vector_load %arg6[%swap3A_37, %swap3A_38] {strides = array<i32>} : memref<200x128xf32, #tpu.memory_space<vmem>>, vector<1x16xf32>,
      %swap3A_40 = vector.shape_cast %swap3A_39 : vector<1x16xf32> to vector<16xf32>
      %swap3A_41 = vector.shape_cast %broadcast_in_dim3A_36 : vector<16xf32> to vector<1x16xf32>
      tpu.vector_store %arg6[%swap3A_37, %swap3A_38], %swap3A_41 {strides = array<i32>} : memref<200x128xf32, #tpu.memory_space<vmem>>, vector<1x16xf32>,
      %broadcast_in_dim3A_42 = arith.constant 0.000000e+00 : f32
      %broadcast_in_dim3A_43 = vector.broadcast %broadcast_in_dim3A_42 : f32 to vector<16xf32>
      %swap3A_44 = arith.index_cast %scan3A_28 : i32 to index
      %swap3A_45 = arith.constant 32 : index
      %swap3A_46 = tpu.vector_load %arg6[%swap3A_44, %swap3A_45] {strides = array<i32>} : memref<200x128xf32, #tpu.memory_space<vmem>>, vector<1x16xf32>,
      %swap3A_47 = vector.shape_cast %swap3A_46 : vector<1x16xf32> to vector<16xf32>
      %swap3A_48 = vector.shape_cast %broadcast_in_dim3A_43 : vector<16xf32> to vector<1x16xf32>
      tpu.vector_store %arg6[%swap3A_44, %swap3A_45], %swap3A_48 {strides = array<i32>} : memref<200x128xf32, #tpu.memory_space<vmem>>, vector<1x16xf32>,
      %broadcast_in_dim3A_49 = arith.constant 0.000000e+00 : f32
      %broadcast_in_dim3A_50 = vector.broadcast %broadcast_in_dim3A_49 : f32 to vector<16xf32>
      %swap3A_51 = arith.index_cast %scan3A_28 : i32 to index
      %swap3A_52 = arith.constant 48 : index
      %swap3A_53 = tpu.vector_load %arg6[%swap3A_51, %swap3A_52] {strides = array<i32>} : memref<200x128xf32, #tpu.memory_space<vmem>>, vector<1x16xf32>,
      %swap3A_54 = vector.shape_cast %swap3A_53 : vector<1x16xf32> to vector<16xf32>
      %swap3A_55 = vector.shape_cast %broadcast_in_dim3A_50 : vector<16xf32> to vector<1x16xf32>
      tpu.vector_store %arg6[%swap3A_51, %swap3A_52], %swap3A_55 {strides = array<i32>} : memref<200x128xf32, #tpu.memory_space<vmem>>, vector<1x16xf32>,
      %broadcast_in_dim3A_56 = arith.constant 0.000000e+00 : f32
      %broadcast_in_dim3A_57 = vector.broadcast %broadcast_in_dim3A_56 : f32 to vector<16xf32>
      %swap3A_58 = arith.index_cast %scan3A_28 : i32 to index
      %swap3A_59 = arith.constant 64 : index
      %swap3A_60 = tpu.vector_load %arg6[%swap3A_58, %swap3A_59] {strides = array<i32>} : memref<200x128xf32, #tpu.memory_space<vmem>>, vector<1x16xf32>,
      %swap3A_61 = vector.shape_cast %swap3A_60 : vector<1x16xf32> to vector<16xf32>
      %swap3A_62 = vector.shape_cast %broadcast_in_dim3A_57 : vector<16xf32> to vector<1x16xf32>
      tpu.vector_store %arg6[%swap3A_58, %swap3A_59], %swap3A_62 {strides = array<i32>} : memref<200x128xf32, #tpu.memory_space<vmem>>, vector<1x16xf32>,
      %broadcast_in_dim3A_63 = arith.constant 0.000000e+00 : f32
      %broadcast_in_dim3A_64 = vector.broadcast %broadcast_in_dim3A_63 : f32 to vector<16xf32>
      %swap3A_65 = arith.index_cast %scan3A_28 : i32 to index
      %swap3A_66 = arith.constant 80 : index
      %swap3A_67 = tpu.vector_load %arg6[%swap3A_65, %swap3A_66] {strides = array<i32>} : memref<200x128xf32, #tpu.memory_space<vmem>>, vector<1x16xf32>,
      %swap3A_68 = vector.shape_cast %swap3A_67 : vector<1x16xf32> to vector<16xf32>
      %swap3A_69 = vector.shape_cast %broadcast_in_dim3A_64 : vector<16xf32> to vector<1x16xf32>
      tpu.vector_store %arg6[%swap3A_65, %swap3A_66], %swap3A_69 {strides = array<i32>} : memref<200x128xf32, #tpu.memory_space<vmem>>, vector<1x16xf32>,
      %broadcast_in_dim3A_70 = arith.constant 0.000000e+00 : f32
      %broadcast_in_dim3A_71 = vector.broadcast %broadcast_in_dim3A_70 : f32 to vector<16xf32>
      %swap3A_72 = arith.index_cast %scan3A_28 : i32 to index
      %swap3A_73 = arith.constant 96 : index
      %swap3A_74 = tpu.vector_load %arg6[%swap3A_72, %swap3A_73] {strides = array<i32>} : memref<200x128xf32, #tpu.memory_space<vmem>>, vector<1x16xf32>,
      %swap3A_75 = vector.shape_cast %swap3A_74 : vector<1x16xf32> to vector<16xf32>
      %swap3A_76 = vector.shape_cast %broadcast_in_dim3A_71 : vector<16xf32> to vector<1x16xf32>
      tpu.vector_store %arg6[%swap3A_72, %swap3A_73], %swap3A_76 {strides = array<i32>} : memref<200x128xf32, #tpu.memory_space<vmem>>, vector<1x16xf32>,
      %broadcast_in_dim3A_77 = arith.constant 0.000000e+00 : f32
      %broadcast_in_dim3A_78 = vector.broadcast %broadcast_in_dim3A_77 : f32 to vector<16xf32>
      %swap3A_79 = arith.index_cast %scan3A_28 : i32 to index
      %swap3A_80 = arith.constant 112 : index
      %swap3A_81 = tpu.vector_load %arg6[%swap3A_79, %swap3A_80] {strides = array<i32>} : memref<200x128xf32, #tpu.memory_space<vmem>>, vector<1x16xf32>,
      %swap3A_82 = vector.shape_cast %swap3A_81 : vector<1x16xf32> to vector<16xf32>
      %swap3A_83 = vector.shape_cast %broadcast_in_dim3A_78 : vector<16xf32> to vector<1x16xf32>
      tpu.vector_store %arg6[%swap3A_79, %swap3A_80], %swap3A_83 {strides = array<i32>} : memref<200x128xf32, #tpu.memory_space<vmem>>, vector<1x16xf32>,
      %scan3A_84 = arith.constant 0 : i32
      scf.yield %scan3A_84 : i32
    }
    %scan3A_8 = arith.constant 200 : i32
    %mul3A_9 = arith.constant 640 : i32
    %mul3A_10 = arith.muli %arg1, %mul3A_9 : i32
    %multiple_of3A = tpu.assume_multiple %mul3A_10, 640 : i32
    %add3A_11 = arith.constant 0 : i32
    %add3A_12 = arith.addi %multiple_of3A, %add3A_11 : i32
    "tpu.region"() ({
      %run_scoped3A = tpu.sem_alloc : memref<!tpu.dma_semaphore, #tpu.memory_space<semaphore_mem>>
      %dma_start3A = arith.constant 0 : i32
      %dma_start3A_28 = tpu.memref_slice %arg7[%add3A_12, %dma_start3A] : memref<10240x128xf32, #tpu.memory_space<vmem_shared>> -> memref<200x128xf32, #tpu.memory_space<vmem_shared>>
      %dma_start3A_29 = arith.constant 0 : i32
      %dma_start3A_30 = tpu.memref_slice %arg7[%add3A_12, %dma_start3A_29] : memref<10240x128xf32, #tpu.memory_space<vmem_shared>> -> memref<200x128xf32, #tpu.memory_space<vmem_shared>>
      tpu.enqueue_dma source(%arg6 : memref<200x128xf32, #tpu.memory_space<vmem>>) target(%dma_start3A_30 : memref<200x128xf32, #tpu.memory_space<vmem_shared>>) target_semaphore(%run_scoped3A : memref<!tpu.dma_semaphore, #tpu.memory_space<semaphore_mem>>)
      %dma_wait3A = arith.constant 0 : i32
      %dma_wait3A_31 = tpu.memref_slice %arg7[%add3A_12, %dma_wait3A] : memref<10240x128xf32, #tpu.memory_space<vmem_shared>> -> memref<200x128xf32, #tpu.memory_space<vmem_shared>>
      %dma_wait3A_32 = arith.constant 0 : i32
      %dma_wait3A_33 = tpu.memref_slice %arg7[%add3A_12, %dma_wait3A_32] : memref<10240x128xf32, #tpu.memory_space<vmem_shared>> -> memref<200x128xf32, #tpu.memory_space<vmem_shared>>
      tpu.wait_dma2 semaphore(%run_scoped3A : memref<!tpu.dma_semaphore, #tpu.memory_space<semaphore_mem>>) src(%arg6 : memref<200x128xf32, #tpu.memory_space<vmem>>) dst(%dma_wait3A_33 : memref<200x128xf32, #tpu.memory_space<vmem_shared>>)
      tpu.yield
    }) : () -> ()
    %add3A_13 = arith.constant 200 : i32
    %add3A_14 = arith.addi %multiple_of3A, %add3A_13 : i32
    "tpu.region"() ({
      %run_scoped3A = tpu.sem_alloc : memref<!tpu.dma_semaphore, #tpu.memory_space<semaphore_mem>>
      %dma_start3A = arith.constant 0 : i32
      %dma_start3A_28 = tpu.memref_slice %arg7[%add3A_14, %dma_start3A] : memref<10240x128xf32, #tpu.memory_space<vmem_shared>> -> memref<200x128xf32, #tpu.memory_space<vmem_shared>>
      %dma_start3A_29 = arith.constant 0 : i32
      %dma_start3A_30 = tpu.memref_slice %arg7[%add3A_14, %dma_start3A_29] : memref<10240x128xf32, #tpu.memory_space<vmem_shared>> -> memref<200x128xf32, #tpu.memory_space<vmem_shared>>
      tpu.enqueue_dma source(%arg6 : memref<200x128xf32, #tpu.memory_space<vmem>>) target(%dma_start3A_30 : memref<200x128xf32, #tpu.memory_space<vmem_shared>>) target_semaphore(%run_scoped3A : memref<!tpu.dma_semaphore, #tpu.memory_space<semaphore_mem>>)
      %dma_wait3A = arith.constant 0 : i32
      %dma_wait3A_31 = tpu.memref_slice %arg7[%add3A_14, %dma_wait3A] : memref<10240x128xf32, #tpu.memory_space<vmem_shared>> -> memref<200x128xf32, #tpu.memory_space<vmem_shared>>
      %dma_wait3A_32 = arith.constant 0 : i32
      %dma_wait3A_33 = tpu.memref_slice %arg7[%add3A_14, %dma_wait3A_32] : memref<10240x128xf32, #tpu.memory_space<vmem_shared>> -> memref<200x128xf32, #tpu.memory_space<vmem_shared>>
      tpu.wait_dma2 semaphore(%run_scoped3A : memref<!tpu.dma_semaphore, #tpu.memory_space<semaphore_mem>>) src(%arg6 : memref<200x128xf32, #tpu.memory_space<vmem>>) dst(%dma_wait3A_33 : memref<200x128xf32, #tpu.memory_space<vmem_shared>>)
      tpu.yield
    }) : () -> ()
    %add3A_15 = arith.constant 400 : i32
    %add3A_16 = arith.addi %multiple_of3A, %add3A_15 : i32
    "tpu.region"() ({
      %run_scoped3A = tpu.sem_alloc : memref<!tpu.dma_semaphore, #tpu.memory_space<semaphore_mem>>
      %dma_start3A = arith.constant 0 : i32
      %dma_start3A_28 = tpu.memref_slice %arg7[%add3A_16, %dma_start3A] : memref<10240x128xf32, #tpu.memory_space<vmem_shared>> -> memref<200x128xf32, #tpu.memory_space<vmem_shared>>
      %dma_start3A_29 = arith.constant 0 : i32
      %dma_start3A_30 = tpu.memref_slice %arg7[%add3A_16, %dma_start3A_29] : memref<10240x128xf32, #tpu.memory_space<vmem_shared>> -> memref<200x128xf32, #tpu.memory_space<vmem_shared>>
      tpu.enqueue_dma source(%arg6 : memref<200x128xf32, #tpu.memory_space<vmem>>) target(%dma_start3A_30 : memref<200x128xf32, #tpu.memory_space<vmem_shared>>) target_semaphore(%run_scoped3A : memref<!tpu.dma_semaphore, #tpu.memory_space<semaphore_mem>>)
      %dma_wait3A = arith.constant 0 : i32
      %dma_wait3A_31 = tpu.memref_slice %arg7[%add3A_16, %dma_wait3A] : memref<10240x128xf32, #tpu.memory_space<vmem_shared>> -> memref<200x128xf32, #tpu.memory_space<vmem_shared>>
      %dma_wait3A_32 = arith.constant 0 : i32
      %dma_wait3A_33 = tpu.memref_slice %arg7[%add3A_16, %dma_wait3A_32] : memref<10240x128xf32, #tpu.memory_space<vmem_shared>> -> memref<200x128xf32, #tpu.memory_space<vmem_shared>>
      tpu.wait_dma2 semaphore(%run_scoped3A : memref<!tpu.dma_semaphore, #tpu.memory_space<semaphore_mem>>) src(%arg6 : memref<200x128xf32, #tpu.memory_space<vmem>>) dst(%dma_wait3A_33 : memref<200x128xf32, #tpu.memory_space<vmem_shared>>)
      tpu.yield
    }) : () -> ()
    %add3A_17 = arith.constant 640 : i32
    %add3A_18 = arith.addi %multiple_of3A, %add3A_17 : i32
    %sub3A = arith.constant 40 : i32
    %sub3A_19 = arith.subi %add3A_18, %sub3A : i32
    "tpu.region"() ({
      %run_scoped3A = tpu.sem_alloc : memref<!tpu.dma_semaphore, #tpu.memory_space<semaphore_mem>>
      %dma_start3A = arith.constant 0 : i32
      %dma_start3A_28 = arith.constant 0 : i32
      %dma_start3A_29 = tpu.memref_slice %arg6[%dma_start3A, %dma_start3A_28] : memref<200x128xf32, #tpu.memory_space<vmem>> -> memref<40x128xf32, #tpu.memory_space<vmem>>
      %dma_start3A_30 = arith.constant 0 : i32
      %dma_start3A_31 = tpu.memref_slice %arg7[%sub3A_19, %dma_start3A_30] : memref<10240x128xf32, #tpu.memory_space<vmem_shared>> -> memref<40x128xf32, #tpu.memory_space<vmem_shared>>
      %dma_start3A_32 = arith.constant 0 : i32
      %dma_start3A_33 = tpu.memref_slice %arg7[%sub3A_19, %dma_start3A_32] : memref<10240x128xf32, #tpu.memory_space<vmem_shared>> -> memref<40x128xf32, #tpu.memory_space<vmem_shared>>
      %dma_start3A_34 = arith.constant 0 : i32
      %dma_start3A_35 = arith.constant 0 : i32
      %dma_start3A_36 = tpu.memref_slice %arg6[%dma_start3A_34, %dma_start3A_35] : memref<200x128xf32, #tpu.memory_space<vmem>> -> memref<40x128xf32, #tpu.memory_space<vmem>>
      tpu.enqueue_dma source(%dma_start3A_36 : memref<40x128xf32, #tpu.memory_space<vmem>>) target(%dma_start3A_33 : memref<40x128xf32, #tpu.memory_space<vmem_shared>>) target_semaphore(%run_scoped3A : memref<!tpu.dma_semaphore, #tpu.memory_space<semaphore_mem>>)
      %dma_wait3A = arith.constant 0 : i32
      %dma_wait3A_37 = arith.constant 0 : i32
      %dma_wait3A_38 = tpu.memref_slice %arg6[%dma_wait3A, %dma_wait3A_37] : memref<200x128xf32, #tpu.memory_space<vmem>> -> memref<40x128xf32, #tpu.memory_space<vmem>>
      %dma_wait3A_39 = arith.constant 0 : i32
      %dma_wait3A_40 = tpu.memref_slice %arg7[%sub3A_19, %dma_wait3A_39] : memref<10240x128xf32, #tpu.memory_space<vmem_shared>> -> memref<40x128xf32, #tpu.memory_space<vmem_shared>>
      %dma_wait3A_41 = arith.constant 0 : i32
      %dma_wait3A_42 = tpu.memref_slice %arg7[%sub3A_19, %dma_wait3A_41] : memref<10240x128xf32, #tpu.memory_space<vmem_shared>> -> memref<40x128xf32, #tpu.memory_space<vmem_shared>>
      %dma_wait3A_43 = arith.constant 0 : i32
      %dma_wait3A_44 = arith.constant 0 : i32
      %dma_wait3A_45 = tpu.memref_slice %arg6[%dma_wait3A_43, %dma_wait3A_44] : memref<200x128xf32, #tpu.memory_space<vmem>> -> memref<40x128xf32, #tpu.memory_space<vmem>>
      tpu.wait_dma2 semaphore(%run_scoped3A : memref<!tpu.dma_semaphore, #tpu.memory_space<semaphore_mem>>) src(%dma_wait3A_45 : memref<40x128xf32, #tpu.memory_space<vmem>>) dst(%dma_wait3A_42 : memref<40x128xf32, #tpu.memory_space<vmem_shared>>)
      tpu.yield
    }) : () -> ()
    %barrier3A = arith.constant 0 : index
    tpu.barrier barrier_id(%barrier3A)
    %scan3A_20 = arith.constant 0 : i32
    %scan3A_21 = arith.constant 0 : i32
    %scan3A_22 = arith.constant 25 : i32
    %scan3A_23 = arith.addi %scan3A_21, %scan3A_22 : i32
    %scan3A_24 = arith.constant 1 : i32
    %scan3A_25 = scf.for %scan3A_28 = %scan3A_21 to %scan3A_23 step %scan3A_24 iter_args(%scan3A_29 = %scan3A_20) -> (i32)  : i32 {
      %mul3A_30 = arith.constant 400 : i32
      %mul3A_31 = arith.muli %scan3A_28, %mul3A_30 : i32
      %add3A_32 = arith.addi %mul3A_2, %mul3A_31 : i32
      %multiple_of3A_33 = tpu.assume_multiple %add3A_32, 400 : i32
      %jit3A = arith.constant 50 : i32
      %div3A = arith.divsi %multiple_of3A_33, %jit3A : i32
      %sign3A = arith.constant 0 : i32
      %sign3A_34 = arith.cmpi sgt, %multiple_of3A_33, %sign3A : i32
      %sign3A_35 = arith.extui %sign3A_34 : i1 to i32
      %sign3A_36 = arith.constant 0 : i32
      %sign3A_37 = arith.cmpi slt, %multiple_of3A_33, %sign3A_36 : i32
      %sign3A_38 = arith.extui %sign3A_37 : i1 to i32
      %sign3A_39 = arith.subi %sign3A_35, %sign3A_38 : i32
      %sign3A_40 = arith.constant 0 : i32
      %sign3A_41 = arith.cmpi sgt, %jit3A, %sign3A_40 : i32
      %sign3A_42 = arith.extui %sign3A_41 : i1 to i32
      %sign3A_43 = arith.constant 0 : i32
      %sign3A_44 = arith.cmpi slt, %jit3A, %sign3A_43 : i32
      %sign3A_45 = arith.extui %sign3A_44 : i1 to i32
      %sign3A_46 = arith.subi %sign3A_42, %sign3A_45 : i32
      %ne3A = arith.cmpi ne, %sign3A_39, %sign3A_46 : i32
      %rem3A = arith.remsi %multiple_of3A_33, %jit3A : i32
      %ne3A_47 = arith.constant 0 : i32
      %ne3A_48 = arith.cmpi ne, %rem3A, %ne3A_47 : i32
      %and3A = arith.andi %ne3A, %ne3A_48 : i1
      %sub3A_49 = arith.constant 1 : i32
      %sub3A_50 = arith.subi %div3A, %sub3A_49 : i32
      %select_n3A = arith.select %and3A, %sub3A_50, %div3A : i32
      %multiple_of3A_51 = tpu.assume_multiple %select_n3A, 8 : i32
      "tpu.region"() ({
        %run_scoped3A_66 = tpu.sem_alloc : memref<!tpu.dma_semaphore, #tpu.memory_space<semaphore_mem>>
        %dma_start3A = arith.constant 0 : i32
        %dma_start3A_67 = tpu.memref_slice %arg2[%multiple_of3A_51, %dma_start3A] : memref<6400x50xi32, #tpu.memory_space<hbm>> -> memref<8x50xi32, #tpu.memory_space<hbm>>
        %dma_start3A_68 = arith.constant 0 : i32
        %dma_start3A_69 = tpu.memref_slice %arg2[%multiple_of3A_51, %dma_start3A_68] : memref<6400x50xi32, #tpu.memory_space<hbm>> -> memref<8x50xi32, #tpu.memory_space<hbm>>
        tpu.enqueue_dma source(%dma_start3A_69 : memref<8x50xi32, #tpu.memory_space<hbm>>) target(%arg5 : memref<8x50xi32, #tpu.memory_space<vmem>>) target_semaphore(%run_scoped3A_66 : memref<!tpu.dma_semaphore, #tpu.memory_space<semaphore_mem>>)
        %dma_wait3A = arith.constant 0 : i32
        %dma_wait3A_70 = tpu.memref_slice %arg2[%multiple_of3A_51, %dma_wait3A] : memref<6400x50xi32, #tpu.memory_space<hbm>> -> memref<8x50xi32, #tpu.memory_space<hbm>>
        %dma_wait3A_71 = arith.constant 0 : i32
        %dma_wait3A_72 = tpu.memref_slice %arg2[%multiple_of3A_51, %dma_wait3A_71] : memref<6400x50xi32, #tpu.memory_space<hbm>> -> memref<8x50xi32, #tpu.memory_space<hbm>>
        tpu.wait_dma2 semaphore(%run_scoped3A_66 : memref<!tpu.dma_semaphore, #tpu.memory_space<semaphore_mem>>) src(%dma_wait3A_72 : memref<8x50xi32, #tpu.memory_space<hbm>>) dst(%arg5 : memref<8x50xi32, #tpu.memory_space<vmem>>)
        tpu.yield
      }) : () -> ()
      %add3A_52 = arith.constant 0 : i32
      %add3A_53 = arith.addi %multiple_of3A_33, %add3A_52 : i32
      %multiple_of3A_54 = tpu.assume_multiple %add3A_53, 200 : i32
      "tpu.region"() ({
        %run_scoped3A_66 = tpu.sem_alloc : memref<!tpu.dma_semaphore, #tpu.memory_space<semaphore_mem>>
        %dma_start3A = arith.constant 0 : i32
        %dma_start3A_67 = tpu.memref_slice %arg3[%multiple_of3A_54, %dma_start3A] : memref<320000x128xf32, #tpu.memory_space<hbm>> -> memref<200x128xf32, #tpu.memory_space<hbm>>
        %dma_start3A_68 = arith.constant 0 : i32
        %dma_start3A_69 = tpu.memref_slice %arg3[%multiple_of3A_54, %dma_start3A_68] : memref<320000x128xf32, #tpu.memory_space<hbm>> -> memref<200x128xf32, #tpu.memory_space<hbm>>
        tpu.enqueue_dma source(%dma_start3A_69 : memref<200x128xf32, #tpu.memory_space<hbm>>) target(%arg6 : memref<200x128xf32, #tpu.memory_space<vmem>>) target_semaphore(%run_scoped3A_66 : memref<!tpu.dma_semaphore, #tpu.memory_space<semaphore_mem>>)
        %dma_wait3A = arith.constant 0 : i32
        %dma_wait3A_70 = tpu.memref_slice %arg3[%multiple_of3A_54, %dma_wait3A] : memref<320000x128xf32, #tpu.memory_space<hbm>> -> memref<200x128xf32, #tpu.memory_space<hbm>>
        %dma_wait3A_71 = arith.constant 0 : i32
        %dma_wait3A_72 = tpu.memref_slice %arg3[%multiple_of3A_54, %dma_wait3A_71] : memref<320000x128xf32, #tpu.memory_space<hbm>> -> memref<200x128xf32, #tpu.memory_space<hbm>>
        tpu.wait_dma2 semaphore(%run_scoped3A_66 : memref<!tpu.dma_semaphore, #tpu.memory_space<semaphore_mem>>) src(%dma_wait3A_72 : memref<200x128xf32, #tpu.memory_space<hbm>>) dst(%arg6 : memref<200x128xf32, #tpu.memory_space<vmem>>)
        tpu.yield
      }) : () -> ()
      %run_scoped3A = arith.constant 0 : i32
      "tpu.region"() ({
        %run_scoped3A_66 = tpu.sem_alloc : memref<!tpu.dma_semaphore, #tpu.memory_space<semaphore_mem>>
        %dma_start3A = arith.constant 0 : i32
        %dma_start3A_67 = arith.constant 0 : i32
        %dma_start3A_68 = tpu.memref_slice %arg6[%dma_start3A, %dma_start3A_67] : memref<200x128xf32, #tpu.memory_space<vmem>> -> memref<50x128xf32, #tpu.memory_space<vmem>>
        %dma_start3A_69 = arith.constant 0 : i32
        %dma_start3A_70 = tpu.memref_slice %arg5[%run_scoped3A, %dma_start3A_69] : memref<8x50xi32, #tpu.memory_space<vmem>> -> memref<1x50xi32, #tpu.memory_space<vmem>>
        %dma_start3A_71 = tpu.memref_squeeze %dma_start3A_70 : memref<1x50xi32, #tpu.memory_space<vmem>> -> memref<50xi32, #tpu.memory_space<vmem>>
        %dma_start3A_72 = arith.constant 0 : i32
        %dma_start3A_73 = arith.constant 0 : i32
        %dma_start3A_74 = tpu.memref_slice %arg7[%dma_start3A_72, %dma_start3A_73] : memref<10240x128xf32, #tpu.memory_space<vmem_shared>> -> memref<10240x128xf32, #tpu.memory_space<vmem_shared>>
        tpu.enqueue_indirect_dma source(%dma_start3A_68 : memref<50x128xf32, #tpu.memory_space<vmem>>) target(%dma_start3A_74 : memref<10240x128xf32, #tpu.memory_space<vmem_shared>>) offsets(%dma_start3A_71 : memref<50xi32, #tpu.memory_space<vmem>>) semaphore(%run_scoped3A_66 : memref<!tpu.dma_semaphore, #tpu.memory_space<semaphore_mem>>) {add = true}
        %dma_wait3A = arith.constant 0 : i32
        %dma_wait3A_75 = arith.constant 0 : i32
        %dma_wait3A_76 = tpu.memref_slice %arg6[%dma_wait3A, %dma_wait3A_75] : memref<200x128xf32, #tpu.memory_space<vmem>> -> memref<50x128xf32, #tpu.memory_space<vmem>>
        %dma_wait3A_77 = arith.constant 0 : i32
        %dma_wait3A_78 = tpu.memref_slice %arg5[%run_scoped3A, %dma_wait3A_77] : memref<8x50xi32, #tpu.memory_space<vmem>> -> memref<1x50xi32, #tpu.memory_space<vmem>>
        %dma_wait3A_79 = tpu.memref_squeeze %dma_wait3A_78 : memref<1x50xi32, #tpu.memory_space<vmem>> -> memref<50xi32, #tpu.memory_space<vmem>>
        %dma_wait3A_80 = arith.constant 0 : i32
        %dma_wait3A_81 = arith.constant 0 : i32
        %dma_wait3A_82 = tpu.memref_slice %arg7[%dma_wait3A_80, %dma_wait3A_81] : memref<10240x128xf32, #tpu.memory_space<vmem_shared>> -> memref<10240x128xf32, #tpu.memory_space<vmem_shared>>
        tpu.wait_indirect_dma semaphore(%run_scoped3A_66 : memref<!tpu.dma_semaphore, #tpu.memory_space<semaphore_mem>>) src(%dma_wait3A_76 : memref<50x128xf32, #tpu.memory_space<vmem>>) dst(%dma_wait3A_82 : memref<10240x128xf32, #tpu.memory_space<vmem_shared>>)
        tpu.yield
      }) : () -> ()
      %run_scoped3A_55 = arith.constant 1 : i32
      "tpu.region"() ({
        %run_scoped3A_66 = tpu.sem_alloc : memref<!tpu.dma_semaphore, #tpu.memory_space<semaphore_mem>>
        %dma_start3A = arith.constant 50 : i32
        %dma_start3A_67 = arith.constant 0 : i32
        %dma_start3A_68 = tpu.memref_slice %arg6[%dma_start3A, %dma_start3A_67] : memref<200x128xf32, #tpu.memory_space<vmem>> -> memref<50x128xf32, #tpu.memory_space<vmem>>
        %dma_start3A_69 = arith.constant 0 : i32
        %dma_start3A_70 = tpu.memref_slice %arg5[%run_scoped3A_55, %dma_start3A_69] : memref<8x50xi32, #tpu.memory_space<vmem>> -> memref<1x50xi32, #tpu.memory_space<vmem>>
        %dma_start3A_71 = tpu.memref_squeeze %dma_start3A_70 : memref<1x50xi32, #tpu.memory_space<vmem>> -> memref<50xi32, #tpu.memory_space<vmem>>
        %dma_start3A_72 = arith.constant 0 : i32
        %dma_start3A_73 = arith.constant 0 : i32
        %dma_start3A_74 = tpu.memref_slice %arg7[%dma_start3A_72, %dma_start3A_73] : memref<10240x128xf32, #tpu.memory_space<vmem_shared>> -> memref<10240x128xf32, #tpu.memory_space<vmem_shared>>
        tpu.enqueue_indirect_dma source(%dma_start3A_68 : memref<50x128xf32, #tpu.memory_space<vmem>>) target(%dma_start3A_74 : memref<10240x128xf32, #tpu.memory_space<vmem_shared>>) offsets(%dma_start3A_71 : memref<50xi32, #tpu.memory_space<vmem>>) semaphore(%run_scoped3A_66 : memref<!tpu.dma_semaphore, #tpu.memory_space<semaphore_mem>>) {add = true}
        %dma_wait3A = arith.constant 50 : i32
        %dma_wait3A_75 = arith.constant 0 : i32
        %dma_wait3A_76 = tpu.memref_slice %arg6[%dma_wait3A, %dma_wait3A_75] : memref<200x128xf32, #tpu.memory_space<vmem>> -> memref<50x128xf32, #tpu.memory_space<vmem>>
        %dma_wait3A_77 = arith.constant 0 : i32
        %dma_wait3A_78 = tpu.memref_slice %arg5[%run_scoped3A_55, %dma_wait3A_77] : memref<8x50xi32, #tpu.memory_space<vmem>> -> memref<1x50xi32, #tpu.memory_space<vmem>>
        %dma_wait3A_79 = tpu.memref_squeeze %dma_wait3A_78 : memref<1x50xi32, #tpu.memory_space<vmem>> -> memref<50xi32, #tpu.memory_space<vmem>>
        %dma_wait3A_80 = arith.constant 0 : i32
        %dma_wait3A_81 = arith.constant 0 : i32
        %dma_wait3A_82 = tpu.memref_slice %arg7[%dma_wait3A_80, %dma_wait3A_81] : memref<10240x128xf32, #tpu.memory_space<vmem_shared>> -> memref<10240x128xf32, #tpu.memory_space<vmem_shared>>
        tpu.wait_indirect_dma semaphore(%run_scoped3A_66 : memref<!tpu.dma_semaphore, #tpu.memory_space<semaphore_mem>>) src(%dma_wait3A_76 : memref<50x128xf32, #tpu.memory_space<vmem>>) dst(%dma_wait3A_82 : memref<10240x128xf32, #tpu.memory_space<vmem_shared>>)
        tpu.yield
      }) : () -> ()
      %run_scoped3A_56 = arith.constant 2 : i32
      "tpu.region"() ({
        %run_scoped3A_66 = tpu.sem_alloc : memref<!tpu.dma_semaphore, #tpu.memory_space<semaphore_mem>>
        %dma_start3A = arith.constant 100 : i32
        %dma_start3A_67 = arith.constant 0 : i32
        %dma_start3A_68 = tpu.memref_slice %arg6[%dma_start3A, %dma_start3A_67] : memref<200x128xf32, #tpu.memory_space<vmem>> -> memref<50x128xf32, #tpu.memory_space<vmem>>
        %dma_start3A_69 = arith.constant 0 : i32
        %dma_start3A_70 = tpu.memref_slice %arg5[%run_scoped3A_56, %dma_start3A_69] : memref<8x50xi32, #tpu.memory_space<vmem>> -> memref<1x50xi32, #tpu.memory_space<vmem>>
        %dma_start3A_71 = tpu.memref_squeeze %dma_start3A_70 : memref<1x50xi32, #tpu.memory_space<vmem>> -> memref<50xi32, #tpu.memory_space<vmem>>
        %dma_start3A_72 = arith.constant 0 : i32
        %dma_start3A_73 = arith.constant 0 : i32
        %dma_start3A_74 = tpu.memref_slice %arg7[%dma_start3A_72, %dma_start3A_73] : memref<10240x128xf32, #tpu.memory_space<vmem_shared>> -> memref<10240x128xf32, #tpu.memory_space<vmem_shared>>
        tpu.enqueue_indirect_dma source(%dma_start3A_68 : memref<50x128xf32, #tpu.memory_space<vmem>>) target(%dma_start3A_74 : memref<10240x128xf32, #tpu.memory_space<vmem_shared>>) offsets(%dma_start3A_71 : memref<50xi32, #tpu.memory_space<vmem>>) semaphore(%run_scoped3A_66 : memref<!tpu.dma_semaphore, #tpu.memory_space<semaphore_mem>>) {add = true}
        %dma_wait3A = arith.constant 100 : i32
        %dma_wait3A_75 = arith.constant 0 : i32
        %dma_wait3A_76 = tpu.memref_slice %arg6[%dma_wait3A, %dma_wait3A_75] : memref<200x128xf32, #tpu.memory_space<vmem>> -> memref<50x128xf32, #tpu.memory_space<vmem>>
        %dma_wait3A_77 = arith.constant 0 : i32
        %dma_wait3A_78 = tpu.memref_slice %arg5[%run_scoped3A_56, %dma_wait3A_77] : memref<8x50xi32, #tpu.memory_space<vmem>> -> memref<1x50xi32, #tpu.memory_space<vmem>>
        %dma_wait3A_79 = tpu.memref_squeeze %dma_wait3A_78 : memref<1x50xi32, #tpu.memory_space<vmem>> -> memref<50xi32, #tpu.memory_space<vmem>>
        %dma_wait3A_80 = arith.constant 0 : i32
        %dma_wait3A_81 = arith.constant 0 : i32
        %dma_wait3A_82 = tpu.memref_slice %arg7[%dma_wait3A_80, %dma_wait3A_81] : memref<10240x128xf32, #tpu.memory_space<vmem_shared>> -> memref<10240x128xf32, #tpu.memory_space<vmem_shared>>
        tpu.wait_indirect_dma semaphore(%run_scoped3A_66 : memref<!tpu.dma_semaphore, #tpu.memory_space<semaphore_mem>>) src(%dma_wait3A_76 : memref<50x128xf32, #tpu.memory_space<vmem>>) dst(%dma_wait3A_82 : memref<10240x128xf32, #tpu.memory_space<vmem_shared>>)
        tpu.yield
      }) : () -> ()
      %run_scoped3A_57 = arith.constant 3 : i32
      "tpu.region"() ({
        %run_scoped3A_66 = tpu.sem_alloc : memref<!tpu.dma_semaphore, #tpu.memory_space<semaphore_mem>>
        %dma_start3A = arith.constant 150 : i32
        %dma_start3A_67 = arith.constant 0 : i32
        %dma_start3A_68 = tpu.memref_slice %arg6[%dma_start3A, %dma_start3A_67] : memref<200x128xf32, #tpu.memory_space<vmem>> -> memref<50x128xf32, #tpu.memory_space<vmem>>
        %dma_start3A_69 = arith.constant 0 : i32
        %dma_start3A_70 = tpu.memref_slice %arg5[%run_scoped3A_57, %dma_start3A_69] : memref<8x50xi32, #tpu.memory_space<vmem>> -> memref<1x50xi32, #tpu.memory_space<vmem>>
        %dma_start3A_71 = tpu.memref_squeeze %dma_start3A_70 : memref<1x50xi32, #tpu.memory_space<vmem>> -> memref<50xi32, #tpu.memory_space<vmem>>
        %dma_start3A_72 = arith.constant 0 : i32
        %dma_start3A_73 = arith.constant 0 : i32
        %dma_start3A_74 = tpu.memref_slice %arg7[%dma_start3A_72, %dma_start3A_73] : memref<10240x128xf32, #tpu.memory_space<vmem_shared>> -> memref<10240x128xf32, #tpu.memory_space<vmem_shared>>
        tpu.enqueue_indirect_dma source(%dma_start3A_68 : memref<50x128xf32, #tpu.memory_space<vmem>>) target(%dma_start3A_74 : memref<10240x128xf32, #tpu.memory_space<vmem_shared>>) offsets(%dma_start3A_71 : memref<50xi32, #tpu.memory_space<vmem>>) semaphore(%run_scoped3A_66 : memref<!tpu.dma_semaphore, #tpu.memory_space<semaphore_mem>>) {add = true}
        %dma_wait3A = arith.constant 150 : i32
        %dma_wait3A_75 = arith.constant 0 : i32
        %dma_wait3A_76 = tpu.memref_slice %arg6[%dma_wait3A, %dma_wait3A_75] : memref<200x128xf32, #tpu.memory_space<vmem>> -> memref<50x128xf32, #tpu.memory_space<vmem>>
        %dma_wait3A_77 = arith.constant 0 : i32
        %dma_wait3A_78 = tpu.memref_slice %arg5[%run_scoped3A_57, %dma_wait3A_77] : memref<8x50xi32, #tpu.memory_space<vmem>> -> memref<1x50xi32, #tpu.memory_space<vmem>>
        %dma_wait3A_79 = tpu.memref_squeeze %dma_wait3A_78 : memref<1x50xi32, #tpu.memory_space<vmem>> -> memref<50xi32, #tpu.memory_space<vmem>>
        %dma_wait3A_80 = arith.constant 0 : i32
        %dma_wait3A_81 = arith.constant 0 : i32
        %dma_wait3A_82 = tpu.memref_slice %arg7[%dma_wait3A_80, %dma_wait3A_81] : memref<10240x128xf32, #tpu.memory_space<vmem_shared>> -> memref<10240x128xf32, #tpu.memory_space<vmem_shared>>
        tpu.wait_indirect_dma semaphore(%run_scoped3A_66 : memref<!tpu.dma_semaphore, #tpu.memory_space<semaphore_mem>>) src(%dma_wait3A_76 : memref<50x128xf32, #tpu.memory_space<vmem>>) dst(%dma_wait3A_82 : memref<10240x128xf32, #tpu.memory_space<vmem_shared>>)
        tpu.yield
      }) : () -> ()
      %add3A_58 = arith.constant 200 : i32
      %add3A_59 = arith.addi %multiple_of3A_33, %add3A_58 : i32
      %multiple_of3A_60 = tpu.assume_multiple %add3A_59, 200 : i32
      "tpu.region"() ({
        %run_scoped3A_66 = tpu.sem_alloc : memref<!tpu.dma_semaphore, #tpu.memory_space<semaphore_mem>>
        %dma_start3A = arith.constant 0 : i32
        %dma_start3A_67 = tpu.memref_slice %arg3[%multiple_of3A_60, %dma_start3A] : memref<320000x128xf32, #tpu.memory_space<hbm>> -> memref<200x128xf32, #tpu.memory_space<hbm>>
        %dma_start3A_68 = arith.constant 0 : i32
        %dma_start3A_69 = tpu.memref_slice %arg3[%multiple_of3A_60, %dma_start3A_68] : memref<320000x128xf32, #tpu.memory_space<hbm>> -> memref<200x128xf32, #tpu.memory_space<hbm>>
        tpu.enqueue_dma source(%dma_start3A_69 : memref<200x128xf32, #tpu.memory_space<hbm>>) target(%arg6 : memref<200x128xf32, #tpu.memory_space<vmem>>) target_semaphore(%run_scoped3A_66 : memref<!tpu.dma_semaphore, #tpu.memory_space<semaphore_mem>>)
        %dma_wait3A = arith.constant 0 : i32
        %dma_wait3A_70 = tpu.memref_slice %arg3[%multiple_of3A_60, %dma_wait3A] : memref<320000x128xf32, #tpu.memory_space<hbm>> -> memref<200x128xf32, #tpu.memory_space<hbm>>
        %dma_wait3A_71 = arith.constant 0 : i32
        %dma_wait3A_72 = tpu.memref_slice %arg3[%multiple_of3A_60, %dma_wait3A_71] : memref<320000x128xf32, #tpu.memory_space<hbm>> -> memref<200x128xf32, #tpu.memory_space<hbm>>
        tpu.wait_dma2 semaphore(%run_scoped3A_66 : memref<!tpu.dma_semaphore, #tpu.memory_space<semaphore_mem>>) src(%dma_wait3A_72 : memref<200x128xf32, #tpu.memory_space<hbm>>) dst(%arg6 : memref<200x128xf32, #tpu.memory_space<vmem>>)
        tpu.yield
      }) : () -> ()
      %run_scoped3A_61 = arith.constant 4 : i32
      "tpu.region"() ({
        %run_scoped3A_66 = tpu.sem_alloc : memref<!tpu.dma_semaphore, #tpu.memory_space<semaphore_mem>>
        %dma_start3A = arith.constant 0 : i32
        %dma_start3A_67 = arith.constant 0 : i32
        %dma_start3A_68 = tpu.memref_slice %arg6[%dma_start3A, %dma_start3A_67] : memref<200x128xf32, #tpu.memory_space<vmem>> -> memref<50x128xf32, #tpu.memory_space<vmem>>
        %dma_start3A_69 = arith.constant 0 : i32
        %dma_start3A_70 = tpu.memref_slice %arg5[%run_scoped3A_61, %dma_start3A_69] : memref<8x50xi32, #tpu.memory_space<vmem>> -> memref<1x50xi32, #tpu.memory_space<vmem>>
        %dma_start3A_71 = tpu.memref_squeeze %dma_start3A_70 : memref<1x50xi32, #tpu.memory_space<vmem>> -> memref<50xi32, #tpu.memory_space<vmem>>
        %dma_start3A_72 = arith.constant 0 : i32
        %dma_start3A_73 = arith.constant 0 : i32
        %dma_start3A_74 = tpu.memref_slice %arg7[%dma_start3A_72, %dma_start3A_73] : memref<10240x128xf32, #tpu.memory_space<vmem_shared>> -> memref<10240x128xf32, #tpu.memory_space<vmem_shared>>
        tpu.enqueue_indirect_dma source(%dma_start3A_68 : memref<50x128xf32, #tpu.memory_space<vmem>>) target(%dma_start3A_74 : memref<10240x128xf32, #tpu.memory_space<vmem_shared>>) offsets(%dma_start3A_71 : memref<50xi32, #tpu.memory_space<vmem>>) semaphore(%run_scoped3A_66 : memref<!tpu.dma_semaphore, #tpu.memory_space<semaphore_mem>>) {add = true}
        %dma_wait3A = arith.constant 0 : i32
        %dma_wait3A_75 = arith.constant 0 : i32
        %dma_wait3A_76 = tpu.memref_slice %arg6[%dma_wait3A, %dma_wait3A_75] : memref<200x128xf32, #tpu.memory_space<vmem>> -> memref<50x128xf32, #tpu.memory_space<vmem>>
        %dma_wait3A_77 = arith.constant 0 : i32
        %dma_wait3A_78 = tpu.memref_slice %arg5[%run_scoped3A_61, %dma_wait3A_77] : memref<8x50xi32, #tpu.memory_space<vmem>> -> memref<1x50xi32, #tpu.memory_space<vmem>>
        %dma_wait3A_79 = tpu.memref_squeeze %dma_wait3A_78 : memref<1x50xi32, #tpu.memory_space<vmem>> -> memref<50xi32, #tpu.memory_space<vmem>>
        %dma_wait3A_80 = arith.constant 0 : i32
        %dma_wait3A_81 = arith.constant 0 : i32
        %dma_wait3A_82 = tpu.memref_slice %arg7[%dma_wait3A_80, %dma_wait3A_81] : memref<10240x128xf32, #tpu.memory_space<vmem_shared>> -> memref<10240x128xf32, #tpu.memory_space<vmem_shared>>
        tpu.wait_indirect_dma semaphore(%run_scoped3A_66 : memref<!tpu.dma_semaphore, #tpu.memory_space<semaphore_mem>>) src(%dma_wait3A_76 : memref<50x128xf32, #tpu.memory_space<vmem>>) dst(%dma_wait3A_82 : memref<10240x128xf32, #tpu.memory_space<vmem_shared>>)
        tpu.yield
      }) : () -> ()
      %run_scoped3A_62 = arith.constant 5 : i32
      "tpu.region"() ({
        %run_scoped3A_66 = tpu.sem_alloc : memref<!tpu.dma_semaphore, #tpu.memory_space<semaphore_mem>>
        %dma_start3A = arith.constant 50 : i32
        %dma_start3A_67 = arith.constant 0 : i32
        %dma_start3A_68 = tpu.memref_slice %arg6[%dma_start3A, %dma_start3A_67] : memref<200x128xf32, #tpu.memory_space<vmem>> -> memref<50x128xf32, #tpu.memory_space<vmem>>
        %dma_start3A_69 = arith.constant 0 : i32
        %dma_start3A_70 = tpu.memref_slice %arg5[%run_scoped3A_62, %dma_start3A_69] : memref<8x50xi32, #tpu.memory_space<vmem>> -> memref<1x50xi32, #tpu.memory_space<vmem>>
        %dma_start3A_71 = tpu.memref_squeeze %dma_start3A_70 : memref<1x50xi32, #tpu.memory_space<vmem>> -> memref<50xi32, #tpu.memory_space<vmem>>
        %dma_start3A_72 = arith.constant 0 : i32
        %dma_start3A_73 = arith.constant 0 : i32
        %dma_start3A_74 = tpu.memref_slice %arg7[%dma_start3A_72, %dma_start3A_73] : memref<10240x128xf32, #tpu.memory_space<vmem_shared>> -> memref<10240x128xf32, #tpu.memory_space<vmem_shared>>
        tpu.enqueue_indirect_dma source(%dma_start3A_68 : memref<50x128xf32, #tpu.memory_space<vmem>>) target(%dma_start3A_74 : memref<10240x128xf32, #tpu.memory_space<vmem_shared>>) offsets(%dma_start3A_71 : memref<50xi32, #tpu.memory_space<vmem>>) semaphore(%run_scoped3A_66 : memref<!tpu.dma_semaphore, #tpu.memory_space<semaphore_mem>>) {add = true}
        %dma_wait3A = arith.constant 50 : i32
        %dma_wait3A_75 = arith.constant 0 : i32
        %dma_wait3A_76 = tpu.memref_slice %arg6[%dma_wait3A, %dma_wait3A_75] : memref<200x128xf32, #tpu.memory_space<vmem>> -> memref<50x128xf32, #tpu.memory_space<vmem>>
        %dma_wait3A_77 = arith.constant 0 : i32
        %dma_wait3A_78 = tpu.memref_slice %arg5[%run_scoped3A_62, %dma_wait3A_77] : memref<8x50xi32, #tpu.memory_space<vmem>> -> memref<1x50xi32, #tpu.memory_space<vmem>>
        %dma_wait3A_79 = tpu.memref_squeeze %dma_wait3A_78 : memref<1x50xi32, #tpu.memory_space<vmem>> -> memref<50xi32, #tpu.memory_space<vmem>>
        %dma_wait3A_80 = arith.constant 0 : i32
        %dma_wait3A_81 = arith.constant 0 : i32
        %dma_wait3A_82 = tpu.memref_slice %arg7[%dma_wait3A_80, %dma_wait3A_81] : memref<10240x128xf32, #tpu.memory_space<vmem_shared>> -> memref<10240x128xf32, #tpu.memory_space<vmem_shared>>
        tpu.wait_indirect_dma semaphore(%run_scoped3A_66 : memref<!tpu.dma_semaphore, #tpu.memory_space<semaphore_mem>>) src(%dma_wait3A_76 : memref<50x128xf32, #tpu.memory_space<vmem>>) dst(%dma_wait3A_82 : memref<10240x128xf32, #tpu.memory_space<vmem_shared>>)
        tpu.yield
      }) : () -> ()
      %run_scoped3A_63 = arith.constant 6 : i32
      "tpu.region"() ({
        %run_scoped3A_66 = tpu.sem_alloc : memref<!tpu.dma_semaphore, #tpu.memory_space<semaphore_mem>>
        %dma_start3A = arith.constant 100 : i32
        %dma_start3A_67 = arith.constant 0 : i32
        %dma_start3A_68 = tpu.memref_slice %arg6[%dma_start3A, %dma_start3A_67] : memref<200x128xf32, #tpu.memory_space<vmem>> -> memref<50x128xf32, #tpu.memory_space<vmem>>
        %dma_start3A_69 = arith.constant 0 : i32
        %dma_start3A_70 = tpu.memref_slice %arg5[%run_scoped3A_63, %dma_start3A_69] : memref<8x50xi32, #tpu.memory_space<vmem>> -> memref<1x50xi32, #tpu.memory_space<vmem>>
        %dma_start3A_71 = tpu.memref_squeeze %dma_start3A_70 : memref<1x50xi32, #tpu.memory_space<vmem>> -> memref<50xi32, #tpu.memory_space<vmem>>
        %dma_start3A_72 = arith.constant 0 : i32
        %dma_start3A_73 = arith.constant 0 : i32
        %dma_start3A_74 = tpu.memref_slice %arg7[%dma_start3A_72, %dma_start3A_73] : memref<10240x128xf32, #tpu.memory_space<vmem_shared>> -> memref<10240x128xf32, #tpu.memory_space<vmem_shared>>
        tpu.enqueue_indirect_dma source(%dma_start3A_68 : memref<50x128xf32, #tpu.memory_space<vmem>>) target(%dma_start3A_74 : memref<10240x128xf32, #tpu.memory_space<vmem_shared>>) offsets(%dma_start3A_71 : memref<50xi32, #tpu.memory_space<vmem>>) semaphore(%run_scoped3A_66 : memref<!tpu.dma_semaphore, #tpu.memory_space<semaphore_mem>>) {add = true}
        %dma_wait3A = arith.constant 100 : i32
        %dma_wait3A_75 = arith.constant 0 : i32
        %dma_wait3A_76 = tpu.memref_slice %arg6[%dma_wait3A, %dma_wait3A_75] : memref<200x128xf32, #tpu.memory_space<vmem>> -> memref<50x128xf32, #tpu.memory_space<vmem>>
        %dma_wait3A_77 = arith.constant 0 : i32
        %dma_wait3A_78 = tpu.memref_slice %arg5[%run_scoped3A_63, %dma_wait3A_77] : memref<8x50xi32, #tpu.memory_space<vmem>> -> memref<1x50xi32, #tpu.memory_space<vmem>>
        %dma_wait3A_79 = tpu.memref_squeeze %dma_wait3A_78 : memref<1x50xi32, #tpu.memory_space<vmem>> -> memref<50xi32, #tpu.memory_space<vmem>>
        %dma_wait3A_80 = arith.constant 0 : i32
        %dma_wait3A_81 = arith.constant 0 : i32
        %dma_wait3A_82 = tpu.memref_slice %arg7[%dma_wait3A_80, %dma_wait3A_81] : memref<10240x128xf32, #tpu.memory_space<vmem_shared>> -> memref<10240x128xf32, #tpu.memory_space<vmem_shared>>
        tpu.wait_indirect_dma semaphore(%run_scoped3A_66 : memref<!tpu.dma_semaphore, #tpu.memory_space<semaphore_mem>>) src(%dma_wait3A_76 : memref<50x128xf32, #tpu.memory_space<vmem>>) dst(%dma_wait3A_82 : memref<10240x128xf32, #tpu.memory_space<vmem_shared>>)
        tpu.yield
      }) : () -> ()
      %run_scoped3A_64 = arith.constant 7 : i32
      "tpu.region"() ({
        %run_scoped3A_66 = tpu.sem_alloc : memref<!tpu.dma_semaphore, #tpu.memory_space<semaphore_mem>>
        %dma_start3A = arith.constant 150 : i32
        %dma_start3A_67 = arith.constant 0 : i32
        %dma_start3A_68 = tpu.memref_slice %arg6[%dma_start3A, %dma_start3A_67] : memref<200x128xf32, #tpu.memory_space<vmem>> -> memref<50x128xf32, #tpu.memory_space<vmem>>
        %dma_start3A_69 = arith.constant 0 : i32
        %dma_start3A_70 = tpu.memref_slice %arg5[%run_scoped3A_64, %dma_start3A_69] : memref<8x50xi32, #tpu.memory_space<vmem>> -> memref<1x50xi32, #tpu.memory_space<vmem>>
        %dma_start3A_71 = tpu.memref_squeeze %dma_start3A_70 : memref<1x50xi32, #tpu.memory_space<vmem>> -> memref<50xi32, #tpu.memory_space<vmem>>
        %dma_start3A_72 = arith.constant 0 : i32
        %dma_start3A_73 = arith.constant 0 : i32
        %dma_start3A_74 = tpu.memref_slice %arg7[%dma_start3A_72, %dma_start3A_73] : memref<10240x128xf32, #tpu.memory_space<vmem_shared>> -> memref<10240x128xf32, #tpu.memory_space<vmem_shared>>
        tpu.enqueue_indirect_dma source(%dma_start3A_68 : memref<50x128xf32, #tpu.memory_space<vmem>>) target(%dma_start3A_74 : memref<10240x128xf32, #tpu.memory_space<vmem_shared>>) offsets(%dma_start3A_71 : memref<50xi32, #tpu.memory_space<vmem>>) semaphore(%run_scoped3A_66 : memref<!tpu.dma_semaphore, #tpu.memory_space<semaphore_mem>>) {add = true}
        %dma_wait3A = arith.constant 150 : i32
        %dma_wait3A_75 = arith.constant 0 : i32
        %dma_wait3A_76 = tpu.memref_slice %arg6[%dma_wait3A, %dma_wait3A_75] : memref<200x128xf32, #tpu.memory_space<vmem>> -> memref<50x128xf32, #tpu.memory_space<vmem>>
        %dma_wait3A_77 = arith.constant 0 : i32
        %dma_wait3A_78 = tpu.memref_slice %arg5[%run_scoped3A_64, %dma_wait3A_77] : memref<8x50xi32, #tpu.memory_space<vmem>> -> memref<1x50xi32, #tpu.memory_space<vmem>>
        %dma_wait3A_79 = tpu.memref_squeeze %dma_wait3A_78 : memref<1x50xi32, #tpu.memory_space<vmem>> -> memref<50xi32, #tpu.memory_space<vmem>>
        %dma_wait3A_80 = arith.constant 0 : i32
        %dma_wait3A_81 = arith.constant 0 : i32
        %dma_wait3A_82 = tpu.memref_slice %arg7[%dma_wait3A_80, %dma_wait3A_81] : memref<10240x128xf32, #tpu.memory_space<vmem_shared>> -> memref<10240x128xf32, #tpu.memory_space<vmem_shared>>
        tpu.wait_indirect_dma semaphore(%run_scoped3A_66 : memref<!tpu.dma_semaphore, #tpu.memory_space<semaphore_mem>>) src(%dma_wait3A_76 : memref<50x128xf32, #tpu.memory_space<vmem>>) dst(%dma_wait3A_82 : memref<10240x128xf32, #tpu.memory_space<vmem_shared>>)
        tpu.yield
      }) : () -> ()
      %scan3A_65 = arith.constant 0 : i32
      scf.yield %scan3A_65 : i32
    }
    %scan3A_26 = arith.constant 25 : i32
    %barrier3A_27 = arith.constant 0 : index
    tpu.barrier barrier_id(%barrier3A_27)
    "tpu.region"() ({
      %run_scoped3A = tpu.sem_alloc : memref<!tpu.dma_semaphore, #tpu.memory_space<semaphore_mem>>
      %dma_start3A = arith.constant 0 : i32
      %dma_start3A_28 = tpu.memref_slice %arg4[%arg0, %multiple_of3A, %dma_start3A] : memref<2x10240x128xf32, #tpu.memory_space<hbm>> -> memref<1x640x128xf32, #tpu.memory_space<hbm>>
      %dma_start3A_29 = tpu.memref_squeeze %dma_start3A_28 : memref<1x640x128xf32, #tpu.memory_space<hbm>> -> memref<640x128xf32, #tpu.memory_space<hbm>>
      %dma_start3A_30 = arith.constant 0 : i32
      %dma_start3A_31 = tpu.memref_slice %arg7[%multiple_of3A, %dma_start3A_30] : memref<10240x128xf32, #tpu.memory_space<vmem_shared>> -> memref<640x128xf32, #tpu.memory_space<vmem_shared>>
      tpu.enqueue_dma source(%dma_start3A_31 : memref<640x128xf32, #tpu.memory_space<vmem_shared>>) target(%dma_start3A_29 : memref<640x128xf32, #tpu.memory_space<hbm>>) target_semaphore(%run_scoped3A : memref<!tpu.dma_semaphore, #tpu.memory_space<semaphore_mem>>)
      %dma_wait3A = arith.constant 0 : i32
      %dma_wait3A_32 = tpu.memref_slice %arg4[%arg0, %multiple_of3A, %dma_wait3A] : memref<2x10240x128xf32, #tpu.memory_space<hbm>> -> memref<1x640x128xf32, #tpu.memory_space<hbm>>
      %dma_wait3A_33 = tpu.memref_squeeze %dma_wait3A_32 : memref<1x640x128xf32, #tpu.memory_space<hbm>> -> memref<640x128xf32, #tpu.memory_space<hbm>>
      %dma_wait3A_34 = arith.constant 0 : i32
      %dma_wait3A_35 = tpu.memref_slice %arg7[%multiple_of3A, %dma_wait3A_34] : memref<10240x128xf32, #tpu.memory_space<vmem_shared>> -> memref<640x128xf32, #tpu.memory_space<vmem_shared>>
      tpu.wait_dma2 semaphore(%run_scoped3A : memref<!tpu.dma_semaphore, #tpu.memory_space<semaphore_mem>>) src(%dma_wait3A_35 : memref<640x128xf32, #tpu.memory_space<vmem_shared>>) dst(%dma_wait3A_33 : memref<640x128xf32, #tpu.memory_space<hbm>>)
      tpu.yield
    }) : () -> ()
    return
  }
}

module attributes {stable_mosaic.version = 14 : i64} {
  func.func @_qkv_body(%arg0: i32, %arg1: memref<2000x128xf32, #tpu.memory_space<vmem>>, %arg2: memref<128x128xf32, #tpu.memory_space<vmem>>, %arg3: memref<1x128xf32, #tpu.memory_space<vmem>>, %arg4: memref<128x128xf32, #tpu.memory_space<vmem>>, %arg5: memref<1x128xf32, #tpu.memory_space<vmem>>, %arg6: memref<128x128xf32, #tpu.memory_space<vmem>>, %arg7: memref<1x128xf32, #tpu.memory_space<vmem>>, %arg8: memref<2000x128xf32, #tpu.memory_space<vmem>>, %arg9: memref<2000x128xf32, #tpu.memory_space<vmem>>, %arg10: memref<2000x128xf32, #tpu.memory_space<vmem>>) attributes {dimension_semantics = [#tpu.dimension_semantics<arbitrary>], iteration_bounds = array<i64: 5>, scalar_prefetch = 0 : i64, scratch_operands = 0 : i64, tpu.core_type = #tpu.core_type<tc>, window_params = [{transform_indices = @transform_0, window_bounds = array<i64: 2000, 128>}, {pipeline_mode = #tpu.pipeline_mode<synchronous>, transform_indices = @transform_1, window_bounds = array<i64: 128, 128>}, {pipeline_mode = #tpu.pipeline_mode<synchronous>, transform_indices = @transform_2, window_bounds = array<i64: 1, 128>}, {pipeline_mode = #tpu.pipeline_mode<synchronous>, transform_indices = @transform_3, window_bounds = array<i64: 128, 128>}, {pipeline_mode = #tpu.pipeline_mode<synchronous>, transform_indices = @transform_4, window_bounds = array<i64: 1, 128>}, {pipeline_mode = #tpu.pipeline_mode<synchronous>, transform_indices = @transform_5, window_bounds = array<i64: 128, 128>}, {pipeline_mode = #tpu.pipeline_mode<synchronous>, transform_indices = @transform_6, window_bounds = array<i64: 1, 128>}, {transform_indices = @transform_7, window_bounds = array<i64: 2000, 128>}, {transform_indices = @transform_8, window_bounds = array<i64: 2000, 128>}, {transform_indices = @transform_9, window_bounds = array<i64: 2000, 128>}]} {
    %get3A = arith.constant 0 : index
    %get3A_0 = arith.constant 0 : index
    %get3A_1 = vector.load %arg1[%get3A, %get3A_0] : memref<2000x128xf32, #tpu.memory_space<vmem>>, vector<2000x128xf32>
    %get3A_2 = arith.constant 0 : index
    %get3A_3 = arith.constant 0 : index
    %get3A_4 = vector.load %arg2[%get3A_2, %get3A_3] : memref<128x128xf32, #tpu.memory_space<vmem>>, vector<128x128xf32>
    %dot_general3A = arith.constant dense<0.000000e+00> : vector<2000x128xf32>
    %dot_general3A_5 = tpu.matmul %get3A_1, %get3A_4, %dot_general3A {dimension_numbers = #tpu.dot_dimension_numbers<[1], [0], [0], [1], [0, 0, 1, 1], [], []>, transpose_lhs_hint = false} : vector<2000x128xf32>, vector<128x128xf32>, vector<2000x128xf32> -> vector<2000x128xf32>
    %get3A_6 = arith.constant 0 : index
    %get3A_7 = arith.constant 0 : index
    %get3A_8 = vector.load %arg3[%get3A_6, %get3A_7] : memref<1x128xf32, #tpu.memory_space<vmem>>, vector<1x128xf32>
    %add3A = vector.broadcast %get3A_8 : vector<1x128xf32> to vector<2000x128xf32>
    %add3A_9 = arith.addf %dot_general3A_5, %add3A : vector<2000x128xf32>
    %swap3A = arith.constant 0 : index
    %swap3A_10 = arith.constant 0 : index
    %swap3A_11 = vector.load %arg8[%swap3A, %swap3A_10] : memref<2000x128xf32, #tpu.memory_space<vmem>>, vector<2000x128xf32>
    tpu.vector_store %arg8[%swap3A, %swap3A_10], %add3A_9 {strides = array<i32>} : memref<2000x128xf32, #tpu.memory_space<vmem>>, vector<2000x128xf32>,
    %get3A_12 = arith.constant 0 : index
    %get3A_13 = arith.constant 0 : index
    %get3A_14 = vector.load %arg4[%get3A_12, %get3A_13] : memref<128x128xf32, #tpu.memory_space<vmem>>, vector<128x128xf32>
    %dot_general3A_15 = arith.constant dense<0.000000e+00> : vector<2000x128xf32>
    %dot_general3A_16 = tpu.matmul %get3A_1, %get3A_14, %dot_general3A_15 {dimension_numbers = #tpu.dot_dimension_numbers<[1], [0], [0], [1], [0, 0, 1, 1], [], []>, transpose_lhs_hint = false} : vector<2000x128xf32>, vector<128x128xf32>, vector<2000x128xf32> -> vector<2000x128xf32>
    %get3A_17 = arith.constant 0 : index
    %get3A_18 = arith.constant 0 : index
    %get3A_19 = vector.load %arg5[%get3A_17, %get3A_18] : memref<1x128xf32, #tpu.memory_space<vmem>>, vector<1x128xf32>
    %add3A_20 = vector.broadcast %get3A_19 : vector<1x128xf32> to vector<2000x128xf32>
    %add3A_21 = arith.addf %dot_general3A_16, %add3A_20 : vector<2000x128xf32>
    %swap3A_22 = arith.constant 0 : index
    %swap3A_23 = arith.constant 0 : index
    %swap3A_24 = vector.load %arg9[%swap3A_22, %swap3A_23] : memref<2000x128xf32, #tpu.memory_space<vmem>>, vector<2000x128xf32>
    tpu.vector_store %arg9[%swap3A_22, %swap3A_23], %add3A_21 {strides = array<i32>} : memref<2000x128xf32, #tpu.memory_space<vmem>>, vector<2000x128xf32>,
    %get3A_25 = arith.constant 0 : index
    %get3A_26 = arith.constant 0 : index
    %get3A_27 = vector.load %arg6[%get3A_25, %get3A_26] : memref<128x128xf32, #tpu.memory_space<vmem>>, vector<128x128xf32>
    %dot_general3A_28 = arith.constant dense<0.000000e+00> : vector<2000x128xf32>
    %dot_general3A_29 = tpu.matmul %get3A_1, %get3A_27, %dot_general3A_28 {dimension_numbers = #tpu.dot_dimension_numbers<[1], [0], [0], [1], [0, 0, 1, 1], [], []>, transpose_lhs_hint = false} : vector<2000x128xf32>, vector<128x128xf32>, vector<2000x128xf32> -> vector<2000x128xf32>
    %get3A_30 = arith.constant 0 : index
    %get3A_31 = arith.constant 0 : index
    %get3A_32 = vector.load %arg7[%get3A_30, %get3A_31] : memref<1x128xf32, #tpu.memory_space<vmem>>, vector<1x128xf32>
    %add3A_33 = vector.broadcast %get3A_32 : vector<1x128xf32> to vector<2000x128xf32>
    %add3A_34 = arith.addf %dot_general3A_29, %add3A_33 : vector<2000x128xf32>
    %swap3A_35 = arith.constant 0 : index
    %swap3A_36 = arith.constant 0 : index
    %swap3A_37 = vector.load %arg10[%swap3A_35, %swap3A_36] : memref<2000x128xf32, #tpu.memory_space<vmem>>, vector<2000x128xf32>
    tpu.vector_store %arg10[%swap3A_35, %swap3A_36], %add3A_34 {strides = array<i32>} : memref<2000x128xf32, #tpu.memory_space<vmem>>, vector<2000x128xf32>,
    return
  }
  func.func @transform_0(%arg0: i32) -> (i32, i32) {
    %c0_i32 = arith.constant 0 : i32
    %c0_i32_0 = arith.constant 0 : i32
    return %arg0, %c0_i32 : i32, i32
  }
  func.func @transform_1(%arg0: i32) -> (i32, i32) {
    %c0_i32 = arith.constant 0 : i32
    %c0_i32_0 = arith.constant 0 : i32
    %c0_i32_1 = arith.constant 0 : i32
    return %c0_i32, %c0_i32_0 : i32, i32
  }
  func.func @transform_2(%arg0: i32) -> (i32, i32) {
    %c0_i32 = arith.constant 0 : i32
    %c0_i32_0 = arith.constant 0 : i32
    %c0_i32_1 = arith.constant 0 : i32
    return %c0_i32, %c0_i32_0 : i32, i32
  }
  func.func @transform_3(%arg0: i32) -> (i32, i32) {
    %c0_i32 = arith.constant 0 : i32
    %c0_i32_0 = arith.constant 0 : i32
    %c0_i32_1 = arith.constant 0 : i32
    return %c0_i32, %c0_i32_0 : i32, i32
  }
  func.func @transform_4(%arg0: i32) -> (i32, i32) {
    %c0_i32 = arith.constant 0 : i32
    %c0_i32_0 = arith.constant 0 : i32
    %c0_i32_1 = arith.constant 0 : i32
    return %c0_i32, %c0_i32_0 : i32, i32
  }
  func.func @transform_5(%arg0: i32) -> (i32, i32) {
    %c0_i32 = arith.constant 0 : i32
    %c0_i32_0 = arith.constant 0 : i32
    %c0_i32_1 = arith.constant 0 : i32
    return %c0_i32, %c0_i32_0 : i32, i32
  }
  func.func @transform_6(%arg0: i32) -> (i32, i32) {
    %c0_i32 = arith.constant 0 : i32
    %c0_i32_0 = arith.constant 0 : i32
    %c0_i32_1 = arith.constant 0 : i32
    return %c0_i32, %c0_i32_0 : i32, i32
  }
  func.func @transform_7(%arg0: i32) -> (i32, i32) {
    %c0_i32 = arith.constant 0 : i32
    %c0_i32_0 = arith.constant 0 : i32
    return %arg0, %c0_i32 : i32, i32
  }
  func.func @transform_8(%arg0: i32) -> (i32, i32) {
    %c0_i32 = arith.constant 0 : i32
    %c0_i32_0 = arith.constant 0 : i32
    return %arg0, %c0_i32 : i32, i32
  }
  func.func @transform_9(%arg0: i32) -> (i32, i32) {
    %c0_i32 = arith.constant 0 : i32
    %c0_i32_0 = arith.constant 0 : i32
    return %arg0, %c0_i32 : i32, i32
  }
}

module attributes {stable_mosaic.version = 14 : i64} {
  func.func @_score_body(%arg0: i32, %arg1: memref<4000x128xf32, #tpu.memory_space<vmem>>, %arg2: memref<4000x128xf32, #tpu.memory_space<vmem>>, %arg3: memref<4000x16xf32, #tpu.memory_space<vmem>>, %arg4: memref<16x8xf32, #tpu.memory_space<vmem>>, %arg5: memref<1x8xf32, #tpu.memory_space<vmem>>, %arg6: memref<4000x8xf32, #tpu.memory_space<vmem>>, %arg7: memref<1x8xf32, #tpu.memory_space<vmem>>, %arg8: memref<1x8xf32, #tpu.memory_space<vmem>>) attributes {dimension_semantics = [#tpu.dimension_semantics<arbitrary>], iteration_bounds = array<i64: 80>, scalar_prefetch = 0 : i64, scratch_operands = 0 : i64, tpu.core_type = #tpu.core_type<tc>, window_params = [{transform_indices = @transform_0, window_bounds = array<i64: 4000, 128>}, {transform_indices = @transform_1, window_bounds = array<i64: 4000, 128>}, {transform_indices = @transform_2, window_bounds = array<i64: 4000, 16>}, {pipeline_mode = #tpu.pipeline_mode<synchronous>, transform_indices = @transform_3, window_bounds = array<i64: 16, 8>}, {pipeline_mode = #tpu.pipeline_mode<synchronous>, transform_indices = @transform_4, window_bounds = array<i64: 1, 8>}, {transform_indices = @transform_5, window_bounds = array<i64: 4000, 8>}, {pipeline_mode = #tpu.pipeline_mode<synchronous>, transform_indices = @transform_6, window_bounds = array<i64: 1, 8>}, {pipeline_mode = #tpu.pipeline_mode<synchronous>, transform_indices = @transform_7, window_bounds = array<i64: 1, 8>}]} {
    %get3A = arith.constant 0 : index
    %get3A_0 = arith.constant 0 : index
    %get3A_1 = vector.load %arg1[%get3A, %get3A_0] : memref<4000x128xf32, #tpu.memory_space<vmem>>, vector<4000x128xf32>
    %get3A_2 = arith.constant 0 : index
    %get3A_3 = arith.constant 0 : index
    %get3A_4 = vector.load %arg2[%get3A_2, %get3A_3] : memref<4000x128xf32, #tpu.memory_space<vmem>>, vector<4000x128xf32>
    %mul3A = arith.mulf %get3A_1, %get3A_4 : vector<4000x128xf32>
    %iota3A = tpu.iota {dimensions = array<i32: 0>} : vector<128x8xi32>
    %iota3A_5 = tpu.iota {dimensions = array<i32: 1>} : vector<128x8xi32>
    %jit3A = arith.constant 16 : i32
    %div3A = vector.broadcast %jit3A : i32 to vector<128x8xi32>
    %div3A_6 = arith.divsi %iota3A, %div3A : vector<128x8xi32>
    %sign3A = arith.constant 0 : i32
    %sign3A_7 = vector.broadcast %sign3A : i32 to vector<128x8xi32>
    %sign3A_8 = arith.cmpi sgt, %iota3A, %sign3A_7 : vector<128x8xi32>
    %sign3A_9 = arith.extui %sign3A_8 : vector<128x8xi1> to vector<128x8xi32>
    %sign3A_10 = arith.constant 0 : i32
    %sign3A_11 = vector.broadcast %sign3A_10 : i32 to vector<128x8xi32>
    %sign3A_12 = arith.cmpi slt, %iota3A, %sign3A_11 : vector<128x8xi32>
    %sign3A_13 = arith.extui %sign3A_12 : vector<128x8xi1> to vector<128x8xi32>
    %sign3A_14 = arith.subi %sign3A_9, %sign3A_13 : vector<128x8xi32>
    %sign3A_15 = arith.constant 0 : i32
    %sign3A_16 = arith.cmpi sgt, %jit3A, %sign3A_15 : i32
    %sign3A_17 = arith.extui %sign3A_16 : i1 to i32
    %sign3A_18 = arith.constant 0 : i32
    %sign3A_19 = arith.cmpi slt, %jit3A, %sign3A_18 : i32
    %sign3A_20 = arith.extui %sign3A_19 : i1 to i32
    %sign3A_21 = arith.subi %sign3A_17, %sign3A_20 : i32
    %ne3A = vector.broadcast %sign3A_21 : i32 to vector<128x8xi32>
    %ne3A_22 = arith.cmpi ne, %sign3A_14, %ne3A : vector<128x8xi32>
    %rem3A = vector.broadcast %jit3A : i32 to vector<128x8xi32>
    %rem3A_23 = arith.remsi %iota3A, %rem3A : vector<128x8xi32>
    %ne3A_24 = arith.constant 0 : i32
    %ne3A_25 = vector.broadcast %ne3A_24 : i32 to vector<128x8xi32>
    %ne3A_26 = arith.cmpi ne, %rem3A_23, %ne3A_25 : vector<128x8xi32>
    %and3A = arith.andi %ne3A_22, %ne3A_26 : vector<128x8xi1>
    %sub3A = arith.constant 1 : i32
    %sub3A_27 = vector.broadcast %sub3A : i32 to vector<128x8xi32>
    %sub3A_28 = arith.subi %div3A_6, %sub3A_27 : vector<128x8xi32>
    %select_n3A = arith.select %and3A, %sub3A_28, %div3A_6 : vector<128x8xi1>, vector<128x8xi32>
    %eq3A = arith.cmpi eq, %select_n3A, %iota3A_5 : vector<128x8xi32>
    %convert_element_type3A = arith.extui %eq3A : vector<128x8xi1> to vector<128x8xi32>
    %convert_element_type3A_29 = arith.sitofp %convert_element_type3A : vector<128x8xi32> to vector<128x8xf32>
    %dot_general3A = arith.constant dense<0.000000e+00> : vector<4000x8xf32>
    %dot_general3A_30 = tpu.matmul %mul3A, %convert_element_type3A_29, %dot_general3A {dimension_numbers = #tpu.dot_dimension_numbers<[1], [0], [0], [1], [0, 0, 1, 1], [], []>, transpose_lhs_hint = false} : vector<4000x128xf32>, vector<128x8xf32>, vector<4000x8xf32> -> vector<4000x8xf32>
    %mul3A_31 = arith.constant 2.500000e-01 : f32
    %mul3A_32 = vector.broadcast %mul3A_31 : f32 to vector<4000x8xf32>
    %mul3A_33 = arith.mulf %dot_general3A_30, %mul3A_32 : vector<4000x8xf32>
    %get3A_34 = arith.constant 0 : index
    %get3A_35 = arith.constant 0 : index
    %get3A_36 = vector.load %arg3[%get3A_34, %get3A_35] : memref<4000x16xf32, #tpu.memory_space<vmem>>, vector<4000x16xf32>
    %get3A_37 = arith.constant 0 : index
    %get3A_38 = arith.constant 0 : index
    %get3A_39 = vector.load %arg4[%get3A_37, %get3A_38] : memref<16x8xf32, #tpu.memory_space<vmem>>, vector<16x8xf32>
    %dot_general3A_40 = arith.constant dense<0.000000e+00> : vector<4000x8xf32>
    %dot_general3A_41 = tpu.matmul %get3A_36, %get3A_39, %dot_general3A_40 {dimension_numbers = #tpu.dot_dimension_numbers<[1], [0], [0], [1], [0, 0, 1, 1], [], []>, transpose_lhs_hint = false} : vector<4000x16xf32>, vector<16x8xf32>, vector<4000x8xf32> -> vector<4000x8xf32>
    %add3A = arith.addf %mul3A_33, %dot_general3A_41 : vector<4000x8xf32>
    %get3A_42 = arith.constant 0 : index
    %get3A_43 = arith.constant 0 : index
    %get3A_44 = vector.load %arg5[%get3A_42, %get3A_43] : memref<1x8xf32, #tpu.memory_space<vmem>>, vector<1x8xf32>
    %add3A_45 = vector.broadcast %get3A_44 : vector<1x8xf32> to vector<4000x8xf32>
    %add3A_46 = arith.addf %add3A, %add3A_45 : vector<4000x8xf32>
    %swap3A = arith.constant 0 : index
    %swap3A_47 = arith.constant 0 : index
    %swap3A_48 = vector.load %arg6[%swap3A, %swap3A_47] : memref<4000x8xf32, #tpu.memory_space<vmem>>, vector<4000x8xf32>
    tpu.vector_store %arg6[%swap3A, %swap3A_47], %add3A_46 {strides = array<i32>} : memref<4000x8xf32, #tpu.memory_space<vmem>>, vector<4000x8xf32>,
    %reduce_max3A = arith.constant dense<0xFF800000> : vector<8xf32>
    %reduce_max3A_49 = vector.multi_reduction <maximumf>, %add3A_46, %reduce_max3A [0] : vector<4000x8xf32> to vector<8xf32>
    %broadcast_in_dim3A = vector.shape_cast %reduce_max3A_49 : vector<8xf32> to vector<1x8xf32>
    %eq3A_50 = arith.constant 0 : i32
    %eq3A_51 = arith.cmpi eq, %arg0, %eq3A_50 : i32
    %convert_element_type3A_52 = arith.extui %eq3A_51 : i1 to i32
    %cond3A = arith.constant 0 : i32
    %cond3A_53 = arith.cmpi ne, %convert_element_type3A_52, %cond3A : i32
    scf.if %cond3A_53 {
      %swap3A_59 = arith.constant 0 : index
      %swap3A_60 = arith.constant 0 : index
      %swap3A_61 = vector.load %arg7[%swap3A_59, %swap3A_60] : memref<1x8xf32, #tpu.memory_space<vmem>>, vector<1x8xf32>
      tpu.vector_store %arg7[%swap3A_59, %swap3A_60], %broadcast_in_dim3A {strides = array<i32>} : memref<1x8xf32, #tpu.memory_space<vmem>>, vector<1x8xf32>,
      %sub3A_62 = vector.broadcast %broadcast_in_dim3A : vector<1x8xf32> to vector<4000x8xf32>
      %sub3A_63 = arith.subf %add3A_46, %sub3A_62 : vector<4000x8xf32>
      %exp3A = math.exp %sub3A_63 : vector<4000x8xf32>
      %reduce_sum3A = arith.constant dense<0.000000e+00> : vector<8xf32>
      %reduce_sum3A_64 = vector.multi_reduction <add>, %exp3A, %reduce_sum3A [0] : vector<4000x8xf32> to vector<8xf32>
      %broadcast_in_dim3A_65 = vector.shape_cast %reduce_sum3A_64 : vector<8xf32> to vector<1x8xf32>
      %swap3A_66 = arith.constant 0 : index
      %swap3A_67 = arith.constant 0 : index
      %swap3A_68 = vector.load %arg8[%swap3A_66, %swap3A_67] : memref<1x8xf32, #tpu.memory_space<vmem>>, vector<1x8xf32>
      tpu.vector_store %arg8[%swap3A_66, %swap3A_67], %broadcast_in_dim3A_65 {strides = array<i32>} : memref<1x8xf32, #tpu.memory_space<vmem>>, vector<1x8xf32>,
    } else {
    }
    %ne3A_54 = arith.constant 0 : i32
    %ne3A_55 = arith.cmpi ne, %arg0, %ne3A_54 : i32
    %convert_element_type3A_56 = arith.extui %ne3A_55 : i1 to i32
    %cond3A_57 = arith.constant 0 : i32
    %cond3A_58 = arith.cmpi ne, %convert_element_type3A_56, %cond3A_57 : i32
    scf.if %cond3A_58 {
      %get3A_59 = arith.constant 0 : index
      %get3A_60 = arith.constant 0 : index
      %get3A_61 = vector.load %arg7[%get3A_59, %get3A_60] : memref<1x8xf32, #tpu.memory_space<vmem>>, vector<1x8xf32>
      %max3A = arith.maximumf %get3A_61, %broadcast_in_dim3A : vector<1x8xf32>
      %get3A_62 = arith.constant 0 : index
      %get3A_63 = arith.constant 0 : index
      %get3A_64 = vector.load %arg8[%get3A_62, %get3A_63] : memref<1x8xf32, #tpu.memory_space<vmem>>, vector<1x8xf32>
      %sub3A_65 = arith.subf %get3A_61, %max3A : vector<1x8xf32>
      %exp3A = math.exp %sub3A_65 : vector<1x8xf32>
      %mul3A_66 = arith.mulf %get3A_64, %exp3A : vector<1x8xf32>
      %sub3A_67 = vector.broadcast %max3A : vector<1x8xf32> to vector<4000x8xf32>
      %sub3A_68 = arith.subf %add3A_46, %sub3A_67 : vector<4000x8xf32>
      %exp3A_69 = math.exp %sub3A_68 : vector<4000x8xf32>
      %reduce_sum3A = arith.constant dense<0.000000e+00> : vector<8xf32>
      %reduce_sum3A_70 = vector.multi_reduction <add>, %exp3A_69, %reduce_sum3A [0] : vector<4000x8xf32> to vector<8xf32>
      %broadcast_in_dim3A_71 = vector.shape_cast %reduce_sum3A_70 : vector<8xf32> to vector<1x8xf32>
      %add3A_72 = arith.addf %mul3A_66, %broadcast_in_dim3A_71 : vector<1x8xf32>
      %swap3A_73 = arith.constant 0 : index
      %swap3A_74 = arith.constant 0 : index
      %swap3A_75 = vector.load %arg8[%swap3A_73, %swap3A_74] : memref<1x8xf32, #tpu.memory_space<vmem>>, vector<1x8xf32>
      tpu.vector_store %arg8[%swap3A_73, %swap3A_74], %add3A_72 {strides = array<i32>} : memref<1x8xf32, #tpu.memory_space<vmem>>, vector<1x8xf32>,
      %swap3A_76 = arith.constant 0 : index
      %swap3A_77 = arith.constant 0 : index
      %swap3A_78 = vector.load %arg7[%swap3A_76, %swap3A_77] : memref<1x8xf32, #tpu.memory_space<vmem>>, vector<1x8xf32>
      tpu.vector_store %arg7[%swap3A_76, %swap3A_77], %max3A {strides = array<i32>} : memref<1x8xf32, #tpu.memory_space<vmem>>, vector<1x8xf32>,
    } else {
    }
    return
  }
  func.func @transform_0(%arg0: i32) -> (i32, i32) {
    %c0_i32 = arith.constant 0 : i32
    %c0_i32_0 = arith.constant 0 : i32
    return %arg0, %c0_i32 : i32, i32
  }
  func.func @transform_1(%arg0: i32) -> (i32, i32) {
    %c0_i32 = arith.constant 0 : i32
    %c0_i32_0 = arith.constant 0 : i32
    return %arg0, %c0_i32 : i32, i32
  }
  func.func @transform_2(%arg0: i32) -> (i32, i32) {
    %c0_i32 = arith.constant 0 : i32
    %c0_i32_0 = arith.constant 0 : i32
    return %arg0, %c0_i32 : i32, i32
  }
  func.func @transform_3(%arg0: i32) -> (i32, i32) {
    %c0_i32 = arith.constant 0 : i32
    %c0_i32_0 = arith.constant 0 : i32
    %c0_i32_1 = arith.constant 0 : i32
    return %c0_i32, %c0_i32_0 : i32, i32
  }
  func.func @transform_4(%arg0: i32) -> (i32, i32) {
    %c0_i32 = arith.constant 0 : i32
    %c0_i32_0 = arith.constant 0 : i32
    %c0_i32_1 = arith.constant 0 : i32
    return %c0_i32, %c0_i32_0 : i32, i32
  }
  func.func @transform_5(%arg0: i32) -> (i32, i32) {
    %c0_i32 = arith.constant 0 : i32
    %c0_i32_0 = arith.constant 0 : i32
    return %arg0, %c0_i32 : i32, i32
  }
  func.func @transform_6(%arg0: i32) -> (i32, i32) {
    %c0_i32 = arith.constant 0 : i32
    %c0_i32_0 = arith.constant 0 : i32
    %c0_i32_1 = arith.constant 0 : i32
    return %c0_i32, %c0_i32_0 : i32, i32
  }
  func.func @transform_7(%arg0: i32) -> (i32, i32) {
    %c0_i32 = arith.constant 0 : i32
    %c0_i32_0 = arith.constant 0 : i32
    %c0_i32_1 = arith.constant 0 : i32
    return %c0_i32, %c0_i32_0 : i32, i32
  }
}

module attributes {stable_mosaic.version = 14 : i64} {
  func.func @_wv_body(%arg0: i32, %arg1: memref<4000x8xf32, #tpu.memory_space<vmem>>, %arg2: memref<1x8xf32, #tpu.memory_space<vmem>>, %arg3: memref<1x8xf32, #tpu.memory_space<vmem>>, %arg4: memref<4000x128xf32, #tpu.memory_space<vmem>>, %arg5: memref<4000x128xf32, #tpu.memory_space<vmem>>) attributes {dimension_semantics = [#tpu.dimension_semantics<arbitrary>], iteration_bounds = array<i64: 80>, scalar_prefetch = 0 : i64, scratch_operands = 0 : i64, tpu.core_type = #tpu.core_type<tc>, window_params = [{transform_indices = @transform_0, window_bounds = array<i64: 4000, 8>}, {pipeline_mode = #tpu.pipeline_mode<synchronous>, transform_indices = @transform_1, window_bounds = array<i64: 1, 8>}, {pipeline_mode = #tpu.pipeline_mode<synchronous>, transform_indices = @transform_2, window_bounds = array<i64: 1, 8>}, {transform_indices = @transform_3, window_bounds = array<i64: 4000, 128>}, {transform_indices = @transform_4, window_bounds = array<i64: 4000, 128>}]} {
    %get3A = arith.constant 0 : index
    %get3A_0 = arith.constant 0 : index
    %get3A_1 = vector.load %arg1[%get3A, %get3A_0] : memref<4000x8xf32, #tpu.memory_space<vmem>>, vector<4000x8xf32>
    %get3A_2 = arith.constant 0 : index
    %get3A_3 = arith.constant 0 : index
    %get3A_4 = vector.load %arg2[%get3A_2, %get3A_3] : memref<1x8xf32, #tpu.memory_space<vmem>>, vector<1x8xf32>
    %sub3A = vector.broadcast %get3A_4 : vector<1x8xf32> to vector<4000x8xf32>
    %sub3A_5 = arith.subf %get3A_1, %sub3A : vector<4000x8xf32>
    %exp3A = math.exp %sub3A_5 : vector<4000x8xf32>
    %get3A_6 = arith.constant 0 : index
    %get3A_7 = arith.constant 0 : index
    %get3A_8 = vector.load %arg3[%get3A_6, %get3A_7] : memref<1x8xf32, #tpu.memory_space<vmem>>, vector<1x8xf32>
    %div3A = vector.broadcast %get3A_8 : vector<1x8xf32> to vector<4000x8xf32>
    %div3A_9 = arith.divf %exp3A, %div3A : vector<4000x8xf32>
    %iota3A = tpu.iota {dimensions = array<i32: 0>} : vector<8x128xi32>
    %iota3A_10 = tpu.iota {dimensions = array<i32: 1>} : vector<8x128xi32>
    %jit3A = arith.constant 16 : i32
    %div3A_11 = vector.broadcast %jit3A : i32 to vector<8x128xi32>
    %div3A_12 = arith.divsi %iota3A_10, %div3A_11 : vector<8x128xi32>
    %sign3A = arith.constant 0 : i32
    %sign3A_13 = vector.broadcast %sign3A : i32 to vector<8x128xi32>
    %sign3A_14 = arith.cmpi sgt, %iota3A_10, %sign3A_13 : vector<8x128xi32>
    %sign3A_15 = arith.extui %sign3A_14 : vector<8x128xi1> to vector<8x128xi32>
    %sign3A_16 = arith.constant 0 : i32
    %sign3A_17 = vector.broadcast %sign3A_16 : i32 to vector<8x128xi32>
    %sign3A_18 = arith.cmpi slt, %iota3A_10, %sign3A_17 : vector<8x128xi32>
    %sign3A_19 = arith.extui %sign3A_18 : vector<8x128xi1> to vector<8x128xi32>
    %sign3A_20 = arith.subi %sign3A_15, %sign3A_19 : vector<8x128xi32>
    %sign3A_21 = arith.constant 0 : i32
    %sign3A_22 = arith.cmpi sgt, %jit3A, %sign3A_21 : i32
    %sign3A_23 = arith.extui %sign3A_22 : i1 to i32
    %sign3A_24 = arith.constant 0 : i32
    %sign3A_25 = arith.cmpi slt, %jit3A, %sign3A_24 : i32
    %sign3A_26 = arith.extui %sign3A_25 : i1 to i32
    %sign3A_27 = arith.subi %sign3A_23, %sign3A_26 : i32
    %ne3A = vector.broadcast %sign3A_27 : i32 to vector<8x128xi32>
    %ne3A_28 = arith.cmpi ne, %sign3A_20, %ne3A : vector<8x128xi32>
    %rem3A = vector.broadcast %jit3A : i32 to vector<8x128xi32>
    %rem3A_29 = arith.remsi %iota3A_10, %rem3A : vector<8x128xi32>
    %ne3A_30 = arith.constant 0 : i32
    %ne3A_31 = vector.broadcast %ne3A_30 : i32 to vector<8x128xi32>
    %ne3A_32 = arith.cmpi ne, %rem3A_29, %ne3A_31 : vector<8x128xi32>
    %and3A = arith.andi %ne3A_28, %ne3A_32 : vector<8x128xi1>
    %sub3A_33 = arith.constant 1 : i32
    %sub3A_34 = vector.broadcast %sub3A_33 : i32 to vector<8x128xi32>
    %sub3A_35 = arith.subi %div3A_12, %sub3A_34 : vector<8x128xi32>
    %select_n3A = arith.select %and3A, %sub3A_35, %div3A_12 : vector<8x128xi1>, vector<8x128xi32>
    %eq3A = arith.cmpi eq, %select_n3A, %iota3A : vector<8x128xi32>
    %convert_element_type3A = arith.extui %eq3A : vector<8x128xi1> to vector<8x128xi32>
    %convert_element_type3A_36 = arith.sitofp %convert_element_type3A : vector<8x128xi32> to vector<8x128xf32>
    %dot_general3A = arith.constant dense<0.000000e+00> : vector<4000x128xf32>
    %dot_general3A_37 = tpu.matmul %div3A_9, %convert_element_type3A_36, %dot_general3A {dimension_numbers = #tpu.dot_dimension_numbers<[1], [0], [0], [1], [0, 0, 1, 1], [], []>, transpose_lhs_hint = false} : vector<4000x8xf32>, vector<8x128xf32>, vector<4000x128xf32> -> vector<4000x128xf32>
    %get3A_38 = arith.constant 0 : index
    %get3A_39 = arith.constant 0 : index
    %get3A_40 = vector.load %arg4[%get3A_38, %get3A_39] : memref<4000x128xf32, #tpu.memory_space<vmem>>, vector<4000x128xf32>
    %mul3A = arith.mulf %dot_general3A_37, %get3A_40 : vector<4000x128xf32>
    %swap3A = arith.constant 0 : index
    %swap3A_41 = arith.constant 0 : index
    %swap3A_42 = vector.load %arg5[%swap3A, %swap3A_41] : memref<4000x128xf32, #tpu.memory_space<vmem>>, vector<4000x128xf32>
    tpu.vector_store %arg5[%swap3A, %swap3A_41], %mul3A {strides = array<i32>} : memref<4000x128xf32, #tpu.memory_space<vmem>>, vector<4000x128xf32>,
    return
  }
  func.func @transform_0(%arg0: i32) -> (i32, i32) {
    %c0_i32 = arith.constant 0 : i32
    %c0_i32_0 = arith.constant 0 : i32
    return %arg0, %c0_i32 : i32, i32
  }
  func.func @transform_1(%arg0: i32) -> (i32, i32) {
    %c0_i32 = arith.constant 0 : i32
    %c0_i32_0 = arith.constant 0 : i32
    %c0_i32_1 = arith.constant 0 : i32
    return %c0_i32, %c0_i32_0 : i32, i32
  }
  func.func @transform_2(%arg0: i32) -> (i32, i32) {
    %c0_i32 = arith.constant 0 : i32
    %c0_i32_0 = arith.constant 0 : i32
    %c0_i32_1 = arith.constant 0 : i32
    return %c0_i32, %c0_i32_0 : i32, i32
  }
  func.func @transform_3(%arg0: i32) -> (i32, i32) {
    %c0_i32 = arith.constant 0 : i32
    %c0_i32_0 = arith.constant 0 : i32
    return %arg0, %c0_i32 : i32, i32
  }
  func.func @transform_4(%arg0: i32) -> (i32, i32) {
    %c0_i32 = arith.constant 0 : i32
    %c0_i32_0 = arith.constant 0 : i32
    return %arg0, %c0_i32 : i32, i32
  }
}

module attributes {stable_mosaic.version = 14 : i64} {
  func.func @_post_body(%arg0: i32, %arg1: memref<2000x128xf32, #tpu.memory_space<vmem>>, %arg2: memref<2x2000x128xf32, #tpu.memory_space<vmem>>, %arg3: memref<128x128xf32, #tpu.memory_space<vmem>>, %arg4: memref<1x128xf32, #tpu.memory_space<vmem>>, %arg5: memref<1x128xf32, #tpu.memory_space<vmem>>, %arg6: memref<1x128xf32, #tpu.memory_space<vmem>>, %arg7: memref<1x128xf32, #tpu.memory_space<vmem>>, %arg8: memref<1x128xf32, #tpu.memory_space<vmem>>, %arg9: memref<128x512xf32, #tpu.memory_space<vmem>>, %arg10: memref<1x512xf32, #tpu.memory_space<vmem>>, %arg11: memref<512x128xf32, #tpu.memory_space<vmem>>, %arg12: memref<1x128xf32, #tpu.memory_space<vmem>>, %arg13: memref<2000x128xf32, #tpu.memory_space<vmem>>) attributes {dimension_semantics = [#tpu.dimension_semantics<arbitrary>], iteration_bounds = array<i64: 5>, scalar_prefetch = 0 : i64, scratch_operands = 0 : i64, tpu.core_type = #tpu.core_type<tc>, window_params = [{transform_indices = @transform_0, window_bounds = array<i64: 2000, 128>}, {transform_indices = @transform_1, window_bounds = array<i64: 2, 2000, 128>}, {pipeline_mode = #tpu.pipeline_mode<synchronous>, transform_indices = @transform_2, window_bounds = array<i64: 128, 128>}, {pipeline_mode = #tpu.pipeline_mode<synchronous>, transform_indices = @transform_3, window_bounds = array<i64: 1, 128>}, {pipeline_mode = #tpu.pipeline_mode<synchronous>, transform_indices = @transform_4, window_bounds = array<i64: 1, 128>}, {pipeline_mode = #tpu.pipeline_mode<synchronous>, transform_indices = @transform_5, window_bounds = array<i64: 1, 128>}, {pipeline_mode = #tpu.pipeline_mode<synchronous>, transform_indices = @transform_6, window_bounds = array<i64: 1, 128>}, {pipeline_mode = #tpu.pipeline_mode<synchronous>, transform_indices = @transform_7, window_bounds = array<i64: 1, 128>}, {pipeline_mode = #tpu.pipeline_mode<synchronous>, transform_indices = @transform_8, window_bounds = array<i64: 128, 512>}, {pipeline_mode = #tpu.pipeline_mode<synchronous>, transform_indices = @transform_9, window_bounds = array<i64: 1, 512>}, {pipeline_mode = #tpu.pipeline_mode<synchronous>, transform_indices = @transform_10, window_bounds = array<i64: 512, 128>}, {pipeline_mode = #tpu.pipeline_mode<synchronous>, transform_indices = @transform_11, window_bounds = array<i64: 1, 128>}, {transform_indices = @transform_12, window_bounds = array<i64: 2000, 128>}]} {
    %get3A = arith.constant 0 : index
    %get3A_0 = arith.constant 0 : index
    %get3A_1 = arith.constant 0 : index
    %get3A_2 = vector.load %arg2[%get3A, %get3A_0, %get3A_1] : memref<2x2000x128xf32, #tpu.memory_space<vmem>>, vector<1x2000x128xf32>
    %get3A_3 = vector.shape_cast %get3A_2 : vector<1x2000x128xf32> to vector<2000x128xf32>
    %get3A_4 = arith.constant 1 : index
    %get3A_5 = arith.constant 0 : index
    %get3A_6 = arith.constant 0 : index
    %get3A_7 = vector.load %arg2[%get3A_4, %get3A_5, %get3A_6] : memref<2x2000x128xf32, #tpu.memory_space<vmem>>, vector<1x2000x128xf32>
    %get3A_8 = vector.shape_cast %get3A_7 : vector<1x2000x128xf32> to vector<2000x128xf32>
    %add3A = arith.addf %get3A_3, %get3A_8 : vector<2000x128xf32>
    %get3A_9 = arith.constant 0 : index
    %get3A_10 = arith.constant 0 : index
    %get3A_11 = vector.load %arg3[%get3A_9, %get3A_10] : memref<128x128xf32, #tpu.memory_space<vmem>>, vector<128x128xf32>
    %dot_general3A = arith.constant dense<0.000000e+00> : vector<2000x128xf32>
    %dot_general3A_12 = tpu.matmul %add3A, %get3A_11, %dot_general3A {dimension_numbers = #tpu.dot_dimension_numbers<[1], [0], [0], [1], [0, 0, 1, 1], [], []>, transpose_lhs_hint = false} : vector<2000x128xf32>, vector<128x128xf32>, vector<2000x128xf32> -> vector<2000x128xf32>
    %get3A_13 = arith.constant 0 : index
    %get3A_14 = arith.constant 0 : index
    %get3A_15 = vector.load %arg4[%get3A_13, %get3A_14] : memref<1x128xf32, #tpu.memory_space<vmem>>, vector<1x128xf32>
    %add3A_16 = vector.broadcast %get3A_15 : vector<1x128xf32> to vector<2000x128xf32>
    %add3A_17 = arith.addf %dot_general3A_12, %add3A_16 : vector<2000x128xf32>
    %get3A_18 = arith.constant 0 : index
    %get3A_19 = arith.constant 0 : index
    %get3A_20 = vector.load %arg1[%get3A_18, %get3A_19] : memref<2000x128xf32, #tpu.memory_space<vmem>>, vector<2000x128xf32>
    %add3A_21 = arith.addf %get3A_20, %add3A_17 : vector<2000x128xf32>
    %get3A_22 = arith.constant 0 : index
    %get3A_23 = arith.constant 0 : index
    %get3A_24 = vector.load %arg5[%get3A_22, %get3A_23] : memref<1x128xf32, #tpu.memory_space<vmem>>, vector<1x128xf32>
    %get3A_25 = arith.constant 0 : index
    %get3A_26 = arith.constant 0 : index
    %get3A_27 = vector.load %arg6[%get3A_25, %get3A_26] : memref<1x128xf32, #tpu.memory_space<vmem>>, vector<1x128xf32>
    %reduce_sum3A = arith.constant dense<0.000000e+00> : vector<2000xf32>
    %reduce_sum3A_28 = vector.multi_reduction <add>, %add3A_21, %reduce_sum3A [1] : vector<2000x128xf32> to vector<2000xf32>
    %broadcast_in_dim3A = vector.shape_cast %reduce_sum3A_28 : vector<2000xf32> to vector<2000x1xf32>
    %div3A = arith.constant 1.280000e+02 : f32
    %div3A_29 = vector.broadcast %div3A : f32 to vector<2000x1xf32>
    %div3A_30 = arith.divf %broadcast_in_dim3A, %div3A_29 : vector<2000x1xf32>
    %jit3A = arith.constant 0 : i32
    %reduce_sum3A_31 = arith.constant dense<0.000000e+00> : vector<2000xf32>
    %reduce_sum3A_32 = vector.multi_reduction <add>, %add3A_21, %reduce_sum3A_31 [1] : vector<2000x128xf32> to vector<2000xf32>
    %broadcast_in_dim3A_33 = vector.shape_cast %reduce_sum3A_32 : vector<2000xf32> to vector<2000x1xf32>
    %div3A_34 = arith.constant 1.280000e+02 : f32
    %div3A_35 = vector.broadcast %div3A_34 : f32 to vector<2000x1xf32>
    %div3A_36 = arith.divf %broadcast_in_dim3A_33, %div3A_35 : vector<2000x1xf32>
    %sub3A = vector.broadcast %div3A_36 : vector<2000x1xf32> to vector<2000x128xf32>
    %sub3A_37 = arith.subf %add3A_21, %sub3A : vector<2000x128xf32>
    %square3A = arith.mulf %sub3A_37, %sub3A_37 : vector<2000x128xf32>
    %convert_element_type3A = arith.sitofp %jit3A : i32 to f32
    %sub3A_38 = arith.constant 1.280000e+02 : f32
    %sub3A_39 = arith.subf %sub3A_38, %convert_element_type3A : f32
    %reduce_sum3A_40 = arith.constant dense<0.000000e+00> : vector<2000xf32>
    %reduce_sum3A_41 = vector.multi_reduction <add>, %square3A, %reduce_sum3A_40 [1] : vector<2000x128xf32> to vector<2000xf32>
    %broadcast_in_dim3A_42 = vector.shape_cast %reduce_sum3A_41 : vector<2000xf32> to vector<2000x1xf32>
    %div3A_43 = vector.broadcast %sub3A_39 : f32 to vector<2000x1xf32>
    %div3A_44 = arith.divf %broadcast_in_dim3A_42, %div3A_43 : vector<2000x1xf32>
    %gt3A = arith.constant 0.000000e+00 : f32
    %gt3A_45 = arith.cmpf ogt, %sub3A_39, %gt3A : f32
    %jit3A_46 = arith.constant 0x7FC00000 : f32
    %broadcast_in_dim3A_47 = vector.broadcast %jit3A_46 : f32 to vector<2000x1xf32>
    %select_n3A = arith.select %gt3A_45, %div3A_44, %broadcast_in_dim3A_47 : vector<2000x1xf32>
    %sub3A_48 = vector.broadcast %div3A_30 : vector<2000x1xf32> to vector<2000x128xf32>
    %sub3A_49 = arith.subf %add3A_21, %sub3A_48 : vector<2000x128xf32>
    %add3A_50 = arith.constant 9.99999974E-6 : f32
    %add3A_51 = vector.broadcast %add3A_50 : f32 to vector<2000x1xf32>
    %add3A_52 = arith.addf %select_n3A, %add3A_51 : vector<2000x1xf32>
    %sqrt3A = math.sqrt %add3A_52 : vector<2000x1xf32>
    %div3A_53 = vector.broadcast %sqrt3A : vector<2000x1xf32> to vector<2000x128xf32>
    %div3A_54 = arith.divf %sub3A_49, %div3A_53 : vector<2000x128xf32>
    %mul3A = vector.broadcast %get3A_24 : vector<1x128xf32> to vector<2000x128xf32>
    %mul3A_55 = arith.mulf %div3A_54, %mul3A : vector<2000x128xf32>
    %add3A_56 = vector.broadcast %get3A_27 : vector<1x128xf32> to vector<2000x128xf32>
    %add3A_57 = arith.addf %mul3A_55, %add3A_56 : vector<2000x128xf32>
    %get3A_58 = arith.constant 0 : index
    %get3A_59 = arith.constant 0 : index
    %get3A_60 = vector.load %arg9[%get3A_58, %get3A_59] : memref<128x512xf32, #tpu.memory_space<vmem>>, vector<128x512xf32>
    %dot_general3A_61 = arith.constant dense<0.000000e+00> : vector<2000x512xf32>
    %dot_general3A_62 = tpu.matmul %add3A_57, %get3A_60, %dot_general3A_61 {dimension_numbers = #tpu.dot_dimension_numbers<[1], [0], [0], [1], [0, 0, 1, 1], [], []>, transpose_lhs_hint = false} : vector<2000x128xf32>, vector<128x512xf32>, vector<2000x512xf32> -> vector<2000x512xf32>
    %get3A_63 = arith.constant 0 : index
    %get3A_64 = arith.constant 0 : index
    %get3A_65 = vector.load %arg10[%get3A_63, %get3A_64] : memref<1x512xf32, #tpu.memory_space<vmem>>, vector<1x512xf32>
    %add3A_66 = vector.broadcast %get3A_65 : vector<1x512xf32> to vector<2000x512xf32>
    %add3A_67 = arith.addf %dot_general3A_62, %add3A_66 : vector<2000x512xf32>
    %max3A = arith.constant 0.000000e+00 : f32
    %max3A_68 = vector.broadcast %max3A : f32 to vector<2000x512xf32>
    %max3A_69 = arith.maximumf %add3A_67, %max3A_68 : vector<2000x512xf32>
    %get3A_70 = arith.constant 0 : index
    %get3A_71 = arith.constant 0 : index
    %get3A_72 = vector.load %arg11[%get3A_70, %get3A_71] : memref<512x128xf32, #tpu.memory_space<vmem>>, vector<512x128xf32>
    %dot_general3A_73 = arith.constant dense<0.000000e+00> : vector<2000x128xf32>
    %dot_general3A_74 = tpu.matmul %max3A_69, %get3A_72, %dot_general3A_73 {dimension_numbers = #tpu.dot_dimension_numbers<[1], [0], [0], [1], [0, 0, 1, 1], [], []>, transpose_lhs_hint = false} : vector<2000x512xf32>, vector<512x128xf32>, vector<2000x128xf32> -> vector<2000x128xf32>
    %get3A_75 = arith.constant 0 : index
    %get3A_76 = arith.constant 0 : index
    %get3A_77 = vector.load %arg12[%get3A_75, %get3A_76] : memref<1x128xf32, #tpu.memory_space<vmem>>, vector<1x128xf32>
    %add3A_78 = vector.broadcast %get3A_77 : vector<1x128xf32> to vector<2000x128xf32>
    %add3A_79 = arith.addf %dot_general3A_74, %add3A_78 : vector<2000x128xf32>
    %add3A_80 = arith.addf %add3A_57, %add3A_79 : vector<2000x128xf32>
    %get3A_81 = arith.constant 0 : index
    %get3A_82 = arith.constant 0 : index
    %get3A_83 = vector.load %arg7[%get3A_81, %get3A_82] : memref<1x128xf32, #tpu.memory_space<vmem>>, vector<1x128xf32>
    %get3A_84 = arith.constant 0 : index
    %get3A_85 = arith.constant 0 : index
    %get3A_86 = vector.load %arg8[%get3A_84, %get3A_85] : memref<1x128xf32, #tpu.memory_space<vmem>>, vector<1x128xf32>
    %reduce_sum3A_87 = arith.constant dense<0.000000e+00> : vector<2000xf32>
    %reduce_sum3A_88 = vector.multi_reduction <add>, %add3A_80, %reduce_sum3A_87 [1] : vector<2000x128xf32> to vector<2000xf32>
    %broadcast_in_dim3A_89 = vector.shape_cast %reduce_sum3A_88 : vector<2000xf32> to vector<2000x1xf32>
    %div3A_90 = arith.constant 1.280000e+02 : f32
    %div3A_91 = vector.broadcast %div3A_90 : f32 to vector<2000x1xf32>
    %div3A_92 = arith.divf %broadcast_in_dim3A_89, %div3A_91 : vector<2000x1xf32>
    %jit3A_93 = arith.constant 0 : i32
    %reduce_sum3A_94 = arith.constant dense<0.000000e+00> : vector<2000xf32>
    %reduce_sum3A_95 = vector.multi_reduction <add>, %add3A_80, %reduce_sum3A_94 [1] : vector<2000x128xf32> to vector<2000xf32>
    %broadcast_in_dim3A_96 = vector.shape_cast %reduce_sum3A_95 : vector<2000xf32> to vector<2000x1xf32>
    %div3A_97 = arith.constant 1.280000e+02 : f32
    %div3A_98 = vector.broadcast %div3A_97 : f32 to vector<2000x1xf32>
    %div3A_99 = arith.divf %broadcast_in_dim3A_96, %div3A_98 : vector<2000x1xf32>
    %sub3A_100 = vector.broadcast %div3A_99 : vector<2000x1xf32> to vector<2000x128xf32>
    %sub3A_101 = arith.subf %add3A_80, %sub3A_100 : vector<2000x128xf32>
    %square3A_102 = arith.mulf %sub3A_101, %sub3A_101 : vector<2000x128xf32>
    %convert_element_type3A_103 = arith.sitofp %jit3A_93 : i32 to f32
    %sub3A_104 = arith.constant 1.280000e+02 : f32
    %sub3A_105 = arith.subf %sub3A_104, %convert_element_type3A_103 : f32
    %reduce_sum3A_106 = arith.constant dense<0.000000e+00> : vector<2000xf32>
    %reduce_sum3A_107 = vector.multi_reduction <add>, %square3A_102, %reduce_sum3A_106 [1] : vector<2000x128xf32> to vector<2000xf32>
    %broadcast_in_dim3A_108 = vector.shape_cast %reduce_sum3A_107 : vector<2000xf32> to vector<2000x1xf32>
    %div3A_109 = vector.broadcast %sub3A_105 : f32 to vector<2000x1xf32>
    %div3A_110 = arith.divf %broadcast_in_dim3A_108, %div3A_109 : vector<2000x1xf32>
    %gt3A_111 = arith.constant 0.000000e+00 : f32
    %gt3A_112 = arith.cmpf ogt, %sub3A_105, %gt3A_111 : f32
    %jit3A_113 = arith.constant 0x7FC00000 : f32
    %broadcast_in_dim3A_114 = vector.broadcast %jit3A_113 : f32 to vector<2000x1xf32>
    %select_n3A_115 = arith.select %gt3A_112, %div3A_110, %broadcast_in_dim3A_114 : vector<2000x1xf32>
    %sub3A_116 = vector.broadcast %div3A_92 : vector<2000x1xf32> to vector<2000x128xf32>
    %sub3A_117 = arith.subf %add3A_80, %sub3A_116 : vector<2000x128xf32>
    %add3A_118 = arith.constant 9.99999974E-6 : f32
    %add3A_119 = vector.broadcast %add3A_118 : f32 to vector<2000x1xf32>
    %add3A_120 = arith.addf %select_n3A_115, %add3A_119 : vector<2000x1xf32>
    %sqrt3A_121 = math.sqrt %add3A_120 : vector<2000x1xf32>
    %div3A_122 = vector.broadcast %sqrt3A_121 : vector<2000x1xf32> to vector<2000x128xf32>
    %div3A_123 = arith.divf %sub3A_117, %div3A_122 : vector<2000x128xf32>
    %mul3A_124 = vector.broadcast %get3A_83 : vector<1x128xf32> to vector<2000x128xf32>
    %mul3A_125 = arith.mulf %div3A_123, %mul3A_124 : vector<2000x128xf32>
    %add3A_126 = vector.broadcast %get3A_86 : vector<1x128xf32> to vector<2000x128xf32>
    %add3A_127 = arith.addf %mul3A_125, %add3A_126 : vector<2000x128xf32>
    %swap3A = arith.constant 0 : index
    %swap3A_128 = arith.constant 0 : index
    %swap3A_129 = vector.load %arg13[%swap3A, %swap3A_128] : memref<2000x128xf32, #tpu.memory_space<vmem>>, vector<2000x128xf32>
    tpu.vector_store %arg13[%swap3A, %swap3A_128], %add3A_127 {strides = array<i32>} : memref<2000x128xf32, #tpu.memory_space<vmem>>, vector<2000x128xf32>,
    return
  }
  func.func @transform_0(%arg0: i32) -> (i32, i32) {
    %c0_i32 = arith.constant 0 : i32
    %c0_i32_0 = arith.constant 0 : i32
    return %arg0, %c0_i32 : i32, i32
  }
  func.func @transform_1(%arg0: i32) -> (i32, i32, i32) {
    %c0_i32 = arith.constant 0 : i32
    %c0_i32_0 = arith.constant 0 : i32
    %c0_i32_1 = arith.constant 0 : i32
    return %c0_i32, %arg0, %c0_i32_0 : i32, i32, i32
  }
  func.func @transform_2(%arg0: i32) -> (i32, i32) {
    %c0_i32 = arith.constant 0 : i32
    %c0_i32_0 = arith.constant 0 : i32
    %c0_i32_1 = arith.constant 0 : i32
    return %c0_i32, %c0_i32_0 : i32, i32
  }
  func.func @transform_3(%arg0: i32) -> (i32, i32) {
    %c0_i32 = arith.constant 0 : i32
    %c0_i32_0 = arith.constant 0 : i32
    %c0_i32_1 = arith.constant 0 : i32
    return %c0_i32, %c0_i32_0 : i32, i32
  }
  func.func @transform_4(%arg0: i32) -> (i32, i32) {
    %c0_i32 = arith.constant 0 : i32
    %c0_i32_0 = arith.constant 0 : i32
    %c0_i32_1 = arith.constant 0 : i32
    return %c0_i32, %c0_i32_0 : i32, i32
  }
  func.func @transform_5(%arg0: i32) -> (i32, i32) {
    %c0_i32 = arith.constant 0 : i32
    %c0_i32_0 = arith.constant 0 : i32
    %c0_i32_1 = arith.constant 0 : i32
    return %c0_i32, %c0_i32_0 : i32, i32
  }
  func.func @transform_6(%arg0: i32) -> (i32, i32) {
    %c0_i32 = arith.constant 0 : i32
    %c0_i32_0 = arith.constant 0 : i32
    %c0_i32_1 = arith.constant 0 : i32
    return %c0_i32, %c0_i32_0 : i32, i32
  }
  func.func @transform_7(%arg0: i32) -> (i32, i32) {
    %c0_i32 = arith.constant 0 : i32
    %c0_i32_0 = arith.constant 0 : i32
    %c0_i32_1 = arith.constant 0 : i32
    return %c0_i32, %c0_i32_0 : i32, i32
  }
  func.func @transform_8(%arg0: i32) -> (i32, i32) {
    %c0_i32 = arith.constant 0 : i32
    %c0_i32_0 = arith.constant 0 : i32
    %c0_i32_1 = arith.constant 0 : i32
    return %c0_i32, %c0_i32_0 : i32, i32
  }
  func.func @transform_9(%arg0: i32) -> (i32, i32) {
    %c0_i32 = arith.constant 0 : i32
    %c0_i32_0 = arith.constant 0 : i32
    %c0_i32_1 = arith.constant 0 : i32
    return %c0_i32, %c0_i32_0 : i32, i32
  }
  func.func @transform_10(%arg0: i32) -> (i32, i32) {
    %c0_i32 = arith.constant 0 : i32
    %c0_i32_0 = arith.constant 0 : i32
    %c0_i32_1 = arith.constant 0 : i32
    return %c0_i32, %c0_i32_0 : i32, i32
  }
  func.func @transform_11(%arg0: i32) -> (i32, i32) {
    %c0_i32 = arith.constant 0 : i32
    %c0_i32_0 = arith.constant 0 : i32
    %c0_i32_1 = arith.constant 0 : i32
    return %c0_i32, %c0_i32_0 : i32, i32
  }
  func.func @transform_12(%arg0: i32) -> (i32, i32) {
    %c0_i32 = arith.constant 0 : i32
    %c0_i32_0 = arith.constant 0 : i32
    return %arg0, %c0_i32 : i32, i32
  }
}

</mosaic_0001>

<sc_bundles>
// kernel: kernel.11.cloned.1.call-start
scs
__scs_entry_jumppad:
0x0: {  	(pc) =	sbr.rel $0x88, $3  }
0x1: {  	(tag) =	ssettag $0x0;
	lr =	simm.s32 $0x1  }
0x2: {  	[smem:$0x3F8C] =	sst lr;
	_ =	strace $0xD0000000  }
0x3: {  	_ = 	snop  }
0x4: {  	_ = 	snop  }
0x5: {  	_ = 	snop  }
0x6: {  	_ = 	snop  }
0x7: {  	_ = 	snop  }
__scs_overlays_trampoline_lowered:
0x8: {  	[smem:$0x3F9B] =	sst s0  }
0x9: {  	[smem:$0x3F9C] =	sst s1  }
0xa: {  	[smem:$0x3F9D] =	sst s2  }
0xb: {  	[smem:$0x3F9E] =	sst s3  }
0xc: {  	[smem:$0x3F9F] =	sst s4  }
0xd: {  	[smem:$0x3FA0] =	sst s5  }
0xe: {  	[smem:$0x3FA1] =	sst s6  }
0xf: {  	[smem:$0x3FA2] =	sst s7  }
0x10: {  	[smem:$0x3FA3] =	sst s8  }
0x11: {  	[smem:$0x3FA4] =	sst s9;
	s0 =	simm.s32 @!p0 $0x0  }
0x12: {  	s1 =	sld [smem:$0x3F8A];
	s0 =	simm.s32 @p0 $0x1  }
0x13: {  	[smem:$0x3FA5] =	sst s0;
	s0 =	simm.s32 @!p1 $0x0  }
0x14: {  	s2 =	sld [smem:$0x3F89];
	s0 =	simm.s32 @p1 $0x1  }
0x15: {  	[smem:$0x3FA6] =	sst s0;
	s0 =	simm.s32 @!p2 $0x0  }
0x16: {  	s3 =	sld [smem:$0x3FDB];
	s0 =	simm.s32 @p2 $0x1  }
0x17: {  	s4 =	simm.s32 $0x1BF5;
	[smem:$0x3FA8] =	sst s0  }
0x18: {  	s0 =	sld [smem:$0x3F8B];
	_ =	swait.ge [sflag:s4], $0x0  }
0x19: {  	s7 =	sld [smem:$0x3F8C]  }
0x1a: {  	s8 =	sadd.s32 $0xFFFFE003, lr  }
0x1b: {  	s9 =	sadd.s32 $0xFFFFFEF7, lr;
	s5 =	simm.s32 $0xFFFFFFFF;
	p2 =	slt.u32 s8, $0xFFFFF086  }
0x1c: {  	p1 =	slt.u32 s9, $0xF7A;
	s5 =	simm.s32 @!p2 $0x0  }
0x1d: {  	s5 =	simm.s32 @p1 $0x1;
	p0 =	seq.s32 s7, s2  }
0x1e: {  	s7 =	smul.u32 @!p0 $0xF7A, s2;
	p2 =	seq.s32 @!p0 s5, $0x0  }
0x1f: {  	s9 =	smul.u32 $0xF7A, s1;
	s8 =	simm.s32 @!p0 $0x1BF5;
	p2 =	por !p2, p0  }
0x20: {  	[sflag:s8] =	ssyncset.s32 @!p0 $0xFFFFF086;
	s6 =	sadd.s32 @!p0 s3, s7;
	s7 =	simm.s32 @!p0 $0x108  }
0x21: {  	s3 =	sadd.s32 s3, s9;
	s6 =	sadd.s32 @!p0 $0x88, s6;
	s7 =	simm.s32 @p2 $0x1082  }
0x22: {  	[simem:s7], [sflag:s8] =	dma.local @!p0 [hbm:s6], $0xF7A  }
0x23: {  	s9 =	sor.u32 $0xD0000000, s2;
	s6 =	simm.s32 $0x108;
	_ =	swait.ge @!p0 [sflag:s8], $0x0  }
0x24: {  	s3 =	sadd.s32 $0x88, s3;
	s6 =	simm.s32 @!p1 $0x1082;
	[sflag:s4] =	ssyncset.s32 $0xFFFFF086  }
0x25: {  	[simem:s6], [sflag:s4] =	dma.local [hbm:s3], $0xF7A  }
0x26: {  	[smem:$0x3F8C] =	sst s1;
	(tag) =	ssettag s2;
	_ =	strace s9  }
0x27: {  	s1 =	sld [smem:$0x3F9C]  }
0x28: {  	s2 =	sld [smem:$0x3F9D]  }
0x29: {  	s4 =	sld [smem:$0x3F9F]  }
0x2a: {  	p0 =	seq.s32 s5, $0x0;
	s5 =	sld [smem:$0x3FA0]  }
0x2b: {  	s6 =	sld [smem:$0x3FA1]  }
0x2c: {  	s7 =	sld [smem:$0x3FA2]  }
0x2d: {  	s3 =	simm.s32 $0x108;
	s8 =	sld [smem:$0x3FA3]  }
0x2e: {  	s3 =	simm.s32 @!p0 $0x1082;
	s9 =	sld [smem:$0x3FA4]  }
0x2f: {  	lr =	sadd.s32 s0, s3;
	s0 =	sld [smem:$0x3F9B]  }
0x30: {  	s3 =	sld [smem:$0x3F9E]  }
0x31: {  	[smem:$0x3FA7] =	sst s10  }
0x32: {  	s10 =	sld [smem:$0x3FA5];
	_ =	sdelay $0x3  }
0x33: {  	p0 =	seq.s32 s10, $0x1;
	s10 =	sld [smem:$0x3FA7];
	_ =	sdelay $0x3  }
0x34: {  	[smem:$0x3FA7] =	sst s10  }
0x35: {  	s10 =	sld [smem:$0x3FA6];
	_ =	sdelay $0x3  }
0x36: {  	p1 =	seq.s32 s10, $0x1;
	s10 =	sld [smem:$0x3FA7];
	_ =	sdelay $0x3  }
0x37: {  	[smem:$0x3FA7] =	sst s10  }
0x38: {  	s10 =	sld [smem:$0x3FA8]  }
0x39: {  	_ = 	snop;
	(pc) =	sbr.ind lr, $3  }
0x3a: {  	_ = 	snop  }
0x3b: {  	_ = 	snop  }
0x3c: {  	p2 =	seq.s32 s10, $0x1;
	s10 =	sld [smem:$0x3FA7]  }
0x3d: {  	_ =	shalt  }
0x3e: {  	_ =	shalt  }
0x3f: {  	_ =	shalt  }
0x40: {  	_ =	shalt  }
0x41: {  	_ =	shalt  }
0x42: {  	_ =	shalt  }
0x43: {  	_ =	shalt  }
0x44: {  	_ =	shalt  }
0x45: {  	_ =	shalt  }
0x46: {  	_ =	shalt  }
0x47: {  	_ =	shalt  }
0x48: {  	_ =	shalt  }
0x49: {  	_ =	shalt  }
0x4a: {  	_ =	shalt  }
0x4b: {  	_ =	shalt  }
0x4c: {  	_ =	shalt  }
0x4d: {  	_ =	shalt  }
0x4e: {  	_ =	shalt  }
0x4f: {  	_ =	shalt  }
0x50: {  	_ =	shalt  }
0x51: {  	_ =	shalt  }
0x52: {  	_ =	shalt  }
0x53: {  	_ =	shalt  }
0x54: {  	_ =	shalt  }
0x55: {  	_ =	shalt  }
0x56: {  	_ =	shalt  }
0x57: {  	_ =	shalt  }
0x58: {  	_ =	shalt  }
0x59: {  	_ =	shalt  }
0x5a: {  	_ =	shalt  }
0x5b: {  	_ =	shalt  }
0x5c: {  	_ =	shalt  }
0x5d: {  	_ =	shalt  }
0x5e: {  	_ =	shalt  }
0x5f: {  	_ =	shalt  }
0x60: {  	_ =	shalt  }
0x61: {  	_ =	shalt  }
0x62: {  	_ =	shalt  }
0x63: {  	_ =	shalt  }
0x64: {  	_ =	shalt  }
0x65: {  	_ =	shalt  }
0x66: {  	_ =	shalt  }
0x67: {  	_ =	shalt  }
0x68: {  	_ =	shalt  }
0x69: {  	_ =	shalt  }
0x6a: {  	_ =	shalt  }
0x6b: {  	_ =	shalt  }
0x6c: {  	_ =	shalt  }
0x6d: {  	_ =	shalt  }
0x6e: {  	_ =	shalt  }
0x6f: {  	_ =	shalt  }
0x70: {  	_ =	shalt  }
0x71: {  	_ =	shalt  }
0x72: {  	_ =	shalt  }
0x73: {  	_ =	shalt  }
0x74: {  	_ =	shalt  }
0x75: {  	_ =	shalt  }
0x76: {  	_ =	shalt  }
0x77: {  	_ =	shalt  }
0x78: {  	_ =	shalt  }
0x79: {  	_ =	shalt  }
0x7a: {  	_ =	shalt  }
0x7b: {  	_ =	shalt  }
0x7c: {  	_ =	shalt  }
0x7d: {  	_ =	shalt  }
0x7e: {  	_ =	shalt  }
0x7f: {  	_ =	shalt  }
0x80: {  	_ =	shalt  }
0x81: {  	_ =	shalt  }
0x82: {  	_ =	shalt  }
0x83: {  	_ =	shalt  }
0x84: {  	_ =	shalt  }
0x85: {  	_ =	shalt  }
0x86: {  	_ =	shalt  }
0x87: {  	_ =	shalt  }
.Lfunc_end0:
.L_simem_size_0:
called_computation.1_lowered:
.L_overlay_start_0:
0x88: {  	s2 =	sld [smem:$0x3FD9]  }
0x89: {  	s3 =	sld [smem:$0x3FFE];
	_ =	sdelay $0x1  }
0x8a: {  	s1 =	srdreg.scid  }
0x8b: {  	s0 =	sand.u32 $0x1, s1  }
0x8c: {  	s16 =	sshll.u32 s0, $0xA;
	s2 =	sadd.s32 s3, s2  }
0x8d: {  	s2 =	sadd.s32 s2, s16  }
0x8e: {  	[smem:$0x3FB3] =	sst s2  }
0x8f: {  	_ = 	snop  }
0x90: {  	(tm) =	ssettm $0x1  }
0x91: {  	s17 =	sld [smem:$0x3FFB];
	_ =	sdelay $0x3  }
0x92: {  	_ =	strace s17  }
0x93: {  	s2 =	sld [smem:$0x3FFC];
	_ =	sdelay $0x3  }
0x94: {  	_ =	strace s2  }
0x95: {  	s2 =	sld [smem:$0x3FFD];
	_ =	sdelay $0x3  }
0x96: {  	_ =	strace s2  }
0x97: {  	_ =	strace $0x8FFFFFFF  }
0x98: {  	s18 =	sld [smem:$0x3FDB];
	_ =	sdelay $0x1  }
0x99: {  	s19 =	simm.s32 $_scs_section_size  }
0x9a: {  	s4 =	simm.s32 $_size__tile_overlayer_lowered;
	s5 =	simm.s32 $_tile_overlayer_lowered  }
0x9b: {  	s22 =	simm.s32 $0x1BFF;
	s21 =	sshll.u32 s5, $0x1;
	s2 =	sadd.s32 s19, s18  }
0x9c: {  	s6 =	simm.s32 $0x0;
	s20 =	sshll.u32 s4, $0x1;
	s4 =	sadd.s32 s21, s2  }
0x9d: {  	[timem:s6], [sflag:s22] =	dma.local [hbm:s4], s20  }
0x9e: {  	_ =	swait.ge [sflag:s22], s20  }
0x9f: {  	s3 =	ssub.s32 $0x0, s20;
	[sflag:s22] =	ssyncset.done $0x0  }
0xa0: {  	[sflag:s22] =	ssyncadd.s32 s3;
	_ =	sdelay $0x1  }
0xa1: {  	s23 =	simm.s32 $0x1B8B  }
0xa2: {  	_ =	swait.ge [sflag:s23], $0x1  }
0xa3: {  	[sflag:s23] =	ssyncset.done $0x0  }
0xa4: {  	s25 =	simm.s32 $0x1B8E;
	s24 =	sld [smem:$0x3FFE];
	[sflag:s23] =	ssyncadd.s32 $0xFFFFFFFF  }
0xa5: {  	s26 =	simm.s32 $execute0_lowered;
	[smem:$0x3FD2] =	sst s25  }
0xa6: {  	s4 =	sshll.u32 s26, $0x1;
	_ =	strace $0x80000049;
	[dreg:$0x1] =	wrdreg $0xFFFFFFFF  }
0xa7: {  	s28 =	simm.s32 $_size_execute0_lowered;
	s2 =	sadd.s32 s2, s4;
	[dreg:$0x0] =	wrdreg $0x0  }
0xa8: {  	s4 =	sshll.u32 s28, $0x1;
	[dreg:$0x2] =	wrdreg s2  }
0xa9: {  	[dreg:$0x3] =	wrdreg s4  }
0xaa: {  	[dreg:$0x4] =	wrdreg $0xC0  }
0xab: {  	_ =	task [dreg:s6], $0x5FFFF  }
0xac: {  	[dreg:$0x1] =	wrdreg $0xFFFFFFFF  }
0xad: {  	[dreg:$0x0] =	wrdreg $0x60  }
0xae: {  	[dreg:$0x2] =	wrdreg s24  }
0xaf: {  	[dreg:$0x3] =	wrdreg $0x68000  }
0xb0: {  	[dreg:$0x4] =	wrdreg $0x9  }
0xb1: {  	_ =	task.clear_ibuf [dreg:s6], $0x5FFFF;
	_ =	strace $0x90000049  }
0xb2: {  	s29 =	simm.s32 $0x9;
	_ =	strace $0x8000004B  }
0xb3: {  	_ =	swait.ge [sflag:s29], $0x1  }
0xb4: {  	[sflag:s29] =	ssyncadd.s32 $0xFFFFFFFF  }
0xb5: {  	_ =	strace $0x9000004B  }
0xb6: {  	_ =	sfence  }
0xb7: {  	s30 =	sld [smem:$0x0];
	_ =	sdelay $0x2  }
0xb8: {  	s31 =	sshll.u32 s1, $0xD;
	s1 =	sshrl.u32 s1, $0x2  }
0xb9: {  	s3 =	sand.u32 $0x4000, s31;
	s1 =	sadd.s32 s1, s30  }
0xba: {  	s0 =	sor.u32 s3, s0;
	s1 =	sshll.u32 s1, $0x11  }
0xbb: {  	s0 =	sor.u32 s1, s0  }
0xbc: {  	s0 =	sadd.s32 $0x8F2B, s0  }
0xbd: {  	[sflag:s0] =	ssyncadd.remote.s32 $0x1  }
0xbe: {  	_ =	sfence.sel $0xFFFF  }
0xbf: {  	[dreg:$0x0] =	wrdreg $0xFFFFFFFF;
	(pc) =	sbr.abs _section_cstart, $3  }
0xc0: {  	[dreg:$0x1] =	wrdreg $0xFFFFFFFF  }
0xc1: {  	_ =	task.clear_ibuf [dreg:s6], $0x2FFFF;
	_ =	strace $0x9FFFFFFF  }
0xc2: {  	(tm) =	ssettm $0x7FFFFFFF  }
0xc3: {  	_ =	shalt  }
tec
execute0_lowered:
.L_overlay_start_1:
0x0: {  	(tag) =	ssettag $0x1  }
0x1: {  	s1 =	srdreg.scid  }
0x2: {  	s0 =	stileid.u32;
	s6 =	rddreg [dreg:$0x0]  }
0x3: {  	s3 =	simm.s32 $0x0;
	s14 =	simm.s32 $0x32;
	s24 =	smul.u32 $0x4E20, s0  }
0x4: {  	s15 =	simm.s32 $0x80;
	s16 =	simm.s32 $0x1D00;
	s7 =	smul.u32 $0x4E200, s0  }
0x5: {  	s17 =	simm.s32 $0x100;
	s18 =	simm.s32 $0x3600;
	s9 =	smul.u32 $0x14000, s0  }
0x6: {  	s19 =	simm.s32 $0x180;
	s5 =	sand.u32 $0x1, s1;
	s10 =	smul.u32 $0x50000, s0  }
0x7: {  	s20 =	simm.s32 $0x4F00;
	s21 =	simm.s32 $0x200;
	s2 =	smul.u32 $0x2710, s5  }
0x8: {  	s22 =	simm.s32 $0x280;
	s23 =	simm.s32 $0x300;
	s8 =	smul.u32 $0x140000, s5  }
0x9: {  	[smem:$0x7FF] =	sst s3;
	s28 =	ssub.s32 $0x2, s5;
	s31 =	smul.u32 $0x27100, s5  }
0xa: {  	s12 =	sadd.s32 s7, s6;
	s29 =	sshrl.u32 s10, $0x2;
	s30 =	sshrl.u32 s28, $0x1  }
0xb: {  	s1 =	sadd.s32 s2, s24;
	s2 =	rddreg [dreg:$0x1];
	s25 =	sadd.s32 s9, s8  }
0xc: {  	s9 =	ssub.s32 s28, s30;
	s10 =	sadd.s32 s31, s12;
	s12 =	simm.s32 $0x400  }
0xd: {  	s24 =	simm.s32 $0x380;
	s4 =	smulhi.u32 $0xA3D70B, s1;
	s1 =	rddreg [dreg:$0x2]  }
0xe: {  	_ =	strace $0x8000004A;
	s26 =	sshrl.u32 s25, $0x3;
	s9 =	smax.u32 s9, $0x1  }
0xf: {  	s10 =	sadd.s32 $0xF2C280, s10;
	s25 =	simm.s32 $0x0;
	s4 =	sshll.u32 s4, $0x7  }
0x10: {  	s13 =	sadd.s32 s26, s6;
	s11 =	sadd.s32 s4, s6;
	s4 =	sadd.s32 s29, s2  }
0x11: {  	s8 =	sadd.s32 $0x37200, s13;
	s13 =	simm.s32 $0x1;
	s5 =	sadd.s32 $0x6400, s4  }
0x12: {  	v0 =	vimm.f32 $0.0e+00;
	s6 =	sadd.s32 $0xC800, s4;
	s7 =	sadd.s32 $0x12C00, s4;
	s11 =	sadd.s32 $0x1E200, s11  }
.LBB2_1:
0x13: {  	s26 =	simm.s32 $0x0;
	s28 =	simm.s32 $0x200  }
.LBB2_2:
0x14: {  	p0 =	sne.s32 s28, $0x18E00;
	[tilespmem:s26+$0x470] =	vst v0  }
0x15: {  	[tilespmem:s26+$0x400] =	vst v0  }
0x16: {  	[tilespmem:s26+$0x410] =	vst v0  }
.Ltmp0:
0x17: {  	[tilespmem:s26+$0x420] =	vst v0;
	(pc) =	sbr.rel @p0 .LBB2_2-.Ltmp0, $4  }
0x18: {  	[tilespmem:s26+$0x430] =	vst v0  }
0x19: {  	[tilespmem:s26+$0x440] =	vst v0  }
0x1a: {  	[tilespmem:s26+$0x450] =	vst v0  }
0x1b: {  	[tilespmem:s26+$0x460] =	vst v0;
	s26 =	sshra.s32 s28, $0x2;
	s28 =	sadd.s32 $0x200, s28  }
0x1c: {  	[tilespmem:s26+$0x470] =	vst v0  }
0x1d: {  	[tilespmem:s26+$0x400] =	vst v0  }
0x1e: {  	[tilespmem:s26+$0x410] =	vst v0  }
0x1f: {  	[tilespmem:s26+$0x420] =	vst v0  }
0x20: {  	[tilespmem:s26+$0x430] =	vst v0  }
0x21: {  	[tilespmem:s26+$0x440] =	vst v0  }
0x22: {  	[tilespmem:s26+$0x450] =	vst v0  }
0x23: {  	[tilespmem:s26+$0x460] =	vst v0  }
0x24: {  	[spmem:s4] =	stream.linear.scatter [tilespmem:s12], [sflag:$0x1], $0x6400, $0x38;
	[tilespmem:$0x1A800] =	vst v63  }
0x25: {  	_ =	swait.ge [sflag:s13], $0x6400  }
0x26: {  	[sflag:s13] =	ssyncset.done $0x0  }
0x27: {  	[sflag:s13] =	ssyncadd.s32 $0xFFFF9C00  }
0x28: {  	[spmem:s5] =	stream.linear.scatter [tilespmem:s12], [sflag:$0x1], $0x6400, $0x38;
	[tilespmem:$0x1A800] =	vst v63  }
0x29: {  	_ =	swait.ge [sflag:s13], $0x6400  }
0x2a: {  	[sflag:s13] =	ssyncset.done $0x0  }
0x2b: {  	[sflag:s13] =	ssyncadd.s32 $0xFFFF9C00  }
0x2c: {  	[spmem:s6] =	stream.linear.scatter [tilespmem:s12], [sflag:$0x1], $0x6400, $0x38;
	[tilespmem:$0x1A800] =	vst v63  }
0x2d: {  	_ =	swait.ge [sflag:s13], $0x6400  }
0x2e: {  	[sflag:s13] =	ssyncset.done $0x0  }
0x2f: {  	[sflag:s13] =	ssyncadd.s32 $0xFFFF9C00  }
0x30: {  	[spmem:s7] =	stream.linear.scatter [tilespmem:s12], [sflag:$0x1], $0x1400, $0x38;
	[tilespmem:$0x1A800] =	vst v63  }
0x31: {  	_ =	swait.ge [sflag:s13], $0x1400  }
0x32: {  	[sflag:s13] =	ssyncset.done $0x0  }
0x33: {  	[sflag:s13] =	ssyncadd.s32 $0xFFFFEC00  }
0x34: {  	s29 =	sadd.s32 $0x0, s11;
	[bflag:$0x0] =	sbarrier.arrive $0xFFFF  }
0x35: {  	[tilespmem:s3], [sflag:$0x1] =	stream.linear.gather [hbm4b:s29+s3], $0x400, $0x38;
	[tilespmem:$0x1A800] =	vst v63  }
0x36: {  	_ =	swait.ge [sflag:s13], $0x400  }
0x37: {  	[sflag:s13] =	ssyncset.done $0x0  }
0x38: {  	s31 =	sadd.s32 $0xFFFFF380, s10;
	[sflag:s13] =	ssyncadd.s32 $0xFFFFFC00  }
0x39: {  	[tilespmem:s12], [sflag:$0x1] =	stream.linear.gather [hbm4b:s31+s3], $0x6400, $0x38;
	[tilespmem:$0x1A800] =	vst v63  }
0x3a: {  	_ =	swait.ge [sflag:s13], $0x6400  }
0x3b: {  	[sflag:s13] =	ssyncset.done $0x0  }
0x3c: {  	[sflag:s13] =	ssyncadd.s32 $0xFFFF9C00  }
0x3d: {  	[spmem:s2] =	stream.indirect.scatter.add.f32 [tilespmem:s12], [sflag:$0x1], $0x80, s3, s14, $0xb8;
	[tilespmem:$0x1A800] =	vst v63  }
0x3e: {  	_ =	swait.ge [sflag:s13], $0x1900  }
0x3f: {  	[sflag:s13] =	ssyncset.done $0x0  }
0x40: {  	[sflag:s13] =	ssyncadd.s32 $0xFFFFE700  }
0x41: {  	[spmem:s2] =	stream.indirect.scatter.add.f32 [tilespmem:s16], [sflag:$0x1], $0x80, s15, s14, $0xb8;
	[tilespmem:$0x1A800] =	vst v63  }
0x42: {  	_ =	swait.ge [sflag:s13], $0x1900  }
0x43: {  	[sflag:s13] =	ssyncset.done $0x0  }
0x44: {  	[sflag:s13] =	ssyncadd.s32 $0xFFFFE700  }
0x45: {  	[spmem:s2] =	stream.indirect.scatter.add.f32 [tilespmem:s18], [sflag:$0x1], $0x80, s17, s14, $0xb8;
	[tilespmem:$0x1A800] =	vst v63  }
0x46: {  	_ =	swait.ge [sflag:s13], $0x1900  }
0x47: {  	[sflag:s13] =	ssyncset.done $0x0  }
0x48: {  	[sflag:s13] =	ssyncadd.s32 $0xFFFFE700  }
0x49: {  	[spmem:s2] =	stream.indirect.scatter.add.f32 [tilespmem:s20], [sflag:$0x1], $0x80, s19, s14, $0xb8;
	[tilespmem:$0x1A800] =	vst v63  }
0x4a: {  	_ =	swait.ge [sflag:s13], $0x1900  }
0x4b: {  	[sflag:s13] =	ssyncset.done $0x0  }
0x4c: {  	[sflag:s13] =	ssyncadd.s32 $0xFFFFE700  }
0x4d: {  	[tilespmem:s12], [sflag:$0x1] =	stream.linear.gather [hbm4b:s10+s3], $0x6400, $0x38;
	[tilespmem:$0x1A800] =	vst v63  }
0x4e: {  	_ =	swait.ge [sflag:s13], $0x6400  }
0x4f: {  	[sflag:s13] =	ssyncset.done $0x0  }
0x50: {  	[sflag:s13] =	ssyncadd.s32 $0xFFFF9C00  }
0x51: {  	[spmem:s2] =	stream.indirect.scatter.add.f32 [tilespmem:s12], [sflag:$0x1], $0x80, s21, s14, $0xb8;
	[tilespmem:$0x1A800] =	vst v63  }
0x52: {  	_ =	swait.ge [sflag:s13], $0x1900  }
0x53: {  	[sflag:s13] =	ssyncset.done $0x0  }
0x54: {  	[sflag:s13] =	ssyncadd.s32 $0xFFFFE700  }
0x55: {  	[spmem:s2] =	stream.indirect.scatter.add.f32 [tilespmem:s16], [sflag:$0x1], $0x80, s22, s14, $0xb8;
	[tilespmem:$0x1A800] =	vst v63  }
0x56: {  	_ =	swait.ge [sflag:s13], $0x1900  }
0x57: {  	[sflag:s13] =	ssyncset.done $0x0  }
0x58: {  	[sflag:s13] =	ssyncadd.s32 $0xFFFFE700  }
0x59: {  	[spmem:s2] =	stream.indirect.scatter.add.f32 [tilespmem:s18], [sflag:$0x1], $0x80, s23, s14, $0xb8;
	[tilespmem:$0x1A800] =	vst v63  }
0x5a: {  	_ =	swait.ge [sflag:s13], $0x1900  }
0x5b: {  	[sflag:s13] =	ssyncset.done $0x0  }
0x5c: {  	[sflag:s13] =	ssyncadd.s32 $0xFFFFE700  }
0x5d: {  	[spmem:s2] =	stream.indirect.scatter.add.f32 [tilespmem:s20], [sflag:$0x1], $0x80, s24, s14, $0xb8;
	[tilespmem:$0x1A800] =	vst v63  }
0x5e: {  	s28 =	simm.s32 $0x80;
	_ =	swait.ge [sflag:s13], $0x1900  }
0x5f: {  	s30 =	simm.s32 $0x100;
	s26 =	sadd.s32 $0x1900, s10;
	[sflag:s13] =	ssyncset.done $0x0  }
.LBB2_4:
0x60: {  	s31 =	sadd.s32 s28, s11  }
0x61: {  	[sflag:s13] =	ssyncadd.s32 $0xFFFFE700;
	s28 =	smov.u32 s30;
	s29 =	sadd.s32 $0x80, s30  }
0x62: {  	[tilespmem:s3], [sflag:$0x1] =	stream.linear.gather [hbm4b:s31+s3], $0x400, $0x38;
	[tilespmem:$0x1A800] =	vst v63  }
0x63: {  	p0 =	sne.s32 s30, $0xC00;
	_ =	swait.ge [sflag:s13], $0x400  }
0x64: {  	[sflag:s13] =	ssyncset.done $0x0  }
0x65: {  	s30 =	sadd.s32 $0xFFFFF380, s26;
	[sflag:s13] =	ssyncadd.s32 $0xFFFFFC00  }
0x66: {  	[tilespmem:s12], [sflag:$0x1] =	stream.linear.gather [hbm4b:s30+s3], $0x6400, $0x38;
	[tilespmem:$0x1A800] =	vst v63  }
0x67: {  	_ =	swait.ge [sflag:s13], $0x6400  }
0x68: {  	[sflag:s13] =	ssyncset.done $0x0  }
0x69: {  	[sflag:s13] =	ssyncadd.s32 $0xFFFF9C00  }
0x6a: {  	[spmem:s2] =	stream.indirect.scatter.add.f32 [tilespmem:s12], [sflag:$0x1], $0x80, s3, s14, $0xb8;
	[tilespmem:$0x1A800] =	vst v63  }
0x6b: {  	_ =	swait.ge [sflag:s13], $0x1900  }
0x6c: {  	[sflag:s13] =	ssyncset.done $0x0  }
0x6d: {  	[sflag:s13] =	ssyncadd.s32 $0xFFFFE700  }
0x6e: {  	[spmem:s2] =	stream.indirect.scatter.add.f32 [tilespmem:s16], [sflag:$0x1], $0x80, s15, s14, $0xb8;
	[tilespmem:$0x1A800] =	vst v63  }
0x6f: {  	_ =	swait.ge [sflag:s13], $0x1900  }
0x70: {  	[sflag:s13] =	ssyncset.done $0x0  }
0x71: {  	[sflag:s13] =	ssyncadd.s32 $0xFFFFE700  }
0x72: {  	[spmem:s2] =	stream.indirect.scatter.add.f32 [tilespmem:s18], [sflag:$0x1], $0x80, s17, s14, $0xb8;
	[tilespmem:$0x1A800] =	vst v63  }
0x73: {  	_ =	swait.ge [sflag:s13], $0x1900  }
0x74: {  	[sflag:s13] =	ssyncset.done $0x0  }
0x75: {  	[sflag:s13] =	ssyncadd.s32 $0xFFFFE700  }
0x76: {  	[spmem:s2] =	stream.indirect.scatter.add.f32 [tilespmem:s20], [sflag:$0x1], $0x80, s19, s14, $0xb8;
	[tilespmem:$0x1A800] =	vst v63  }
0x77: {  	_ =	swait.ge [sflag:s13], $0x1900  }
0x78: {  	[sflag:s13] =	ssyncset.done $0x0  }
0x79: {  	[sflag:s13] =	ssyncadd.s32 $0xFFFFE700  }
0x7a: {  	[tilespmem:s12], [sflag:$0x1] =	stream.linear.gather [hbm4b:s26+s3], $0x6400, $0x38;
	[tilespmem:$0x1A800] =	vst v63  }
0x7b: {  	_ =	swait.ge [sflag:s13], $0x6400  }
0x7c: {  	[sflag:s13] =	ssyncset.done $0x0  }
0x7d: {  	[sflag:s13] =	ssyncadd.s32 $0xFFFF9C00  }
0x7e: {  	[spmem:s2] =	stream.indirect.scatter.add.f32 [tilespmem:s12], [sflag:$0x1], $0x80, s21, s14, $0xb8;
	[tilespmem:$0x1A800] =	vst v63  }
0x7f: {  	_ =	swait.ge [sflag:s13], $0x1900  }
0x80: {  	[sflag:s13] =	ssyncset.done $0x0  }
0x81: {  	[sflag:s13] =	ssyncadd.s32 $0xFFFFE700  }
0x82: {  	[spmem:s2] =	stream.indirect.scatter.add.f32 [tilespmem:s16], [sflag:$0x1], $0x80, s22, s14, $0xb8;
	[tilespmem:$0x1A800] =	vst v63  }
0x83: {  	_ =	swait.ge [sflag:s13], $0x1900  }
0x84: {  	[sflag:s13] =	ssyncset.done $0x0  }
0x85: {  	[sflag:s13] =	ssyncadd.s32 $0xFFFFE700  }
0x86: {  	[spmem:s2] =	stream.indirect.scatter.add.f32 [tilespmem:s18], [sflag:$0x1], $0x80, s23, s14, $0xb8;
	[tilespmem:$0x1A800] =	vst v63  }
0x87: {  	_ =	swait.ge [sflag:s13], $0x1900  }
.Ltmp1:
0x88: {  	[sflag:s13] =	ssyncset.done $0x0;
	(pc) =	sbr.rel @p0 .LBB2_4-.Ltmp1, $4  }
0x89: {  	[sflag:s13] =	ssyncadd.s32 $0xFFFFE700  }
0x8a: {  	[spmem:s2] =	stream.indirect.scatter.add.f32 [tilespmem:s20], [sflag:$0x1], $0x80, s24, s14, $0xb8;
	[tilespmem:$0x1A800] =	vst v63  }
0x8b: {  	_ =	swait.ge [sflag:s13], $0x1900  }
0x8c: {  	s30 =	smov.u32 s29;
	s26 =	sadd.s32 $0x1900, s26;
	[sflag:s13] =	ssyncset.done $0x0  }
0x8d: {  	s28 =	sadd.s32 s28, s11;
	[sflag:s13] =	ssyncadd.s32 $0xFFFFE700  }
0x8e: {  	[tilespmem:s3], [sflag:$0x1] =	stream.linear.gather [hbm4b:s28+s3], $0x400, $0x38;
	[tilespmem:$0x1A800] =	vst v63  }
0x8f: {  	_ =	swait.ge [sflag:s13], $0x400  }
0x90: {  	[sflag:s13] =	ssyncset.done $0x0  }
0x91: {  	s29 =	sadd.s32 $0xFFFFF380, s26;
	[sflag:s13] =	ssyncadd.s32 $0xFFFFFC00  }
0x92: {  	[tilespmem:s12], [sflag:$0x1] =	stream.linear.gather [hbm4b:s29+s3], $0x6400, $0x38;
	[tilespmem:$0x1A800] =	vst v63  }
0x93: {  	_ =	swait.ge [sflag:s13], $0x6400  }
0x94: {  	[sflag:s13] =	ssyncset.done $0x0  }
0x95: {  	[sflag:s13] =	ssyncadd.s32 $0xFFFF9C00  }
0x96: {  	[spmem:s2] =	stream.indirect.scatter.add.f32 [tilespmem:s12], [sflag:$0x1], $0x80, s3, s14, $0xb8;
	[tilespmem:$0x1A800] =	vst v63  }
0x97: {  	_ =	swait.ge [sflag:s13], $0x1900  }
0x98: {  	[sflag:s13] =	ssyncset.done $0x0  }
0x99: {  	[sflag:s13] =	ssyncadd.s32 $0xFFFFE700  }
0x9a: {  	[spmem:s2] =	stream.indirect.scatter.add.f32 [tilespmem:s16], [sflag:$0x1], $0x80, s15, s14, $0xb8;
	[tilespmem:$0x1A800] =	vst v63  }
0x9b: {  	_ =	swait.ge [sflag:s13], $0x1900  }
0x9c: {  	[sflag:s13] =	ssyncset.done $0x0  }
0x9d: {  	[sflag:s13] =	ssyncadd.s32 $0xFFFFE700  }
0x9e: {  	[spmem:s2] =	stream.indirect.scatter.add.f32 [tilespmem:s18], [sflag:$0x1], $0x80, s17, s14, $0xb8;
	[tilespmem:$0x1A800] =	vst v63  }
0x9f: {  	_ =	swait.ge [sflag:s13], $0x1900  }
0xa0: {  	[sflag:s13] =	ssyncset.done $0x0  }
0xa1: {  	[sflag:s13] =	ssyncadd.s32 $0xFFFFE700  }
0xa2: {  	[spmem:s2] =	stream.indirect.scatter.add.f32 [tilespmem:s20], [sflag:$0x1], $0x80, s19, s14, $0xb8;
	[tilespmem:$0x1A800] =	vst v63  }
0xa3: {  	_ =	swait.ge [sflag:s13], $0x1900  }
0xa4: {  	[sflag:s13] =	ssyncset.done $0x0  }
0xa5: {  	[sflag:s13] =	ssyncadd.s32 $0xFFFFE700  }
0xa6: {  	[tilespmem:s12], [sflag:$0x1] =	stream.linear.gather [hbm4b:s26+s3], $0x6400, $0x38;
	[tilespmem:$0x1A800] =	vst v63  }
0xa7: {  	_ =	swait.ge [sflag:s13], $0x6400  }
0xa8: {  	[sflag:s13] =	ssyncset.done $0x0  }
0xa9: {  	[sflag:s13] =	ssyncadd.s32 $0xFFFF9C00  }
0xaa: {  	[spmem:s2] =	stream.indirect.scatter.add.f32 [tilespmem:s12], [sflag:$0x1], $0x80, s21, s14, $0xb8;
	[tilespmem:$0x1A800] =	vst v63  }
0xab: {  	_ =	swait.ge [sflag:s13], $0x1900  }
0xac: {  	[sflag:s13] =	ssyncset.done $0x0  }
0xad: {  	[sflag:s13] =	ssyncadd.s32 $0xFFFFE700  }
0xae: {  	[spmem:s2] =	stream.indirect.scatter.add.f32 [tilespmem:s16], [sflag:$0x1], $0x80, s22, s14, $0xb8;
	[tilespmem:$0x1A800] =	vst v63  }
0xaf: {  	_ =	swait.ge [sflag:s13], $0x1900  }
0xb0: {  	[sflag:s13] =	ssyncset.done $0x0  }
0xb1: {  	[sflag:s13] =	ssyncadd.s32 $0xFFFFE700  }
0xb2: {  	[spmem:s2] =	stream.indirect.scatter.add.f32 [tilespmem:s18], [sflag:$0x1], $0x80, s23, s14, $0xb8;
	[tilespmem:$0x1A800] =	vst v63  }
0xb3: {  	_ =	swait.ge [sflag:s13], $0x1900  }
0xb4: {  	[sflag:s13] =	ssyncset.done $0x0  }
0xb5: {  	[sflag:s13] =	ssyncadd.s32 $0xFFFFE700  }
0xb6: {  	[spmem:s2] =	stream.indirect.scatter.add.f32 [tilespmem:s20], [sflag:$0x1], $0x80, s24, s14, $0xb8;
	[tilespmem:$0x1A800] =	vst v63  }
0xb7: {  	_ =	swait.ge [sflag:s13], $0x1900  }
0xb8: {  	s30 =	sshll.u32 s0, $0x6;
	s25 =	sadd.s32 $0x1, s25;
	[sflag:s13] =	ssyncset.done $0x0  }
0xb9: {  	s31 =	sshrl.u32 s4, $0x3;
	p0 =	sne.s32 s25, s9;
	[sflag:s13] =	ssyncadd.s32 $0xFFFFE700  }
.Ltmp2:
0xba: {  	s26 =	sor.u32 $0x1C01, s30;
	[bflag:$0x0] =	sbarrier.arrive $0xFFFF;
	(pc) =	sbr.rel @p0 .LBB2_1-.Ltmp2, $4  }
0xbb: {  	[hbm:s8], [sflag:s26] =	dma.local [spmem:s31], $0x2800  }
0xbc: {  	_ =	swait.ge [sflag:s13], $0x2800  }
0xbd: {  	[sflag:s13] =	ssyncset.done $0x0  }
0xbe: {  	[sflag:s13] =	ssyncadd.s32 $0xFFFFD800  }
0xbf: {  	_ =	sfence.sel $0x180000  }
0xc0: {  	[bflag:$0x0] =	sbarrier.arrive $0xFFFF  }
0xc1: {  	p0 =	sne.s32 s0, $0x0;
	_ =	strace $0x9000004A  }
0xc2: {  	s0 =	sadd.s32 @!p0 $0x100000, s1;
	[bflag:$0x2] =	sbarrier.arrive $0xFFFF  }
0xc3: {  	[sflag:s0] =	ssyncadd.tile.s32 @!p0 $0x1;
	_ =	shalt  }
.Lfunc_end2:
_tile_overlayer_lowered:
.L_overlay_start_2:
0xc4: {  	(tag) =	ssettag $0x2  }
0xc5: {  	s0 =	rddreg [dreg:$0x0];
	s2 =	stileid.u32  }
0xc6: {  	s1 =	rddreg [dreg:$0x1];
	p0 =	sne.s32 s2, $0x0  }
0xc7: {  	s3 =	rddreg [dreg:$0x2];
	[bflag:$0x3] =	sbarrier.arrive $0xFFFF;
	s2 =	simm.s32 @!p0 $0x1C01  }
0xc8: {  	[timem:s3], [sflag:s2] =	dma.local @!p0 [hbm:s0], s1  }
0xc9: {  	s0 =	simm.s32 @!p0 $0x1  }
0xca: {  	_ =	swait.ge @!p0 [sflag:s0], s1  }
0xcb: {  	s1 =	ssub.s32 @!p0 $0x0, s1;
	[sflag:s0] =	ssyncset.done @!p0 $0x0  }
0xcc: {  	[sflag:s0] =	ssyncadd.s32 @!p0 s1  }
0xcd: {  	[bflag:$0x3] =	sbarrier.arrive $0xFFFF  }
0xce: {  	_ =	shalt  }

// kernel: kernel.8.cloned.1.call-start
scs
__scs_entry_jumppad:
0x0: {  	(pc) =	sbr.rel $0x88, $3  }
0x1: {  	(tag) =	ssettag $0x0;
	lr =	simm.s32 $0x1  }
0x2: {  	[smem:$0x3F8C] =	sst lr;
	_ =	strace $0xD0000000  }
0x3: {  	_ = 	snop  }
0x4: {  	_ = 	snop  }
0x5: {  	_ = 	snop  }
0x6: {  	_ = 	snop  }
0x7: {  	_ = 	snop  }
__scs_overlays_trampoline_lowered:
0x8: {  	[smem:$0x3F9B] =	sst s0  }
0x9: {  	[smem:$0x3F9C] =	sst s1  }
0xa: {  	[smem:$0x3F9D] =	sst s2  }
0xb: {  	[smem:$0x3F9E] =	sst s3  }
0xc: {  	[smem:$0x3F9F] =	sst s4  }
0xd: {  	[smem:$0x3FA0] =	sst s5  }
0xe: {  	[smem:$0x3FA1] =	sst s6  }
0xf: {  	[smem:$0x3FA2] =	sst s7  }
0x10: {  	[smem:$0x3FA3] =	sst s8  }
0x11: {  	[smem:$0x3FA4] =	sst s9;
	s0 =	simm.s32 @!p0 $0x0  }
0x12: {  	s1 =	sld [smem:$0x3F8A];
	s0 =	simm.s32 @p0 $0x1  }
0x13: {  	[smem:$0x3FA5] =	sst s0;
	s0 =	simm.s32 @!p1 $0x0  }
0x14: {  	s2 =	sld [smem:$0x3F89];
	s0 =	simm.s32 @p1 $0x1  }
0x15: {  	[smem:$0x3FA6] =	sst s0;
	s0 =	simm.s32 @!p2 $0x0  }
0x16: {  	s3 =	sld [smem:$0x3FDB];
	s0 =	simm.s32 @p2 $0x1  }
0x17: {  	s4 =	simm.s32 $0x1BF5;
	[smem:$0x3FA8] =	sst s0  }
0x18: {  	s0 =	sld [smem:$0x3F8B];
	_ =	swait.ge [sflag:s4], $0x0  }
0x19: {  	s7 =	sld [smem:$0x3F8C]  }
0x1a: {  	s8 =	sadd.s32 $0xFFFFE003, lr  }
0x1b: {  	s9 =	sadd.s32 $0xFFFFFEF7, lr;
	s5 =	simm.s32 $0xFFFFFFFF;
	p2 =	slt.u32 s8, $0xFFFFF086  }
0x1c: {  	p1 =	slt.u32 s9, $0xF7A;
	s5 =	simm.s32 @!p2 $0x0  }
0x1d: {  	s5 =	simm.s32 @p1 $0x1;
	p0 =	seq.s32 s7, s2  }
0x1e: {  	s7 =	smul.u32 @!p0 $0xF7A, s2;
	p2 =	seq.s32 @!p0 s5, $0x0  }
0x1f: {  	s9 =	smul.u32 $0xF7A, s1;
	s8 =	simm.s32 @!p0 $0x1BF5;
	p2 =	por !p2, p0  }
0x20: {  	[sflag:s8] =	ssyncset.s32 @!p0 $0xFFFFF086;
	s6 =	sadd.s32 @!p0 s3, s7;
	s7 =	simm.s32 @!p0 $0x108  }
0x21: {  	s3 =	sadd.s32 s3, s9;
	s6 =	sadd.s32 @!p0 $0x88, s6;
	s7 =	simm.s32 @p2 $0x1082  }
0x22: {  	[simem:s7], [sflag:s8] =	dma.local @!p0 [hbm:s6], $0xF7A  }
0x23: {  	s9 =	sor.u32 $0xD0000000, s2;
	s6 =	simm.s32 $0x108;
	_ =	swait.ge @!p0 [sflag:s8], $0x0  }
0x24: {  	s3 =	sadd.s32 $0x88, s3;
	s6 =	simm.s32 @!p1 $0x1082;
	[sflag:s4] =	ssyncset.s32 $0xFFFFF086  }
0x25: {  	[simem:s6], [sflag:s4] =	dma.local [hbm:s3], $0xF7A  }
0x26: {  	[smem:$0x3F8C] =	sst s1;
	(tag) =	ssettag s2;
	_ =	strace s9  }
0x27: {  	s1 =	sld [smem:$0x3F9C]  }
0x28: {  	s2 =	sld [smem:$0x3F9D]  }
0x29: {  	s4 =	sld [smem:$0x3F9F]  }
0x2a: {  	p0 =	seq.s32 s5, $0x0;
	s5 =	sld [smem:$0x3FA0]  }
0x2b: {  	s6 =	sld [smem:$0x3FA1]  }
0x2c: {  	s7 =	sld [smem:$0x3FA2]  }
0x2d: {  	s3 =	simm.s32 $0x108;
	s8 =	sld [smem:$0x3FA3]  }
0x2e: {  	s3 =	simm.s32 @!p0 $0x1082;
	s9 =	sld [smem:$0x3FA4]  }
0x2f: {  	lr =	sadd.s32 s0, s3;
	s0 =	sld [smem:$0x3F9B]  }
0x30: {  	s3 =	sld [smem:$0x3F9E]  }
0x31: {  	[smem:$0x3FA7] =	sst s10  }
0x32: {  	s10 =	sld [smem:$0x3FA5];
	_ =	sdelay $0x3  }
0x33: {  	p0 =	seq.s32 s10, $0x1;
	s10 =	sld [smem:$0x3FA7];
	_ =	sdelay $0x3  }
0x34: {  	[smem:$0x3FA7] =	sst s10  }
0x35: {  	s10 =	sld [smem:$0x3FA6];
	_ =	sdelay $0x3  }
0x36: {  	p1 =	seq.s32 s10, $0x1;
	s10 =	sld [smem:$0x3FA7];
	_ =	sdelay $0x3  }
0x37: {  	[smem:$0x3FA7] =	sst s10  }
0x38: {  	s10 =	sld [smem:$0x3FA8]  }
0x39: {  	_ = 	snop;
	(pc) =	sbr.ind lr, $3  }
0x3a: {  	_ = 	snop  }
0x3b: {  	_ = 	snop  }
0x3c: {  	p2 =	seq.s32 s10, $0x1;
	s10 =	sld [smem:$0x3FA7]  }
0x3d: {  	_ =	shalt  }
0x3e: {  	_ =	shalt  }
0x3f: {  	_ =	shalt  }
0x40: {  	_ =	shalt  }
0x41: {  	_ =	shalt  }
0x42: {  	_ =	shalt  }
0x43: {  	_ =	shalt  }
0x44: {  	_ =	shalt  }
0x45: {  	_ =	shalt  }
0x46: {  	_ =	shalt  }
0x47: {  	_ =	shalt  }
0x48: {  	_ =	shalt  }
0x49: {  	_ =	shalt  }
0x4a: {  	_ =	shalt  }
0x4b: {  	_ =	shalt  }
0x4c: {  	_ =	shalt  }
0x4d: {  	_ =	shalt  }
0x4e: {  	_ =	shalt  }
0x4f: {  	_ =	shalt  }
0x50: {  	_ =	shalt  }
0x51: {  	_ =	shalt  }
0x52: {  	_ =	shalt  }
0x53: {  	_ =	shalt  }
0x54: {  	_ =	shalt  }
0x55: {  	_ =	shalt  }
0x56: {  	_ =	shalt  }
0x57: {  	_ =	shalt  }
0x58: {  	_ =	shalt  }
0x59: {  	_ =	shalt  }
0x5a: {  	_ =	shalt  }
0x5b: {  	_ =	shalt  }
0x5c: {  	_ =	shalt  }
0x5d: {  	_ =	shalt  }
0x5e: {  	_ =	shalt  }
0x5f: {  	_ =	shalt  }
0x60: {  	_ =	shalt  }
0x61: {  	_ =	shalt  }
0x62: {  	_ =	shalt  }
0x63: {  	_ =	shalt  }
0x64: {  	_ =	shalt  }
0x65: {  	_ =	shalt  }
0x66: {  	_ =	shalt  }
0x67: {  	_ =	shalt  }
0x68: {  	_ =	shalt  }
0x69: {  	_ =	shalt  }
0x6a: {  	_ =	shalt  }
0x6b: {  	_ =	shalt  }
0x6c: {  	_ =	shalt  }
0x6d: {  	_ =	shalt  }
0x6e: {  	_ =	shalt  }
0x6f: {  	_ =	shalt  }
0x70: {  	_ =	shalt  }
0x71: {  	_ =	shalt  }
0x72: {  	_ =	shalt  }
0x73: {  	_ =	shalt  }
0x74: {  	_ =	shalt  }
0x75: {  	_ =	shalt  }
0x76: {  	_ =	shalt  }
0x77: {  	_ =	shalt  }
0x78: {  	_ =	shalt  }
0x79: {  	_ =	shalt  }
0x7a: {  	_ =	shalt  }
0x7b: {  	_ =	shalt  }
0x7c: {  	_ =	shalt  }
0x7d: {  	_ =	shalt  }
0x7e: {  	_ =	shalt  }
0x7f: {  	_ =	shalt  }
0x80: {  	_ =	shalt  }
0x81: {  	_ =	shalt  }
0x82: {  	_ =	shalt  }
0x83: {  	_ =	shalt  }
0x84: {  	_ =	shalt  }
0x85: {  	_ =	shalt  }
0x86: {  	_ =	shalt  }
0x87: {  	_ =	shalt  }
.Lfunc_end0:
.L_simem_size_0:
called_computation_lowered:
.L_overlay_start_0:
0x88: {  	s2 =	sld [smem:$0x3FD9]  }
0x89: {  	s3 =	sld [smem:$0x3FFE];
	_ =	sdelay $0x1  }
0x8a: {  	s1 =	srdreg.scid  }
0x8b: {  	s0 =	sand.u32 $0x1, s1  }
0x8c: {  	s17 =	sshll.u32 s0, $0xA;
	s2 =	sadd.s32 s3, s2  }
0x8d: {  	s2 =	sadd.s32 s2, s17  }
0x8e: {  	[smem:$0x3FB3] =	sst s2  }
0x8f: {  	_ = 	snop  }
0x90: {  	s2 =	sld [smem:$0x3FD0];
	(tm) =	ssettm $0x1  }
0x91: {  	s18 =	sld [smem:$0x3FFB];
	_ =	sdelay $0x3  }
0x92: {  	_ =	strace s18  }
0x93: {  	s3 =	sld [smem:$0x3FFC];
	_ =	sdelay $0x3  }
0x94: {  	_ =	strace s3  }
0x95: {  	s3 =	sld [smem:$0x3FFD];
	_ =	sdelay $0x3  }
0x96: {  	_ =	strace s3  }
0x97: {  	_ =	strace $0x8FFFFFFF  }
0x98: {  	s19 =	sld [smem:$0x3FDB];
	_ =	sdelay $0x1  }
0x99: {  	s4 =	simm.s32 $_scs_section_size  }
0x9a: {  	s5 =	simm.s32 $_size__tile_overlayer_lowered;
	s6 =	simm.s32 $_tile_overlayer_lowered  }
0x9b: {  	s22 =	simm.s32 $0x1BFF;
	s21 =	sshll.u32 s6, $0x1;
	s3 =	sadd.s32 s4, s19  }
0x9c: {  	s7 =	simm.s32 $0x0;
	s20 =	sshll.u32 s5, $0x1;
	s5 =	sadd.s32 s21, s3  }
0x9d: {  	[timem:s7], [sflag:s22] =	dma.local [hbm:s5], s20  }
0x9e: {  	_ =	swait.ge [sflag:s22], s20  }
0x9f: {  	s4 =	ssub.s32 $0x0, s20;
	[sflag:s22] =	ssyncset.done $0x0  }
0xa0: {  	[sflag:s22] =	ssyncadd.s32 s4;
	_ =	sdelay $0x1  }
0xa1: {  	s23 =	simm.s32 $0x1B8B  }
0xa2: {  	_ =	swait.ge [sflag:s23], $0x1  }
0xa3: {  	[sflag:s23] =	ssyncset.done $0x0  }
0xa4: {  	s25 =	simm.s32 $0x1B8E;
	s24 =	sld [smem:$0x3FFE];
	[sflag:s23] =	ssyncadd.s32 $0xFFFFFFFF  }
0xa5: {  	s26 =	simm.s32 $execute0_lowered;
	[smem:$0x3FD2] =	sst s25  }
0xa6: {  	s5 =	sshll.u32 s26, $0x1;
	_ =	strace $0x80000046;
	[dreg:$0x1] =	wrdreg $0xFFFFFFFF  }
0xa7: {  	s28 =	simm.s32 $_size_execute0_lowered;
	s3 =	sadd.s32 s3, s5;
	[dreg:$0x0] =	wrdreg $0x0  }
0xa8: {  	s5 =	sshll.u32 s28, $0x1;
	[dreg:$0x2] =	wrdreg s3  }
0xa9: {  	[dreg:$0x3] =	wrdreg s5  }
0xaa: {  	[dreg:$0x4] =	wrdreg $0xC0  }
0xab: {  	_ =	task [dreg:s7], $0x5FFFF  }
0xac: {  	[dreg:$0x1] =	wrdreg $0xFFFFFFFF  }
0xad: {  	[dreg:$0x0] =	wrdreg $0x60  }
0xae: {  	[dreg:$0x2] =	wrdreg s24  }
0xaf: {  	[dreg:$0x3] =	wrdreg s2  }
0xb0: {  	[dreg:$0x4] =	wrdreg $0x9  }
0xb1: {  	_ =	task.clear_ibuf [dreg:s7], $0x5FFFF;
	_ =	strace $0x90000046  }
0xb2: {  	s29 =	simm.s32 $0x9;
	_ =	strace $0x80000048  }
0xb3: {  	_ =	swait.ge [sflag:s29], $0x1  }
0xb4: {  	[sflag:s29] =	ssyncadd.s32 $0xFFFFFFFF  }
0xb5: {  	_ =	strace $0x90000048  }
0xb6: {  	_ =	sfence  }
0xb7: {  	s30 =	sld [smem:$0x0];
	_ =	sdelay $0x2  }
0xb8: {  	s31 =	sshll.u32 s1, $0xD;
	s1 =	sshrl.u32 s1, $0x2  }
0xb9: {  	s3 =	sand.u32 $0x4000, s31;
	s1 =	sadd.s32 s1, s30  }
0xba: {  	s0 =	sor.u32 s3, s0;
	s1 =	sshll.u32 s1, $0x11  }
0xbb: {  	s0 =	sor.u32 s1, s0  }
0xbc: {  	s0 =	sadd.s32 $0x8F2B, s0  }
0xbd: {  	[sflag:s0] =	ssyncadd.remote.s32 $0x1  }
0xbe: {  	_ =	sfence.sel $0xFFFF  }
0xbf: {  	[dreg:$0x0] =	wrdreg $0xFFFFFFFF;
	(pc) =	sbr.abs _section_cstart, $3  }
0xc0: {  	[dreg:$0x1] =	wrdreg $0xFFFFFFFF  }
0xc1: {  	_ =	task.clear_ibuf [dreg:s7], $0x2FFFF;
	_ =	strace $0x9FFFFFFF  }
0xc2: {  	(tm) =	ssettm $0x7FFFFFFF  }
0xc3: {  	_ =	shalt  }
tec
execute0_lowered:
.L_overlay_start_1:
0x0: {  	(tag) =	ssettag $0x1  }
0x1: {  	s0 =	srdreg.scid;
	s5 =	rddreg [dreg:$0x0]  }
0x2: {  	s6 =	stileid.u32;
	s2 =	rddreg [dreg:$0x1]  }
0x3: {  	s3 =	simm.s32 $0x0;
	s9 =	simm.s32 $0x2;
	s10 =	simm.s32 $0x400  }
0x4: {  	s11 =	simm.s32 $0x32;
	s12 =	simm.s32 $0x800;
	s20 =	simm.s32 $0x80  }
0x5: {  	s13 =	simm.s32 $0x6C00;
	s14 =	simm.s32 $0xD000;
	s21 =	simm.s32 $0x100  }
0x6: {  	s22 =	simm.s32 $0x180;
	s23 =	simm.s32 $0x200;
	s24 =	simm.s32 $0x280  }
0x7: {  	s25 =	simm.s32 $0x300;
	s26 =	simm.s32 $0x380;
	s28 =	simm.s32 $0x1  }
0x8: {  	s31 =	simm.s32 $0x600;
	s29 =	simm.s32 $0x780;
	[smem:$0x7FF] =	sst s3  }
0x9: {  	s1 =	smul.u32 $0x4E20, s6;
	_ =	strace $0x80000047;
	[dreg:$0x6] =	wrdreg s20  }
0xa: {  	s0 =	sand.u32 $0x1, s0;
	s15 =	smul.u32 $0x4E200, s6;
	[dreg:$0x7] =	wrdreg s21  }
0xb: {  	s30 =	simm.s32 $0x2100;
	s4 =	smul.u32 $0x2710, s0;
	[dreg:$0x8] =	wrdreg s22  }
0xc: {  	s16 =	ssub.s32 $0x2, s0;
	s0 =	smul.u32 $0x27100, s0;
	[dreg:$0x9] =	wrdreg s23  }
0xd: {  	s20 =	simm.s32 $0x9E00;
	s21 =	simm.s32 $0x10200;
	[dreg:$0xa] =	wrdreg s24  }
0xe: {  	s22 =	simm.s32 $0x5300;
	s23 =	simm.s32 $0x580;
	[dreg:$0xb] =	wrdreg s25  }
0xf: {  	[dreg:$0xc] =	wrdreg s26;
	s24 =	simm.s32 $0xB700;
	s25 =	simm.s32 $0x11B00  }
0x10: {  	s26 =	simm.s32 $0x9E00;
	s7 =	sadd.s32 s15, s5;
	s8 =	sshrl.u32 s16, $0x1  }
0x11: {  	s1 =	sadd.s32 s4, s1;
	s4 =	sadd.s32 $0x37200, s5;
	s6 =	ssub.s32 s16, s8  }
0x12: {  	s0 =	sadd.s32 s0, s7;
	s7 =	simm.s32 $0x8500;
	s6 =	smax.u32 s6, $0x1  }
0x13: {  	s1 =	smulhi.u32 $0xA3D70B, s1;
	s17 =	sadd.s32 $0xA49600, s0;
	[dreg:$0xd] =	wrdreg s6  }
0x14: {  	s8 =	simm.s32 $0xE900;
	s19 =	sadd.s32 $0x567600, s0;
	[dreg:$0x3] =	wrdreg s17  }
0x15: {  	s0 =	sadd.s32 $0x85600, s0;
	[dreg:$0x4] =	wrdreg s19;
	s1 =	sshll.u32 s1, $0x7  }
0x16: {  	[dreg:$0x5] =	wrdreg s0;
	s6 =	simm.s32 $0x2100;
	s1 =	sadd.s32 s1, s5  }
0x17: {  	s17 =	simm.s32 $0x480;
	s19 =	simm.s32 $0x500;
	s18 =	sadd.s32 $0x1E200, s1  }
0x18: {  	s5 =	sadd.s32 $0x5E400, s5;
	s1 =	sadd.s32 $0x5200, s1;
	[dreg:$0xe] =	wrdreg s18  }
0x19: {  	[dreg:$0xf] =	wrdreg s1;
	s18 =	simm.s32 $0x3A00;
	s1 =	simm.s32 $0x0  }
.LBB2_1:
0x1a: {  	[dreg:$0x10] =	wrdreg s1  }
0x1b: {  	s15 =	rddreg [dreg:$0xe]  }
0x1c: {  	[tilespmem:s3], [sflag:$0x2] =	stream.linear.gather [hbm4b:s15+s3], $0x400, $0x38;
	[tilespmem:$0x13400] =	vst v63  }
0x1d: {  	_ =	swait.ge [sflag:s9], $0x400  }
0x1e: {  	[sflag:s9] =	ssyncset.done $0x0  }
0x1f: {  	s16 =	rddreg [dreg:$0xf];
	[sflag:s9] =	ssyncadd.s32 $0xFFFFFC00  }
0x20: {  	[tilespmem:s10], [sflag:$0x2] =	stream.linear.gather [hbm4b:s16+s3], $0x400, $0x38;
	[tilespmem:$0x13400] =	vst v63  }
0x21: {  	_ =	swait.ge [sflag:s9], $0x400  }
0x22: {  	[sflag:s9] =	ssyncset.done $0x0  }
0x23: {  	[sflag:s9] =	ssyncadd.s32 $0xFFFFFC00  }
0x24: {  	[tilespmem:s12], [sflag:$0x1] =	stream.indirect.gather [hbm4b:s2+s11], $0x80, s3, s11, $0xb8;
	[tilespmem:$0x13400] =	vst v63  }
0x25: {  	_ = 	snop  }
0x26: {  	[tilespmem:s13], [sflag:$0x1] =	stream.indirect.gather [hbm4b:s4+s11], $0x80, s10, s11, $0xb8;
	[tilespmem:$0x13400] =	vst v63  }
0x27: {  	_ = 	snop  }
0x28: {  	[tilespmem:s14], [sflag:$0x1] =	stream.indirect.gather [hbm4b:s5+s11], $0x80, s10, s11, $0xb8;
	[tilespmem:$0x13400] =	vst v63  }
0x29: {  	s0 =	rddreg [dreg:$0x6]  }
0x2a: {  	[tilespmem:s6], [sflag:$0x1] =	stream.indirect.gather [hbm4b:s2+s11], $0x80, s0, s11, $0xb8;
	[tilespmem:$0x13400] =	vst v63  }
0x2b: {  	_ = 	snop  }
0x2c: {  	[tilespmem:s7], [sflag:$0x1] =	stream.indirect.gather [hbm4b:s4+s11], $0x80, s17, s11, $0xb8;
	[tilespmem:$0x13400] =	vst v63  }
0x2d: {  	_ = 	snop  }
0x2e: {  	[tilespmem:s8], [sflag:$0x1] =	stream.indirect.gather [hbm4b:s5+s11], $0x80, s17, s11, $0xb8;
	[tilespmem:$0x13400] =	vst v63  }
0x2f: {  	s7 =	rddreg [dreg:$0x7]  }
0x30: {  	[tilespmem:s18], [sflag:$0x1] =	stream.indirect.gather [hbm4b:s2+s11], $0x80, s7, s11, $0xb8;
	[tilespmem:$0x13400] =	vst v63  }
0x31: {  	_ = 	snop  }
0x32: {  	[tilespmem:s20], [sflag:$0x1] =	stream.indirect.gather [hbm4b:s4+s11], $0x80, s19, s11, $0xb8;
	[tilespmem:$0x13400] =	vst v63  }
0x33: {  	_ = 	snop  }
0x34: {  	[tilespmem:s21], [sflag:$0x1] =	stream.indirect.gather [hbm4b:s5+s11], $0x80, s19, s11, $0xb8;
	[tilespmem:$0x13400] =	vst v63  }
0x35: {  	s8 =	rddreg [dreg:$0x8]  }
0x36: {  	[tilespmem:s22], [sflag:$0x1] =	stream.indirect.gather [hbm4b:s2+s11], $0x80, s8, s11, $0xb8;
	[tilespmem:$0x13400] =	vst v63  }
0x37: {  	_ = 	snop  }
0x38: {  	[tilespmem:s24], [sflag:$0x1] =	stream.indirect.gather [hbm4b:s4+s11], $0x80, s23, s11, $0xb8;
	[tilespmem:$0x13400] =	vst v63  }
0x39: {  	_ = 	snop  }
0x3a: {  	[tilespmem:s25], [sflag:$0x1] =	stream.indirect.gather [hbm4b:s5+s11], $0x80, s23, s11, $0xb8;
	[tilespmem:$0x13400] =	vst v63  }
0x3b: {  	_ =	swait.ge [sflag:s28], $0x1900  }
0x3c: {  	[sflag:s28] =	ssyncset.done $0x0  }
0x3d: {  	[sflag:s28] =	ssyncadd.s32 $0xFFFFE700  }
0x3e: {  	_ =	swait.ge [sflag:s28], $0x1900  }
0x3f: {  	[sflag:s28] =	ssyncset.done $0x0  }
0x40: {  	[sflag:s28] =	ssyncadd.s32 $0xFFFFE700  }
0x41: {  	_ =	swait.ge [sflag:s28], $0x1900  }
0x42: {  	[sflag:s28] =	ssyncset.done $0x0  }
0x43: {  	[sflag:s28] =	ssyncadd.s32 $0xFFFFE700  }
0x44: {  	_ =	swait.ge [sflag:s28], $0x1900  }
0x45: {  	[sflag:s28] =	ssyncset.done $0x0  }
0x46: {  	[sflag:s28] =	ssyncadd.s32 $0xFFFFE700  }
0x47: {  	_ =	swait.ge [sflag:s28], $0x1900  }
0x48: {  	[sflag:s28] =	ssyncset.done $0x0  }
0x49: {  	[sflag:s28] =	ssyncadd.s32 $0xFFFFE700  }
0x4a: {  	_ =	swait.ge [sflag:s28], $0x1900  }
0x4b: {  	[sflag:s28] =	ssyncset.done $0x0  }
0x4c: {  	[sflag:s28] =	ssyncadd.s32 $0xFFFFE700  }
0x4d: {  	_ =	swait.ge [sflag:s28], $0x1900  }
0x4e: {  	[sflag:s28] =	ssyncset.done $0x0  }
0x4f: {  	[sflag:s28] =	ssyncadd.s32 $0xFFFFE700  }
0x50: {  	_ =	swait.ge [sflag:s28], $0x1900  }
0x51: {  	[sflag:s28] =	ssyncset.done $0x0  }
0x52: {  	[sflag:s28] =	ssyncadd.s32 $0xFFFFE700  }
0x53: {  	_ =	swait.ge [sflag:s28], $0x1900  }
0x54: {  	[sflag:s28] =	ssyncset.done $0x0  }
0x55: {  	[sflag:s28] =	ssyncadd.s32 $0xFFFFE700  }
0x56: {  	_ =	swait.ge [sflag:s28], $0x1900  }
0x57: {  	[sflag:s28] =	ssyncset.done $0x0  }
0x58: {  	[sflag:s28] =	ssyncadd.s32 $0xFFFFE700  }
0x59: {  	_ =	swait.ge [sflag:s28], $0x1900  }
0x5a: {  	[sflag:s28] =	ssyncset.done $0x0  }
0x5b: {  	[sflag:s28] =	ssyncadd.s32 $0xFFFFE700  }
0x5c: {  	_ =	swait.ge [sflag:s28], $0x1900  }
0x5d: {  	s18 =	rddreg [dreg:$0x5];
	[sflag:s28] =	ssyncset.done $0x0  }
0x5e: {  	[sflag:s28] =	ssyncadd.s32 $0xFFFFE700;
	s0 =	sadd.s32 $0x0, s18  }
0x5f: {  	[hbm4b:s0+s3] =	stream.linear.scatter [tilespmem:s12], [sflag:$0x2], $0x6400, $0x38;
	[tilespmem:$0x13400] =	vst v63  }
0x60: {  	_ =	swait.ge [sflag:s9], $0x6400  }
0x61: {  	s19 =	rddreg [dreg:$0x4];
	[sflag:s9] =	ssyncset.done $0x0  }
0x62: {  	[sflag:s9] =	ssyncadd.s32 $0xFFFF9C00;
	s6 =	sadd.s32 $0x0, s19  }
0x63: {  	[hbm4b:s6+s3] =	stream.linear.scatter [tilespmem:s13], [sflag:$0x2], $0x6400, $0x38;
	[tilespmem:$0x13400] =	vst v63  }
0x64: {  	_ =	swait.ge [sflag:s9], $0x6400  }
0x65: {  	s20 =	rddreg [dreg:$0x3];
	[sflag:s9] =	ssyncset.done $0x0  }
0x66: {  	[sflag:s9] =	ssyncadd.s32 $0xFFFF9C00;
	s7 =	sadd.s32 $0x0, s20  }
0x67: {  	[hbm4b:s7+s3] =	stream.linear.scatter [tilespmem:s14], [sflag:$0x2], $0x6400, $0x38;
	[tilespmem:$0x13400] =	vst v63  }
0x68: {  	_ =	swait.ge [sflag:s9], $0x6400  }
0x69: {  	[sflag:s9] =	ssyncset.done $0x0  }
0x6a: {  	s8 =	rddreg [dreg:$0x9];
	[sflag:s9] =	ssyncadd.s32 $0xFFFF9C00  }
0x6b: {  	[tilespmem:s12], [sflag:$0x1] =	stream.indirect.gather [hbm4b:s2+s11], $0x80, s8, s11, $0xb8;
	[tilespmem:$0x13400] =	vst v63  }
0x6c: {  	_ = 	snop  }
0x6d: {  	[tilespmem:s13], [sflag:$0x1] =	stream.indirect.gather [hbm4b:s4+s11], $0x80, s31, s11, $0xb8;
	[tilespmem:$0x13400] =	vst v63  }
0x6e: {  	_ = 	snop  }
0x6f: {  	[tilespmem:s14], [sflag:$0x1] =	stream.indirect.gather [hbm4b:s5+s11], $0x80, s31, s11, $0xb8;
	[tilespmem:$0x13400] =	vst v63  }
0x70: {  	s1 =	simm.s32 $0x2100;
	s8 =	rddreg [dreg:$0xa]  }
0x71: {  	[tilespmem:s1], [sflag:$0x1] =	stream.indirect.gather [hbm4b:s2+s11], $0x80, s8, s11, $0xb8;
	[tilespmem:$0x13400] =	vst v63  }
0x72: {  	s24 =	simm.s32 $0x8500;
	s1 =	simm.s32 $0x680  }
0x73: {  	[tilespmem:s24], [sflag:$0x1] =	stream.indirect.gather [hbm4b:s4+s11], $0x80, s1, s11, $0xb8;
	[tilespmem:$0x13400] =	vst v63  }
0x74: {  	s20 =	simm.s32 $0xE900  }
0x75: {  	[tilespmem:s20], [sflag:$0x1] =	stream.indirect.gather [hbm4b:s5+s11], $0x80, s1, s11, $0xb8;
	[tilespmem:$0x13400] =	vst v63  }
0x76: {  	s21 =	simm.s32 $0x3A00;
	s24 =	rddreg [dreg:$0xb]  }
0x77: {  	[tilespmem:s21], [sflag:$0x1] =	stream.indirect.gather [hbm4b:s2+s11], $0x80, s24, s11, $0xb8;
	[tilespmem:$0x13400] =	vst v63  }
0x78: {  	s25 =	simm.s32 $0x9E00;
	s21 =	simm.s32 $0x700  }
0x79: {  	[tilespmem:s25], [sflag:$0x1] =	stream.indirect.gather [hbm4b:s4+s11], $0x80, s21, s11, $0xb8;
	[tilespmem:$0x13400] =	vst v63  }
0x7a: {  	s22 =	simm.s32 $0x10200  }
0x7b: {  	[tilespmem:s22], [sflag:$0x1] =	stream.indirect.gather [hbm4b:s5+s11], $0x80, s21, s11, $0xb8;
	[tilespmem:$0x13400] =	vst v63  }
0x7c: {  	s23 =	simm.s32 $0x5300;
	s25 =	rddreg [dreg:$0xc]  }
0x7d: {  	[tilespmem:s23], [sflag:$0x1] =	stream.indirect.gather [hbm4b:s2+s11], $0x80, s25, s11, $0xb8;
	[tilespmem:$0x13400] =	vst v63  }
0x7e: {  	s18 =	simm.s32 $0xB700  }
0x7f: {  	[tilespmem:s18], [sflag:$0x1] =	stream.indirect.gather [hbm4b:s4+s11], $0x80, s29, s11, $0xb8;
	[tilespmem:$0x13400] =	vst v63  }
0x80: {  	s19 =	simm.s32 $0x11B00  }
0x81: {  	[tilespmem:s19], [sflag:$0x1] =	stream.indirect.gather [hbm4b:s5+s11], $0x80, s29, s11, $0xb8;
	[tilespmem:$0x13400] =	vst v63  }
0x82: {  	_ =	swait.ge [sflag:s28], $0x1900  }
0x83: {  	[sflag:s28] =	ssyncset.done $0x0  }
0x84: {  	[sflag:s28] =	ssyncadd.s32 $0xFFFFE700  }
0x85: {  	_ =	swait.ge [sflag:s28], $0x1900  }
0x86: {  	[sflag:s28] =	ssyncset.done $0x0  }
0x87: {  	[sflag:s28] =	ssyncadd.s32 $0xFFFFE700  }
0x88: {  	_ =	swait.ge [sflag:s28], $0x1900  }
0x89: {  	[sflag:s28] =	ssyncset.done $0x0  }
0x8a: {  	[sflag:s28] =	ssyncadd.s32 $0xFFFFE700  }
0x8b: {  	_ =	swait.ge [sflag:s28], $0x1900  }
0x8c: {  	[sflag:s28] =	ssyncset.done $0x0  }
0x8d: {  	[sflag:s28] =	ssyncadd.s32 $0xFFFFE700  }
0x8e: {  	_ =	swait.ge [sflag:s28], $0x1900  }
0x8f: {  	[sflag:s28] =	ssyncset.done $0x0  }
0x90: {  	[sflag:s28] =	ssyncadd.s32 $0xFFFFE700  }
0x91: {  	_ =	swait.ge [sflag:s28], $0x1900  }
0x92: {  	[sflag:s28] =	ssyncset.done $0x0  }
0x93: {  	[sflag:s28] =	ssyncadd.s32 $0xFFFFE700  }
0x94: {  	_ =	swait.ge [sflag:s28], $0x1900  }
0x95: {  	[sflag:s28] =	ssyncset.done $0x0  }
0x96: {  	[sflag:s28] =	ssyncadd.s32 $0xFFFFE700  }
0x97: {  	_ =	swait.ge [sflag:s28], $0x1900  }
0x98: {  	[sflag:s28] =	ssyncset.done $0x0  }
0x99: {  	[sflag:s28] =	ssyncadd.s32 $0xFFFFE700  }
0x9a: {  	_ =	swait.ge [sflag:s28], $0x1900  }
0x9b: {  	[sflag:s28] =	ssyncset.done $0x0  }
0x9c: {  	[sflag:s28] =	ssyncadd.s32 $0xFFFFE700  }
0x9d: {  	_ =	swait.ge [sflag:s28], $0x1900  }
0x9e: {  	[sflag:s28] =	ssyncset.done $0x0  }
0x9f: {  	[sflag:s28] =	ssyncadd.s32 $0xFFFFE700  }
0xa0: {  	_ =	swait.ge [sflag:s28], $0x1900  }
0xa1: {  	[sflag:s28] =	ssyncset.done $0x0  }
0xa2: {  	[sflag:s28] =	ssyncadd.s32 $0xFFFFE700  }
0xa3: {  	_ =	swait.ge [sflag:s28], $0x1900  }
0xa4: {  	[sflag:s28] =	ssyncset.done $0x0  }
0xa5: {  	s0 =	sadd.s32 $0xC80, s0;
	[sflag:s28] =	ssyncadd.s32 $0xFFFFE700  }
0xa6: {  	[hbm4b:s0+s3] =	stream.linear.scatter [tilespmem:s12], [sflag:$0x2], $0x6400, $0x38;
	[tilespmem:$0x13400] =	vst v63  }
0xa7: {  	_ =	swait.ge [sflag:s9], $0x6400  }
0xa8: {  	[sflag:s9] =	ssyncset.done $0x0  }
0xa9: {  	s24 =	sadd.s32 $0xC80, s6;
	[sflag:s9] =	ssyncadd.s32 $0xFFFF9C00  }
0xaa: {  	[hbm4b:s24+s3] =	stream.linear.scatter [tilespmem:s13], [sflag:$0x2], $0x6400, $0x38;
	[tilespmem:$0x13400] =	vst v63  }
0xab: {  	_ =	swait.ge [sflag:s9], $0x6400  }
0xac: {  	[sflag:s9] =	ssyncset.done $0x0  }
0xad: {  	s25 =	sadd.s32 $0xC80, s7;
	[sflag:s9] =	ssyncadd.s32 $0xFFFF9C00  }
0xae: {  	[hbm4b:s25+s3] =	stream.linear.scatter [tilespmem:s14], [sflag:$0x2], $0x6400, $0x38;
	[tilespmem:$0x13400] =	vst v63  }
0xaf: {  	s8 =	smov.u32 s16;
	_ =	swait.ge [sflag:s9], $0x6400  }
0xb0: {  	s6 =	simm.s32 $0x1900;
	s7 =	smov.u32 s15;
	[sflag:s9] =	ssyncset.done $0x0  }
.LBB2_2:
0xb1: {  	[sflag:s9] =	ssyncadd.s32 $0xFFFF9C00;
	s7 =	sadd.s32 $0x80, s7  }
0xb2: {  	[tilespmem:s3], [sflag:$0x2] =	stream.linear.gather [hbm4b:s7+s3], $0x400, $0x38;
	[tilespmem:$0x13400] =	vst v63  }
0xb3: {  	_ =	swait.ge [sflag:s9], $0x400  }
0xb4: {  	[sflag:s9] =	ssyncset.done $0x0  }
0xb5: {  	s8 =	sadd.s32 $0x80, s8;
	[sflag:s9] =	ssyncadd.s32 $0xFFFFFC00  }
0xb6: {  	[tilespmem:s10], [sflag:$0x2] =	stream.linear.gather [hbm4b:s8+s3], $0x400, $0x38;
	[tilespmem:$0x13400] =	vst v63  }
0xb7: {  	_ =	swait.ge [sflag:s9], $0x400  }
0xb8: {  	[sflag:s9] =	ssyncset.done $0x0  }
0xb9: {  	[sflag:s9] =	ssyncadd.s32 $0xFFFFFC00  }
0xba: {  	[tilespmem:s12], [sflag:$0x1] =	stream.indirect.gather [hbm4b:s2+s11], $0x80, s3, s11, $0xb8;
	[tilespmem:$0x13400] =	vst v63  }
0xbb: {  	_ = 	snop  }
0xbc: {  	[tilespmem:s13], [sflag:$0x1] =	stream.indirect.gather [hbm4b:s4+s11], $0x80, s10, s11, $0xb8;
	[tilespmem:$0x13400] =	vst v63  }
0xbd: {  	_ = 	snop  }
0xbe: {  	[tilespmem:s14], [sflag:$0x1] =	stream.indirect.gather [hbm4b:s5+s11], $0x80, s10, s11, $0xb8;
	[tilespmem:$0x13400] =	vst v63  }
0xbf: {  	s15 =	rddreg [dreg:$0x6]  }
0xc0: {  	[tilespmem:s30], [sflag:$0x1] =	stream.indirect.gather [hbm4b:s2+s11], $0x80, s15, s11, $0xb8;
	[tilespmem:$0x13400] =	vst v63  }
0xc1: {  	s25 =	simm.s32 $0x8500  }
0xc2: {  	[tilespmem:s25], [sflag:$0x1] =	stream.indirect.gather [hbm4b:s4+s11], $0x80, s17, s11, $0xb8;
	[tilespmem:$0x13400] =	vst v63  }
0xc3: {  	_ = 	snop  }
0xc4: {  	[tilespmem:s20], [sflag:$0x1] =	stream.indirect.gather [hbm4b:s5+s11], $0x80, s17, s11, $0xb8;
	[tilespmem:$0x13400] =	vst v63  }
0xc5: {  	s24 =	simm.s32 $0x3A00;
	s18 =	rddreg [dreg:$0x7]  }
0xc6: {  	[tilespmem:s24], [sflag:$0x1] =	stream.indirect.gather [hbm4b:s2+s11], $0x80, s18, s11, $0xb8;
	[tilespmem:$0x13400] =	vst v63  }
0xc7: {  	s16 =	simm.s32 $0x500  }
0xc8: {  	[tilespmem:s26], [sflag:$0x1] =	stream.indirect.gather [hbm4b:s4+s11], $0x80, s16, s11, $0xb8;
	[tilespmem:$0x13400] =	vst v63  }
0xc9: {  	s22 =	simm.s32 $0x10200  }
0xca: {  	[tilespmem:s22], [sflag:$0x1] =	stream.indirect.gather [hbm4b:s5+s11], $0x80, s16, s11, $0xb8;
	[tilespmem:$0x13400] =	vst v63  }
0xcb: {  	s23 =	simm.s32 $0x5300;
	s19 =	rddreg [dreg:$0x8]  }
0xcc: {  	[tilespmem:s23], [sflag:$0x1] =	stream.indirect.gather [hbm4b:s2+s11], $0x80, s19, s11, $0xb8;
	[tilespmem:$0x13400] =	vst v63  }
0xcd: {  	s17 =	simm.s32 $0x580;
	s18 =	simm.s32 $0xB700  }
0xce: {  	[tilespmem:s18], [sflag:$0x1] =	stream.indirect.gather [hbm4b:s4+s11], $0x80, s17, s11, $0xb8;
	[tilespmem:$0x13400] =	vst v63  }
0xcf: {  	s19 =	simm.s32 $0x11B00  }
0xd0: {  	[tilespmem:s19], [sflag:$0x1] =	stream.indirect.gather [hbm4b:s5+s11], $0x80, s17, s11, $0xb8;
	[tilespmem:$0x13400] =	vst v63  }
0xd1: {  	_ =	swait.ge [sflag:s28], $0x1900  }
0xd2: {  	[sflag:s28] =	ssyncset.done $0x0  }
0xd3: {  	[sflag:s28] =	ssyncadd.s32 $0xFFFFE700  }
0xd4: {  	_ =	swait.ge [sflag:s28], $0x1900  }
0xd5: {  	[sflag:s28] =	ssyncset.done $0x0  }
0xd6: {  	[sflag:s28] =	ssyncadd.s32 $0xFFFFE700  }
0xd7: {  	_ =	swait.ge [sflag:s28], $0x1900  }
0xd8: {  	[sflag:s28] =	ssyncset.done $0x0  }
0xd9: {  	[sflag:s28] =	ssyncadd.s32 $0xFFFFE700  }
0xda: {  	_ =	swait.ge [sflag:s28], $0x1900  }
0xdb: {  	[sflag:s28] =	ssyncset.done $0x0  }
0xdc: {  	[sflag:s28] =	ssyncadd.s32 $0xFFFFE700  }
0xdd: {  	_ =	swait.ge [sflag:s28], $0x1900  }
0xde: {  	[sflag:s28] =	ssyncset.done $0x0  }
0xdf: {  	[sflag:s28] =	ssyncadd.s32 $0xFFFFE700  }
0xe0: {  	_ =	swait.ge [sflag:s28], $0x1900  }
0xe1: {  	[sflag:s28] =	ssyncset.done $0x0  }
0xe2: {  	[sflag:s28] =	ssyncadd.s32 $0xFFFFE700  }
0xe3: {  	_ =	swait.ge [sflag:s28], $0x1900  }
0xe4: {  	[sflag:s28] =	ssyncset.done $0x0  }
0xe5: {  	[sflag:s28] =	ssyncadd.s32 $0xFFFFE700  }
0xe6: {  	_ =	swait.ge [sflag:s28], $0x1900  }
0xe7: {  	[sflag:s28] =	ssyncset.done $0x0  }
0xe8: {  	[sflag:s28] =	ssyncadd.s32 $0xFFFFE700  }
0xe9: {  	_ =	swait.ge [sflag:s28], $0x1900  }
0xea: {  	[sflag:s28] =	ssyncset.done $0x0  }
0xeb: {  	[sflag:s28] =	ssyncadd.s32 $0xFFFFE700  }
0xec: {  	_ =	swait.ge [sflag:s28], $0x1900  }
0xed: {  	[sflag:s28] =	ssyncset.done $0x0  }
0xee: {  	[sflag:s28] =	ssyncadd.s32 $0xFFFFE700  }
0xef: {  	_ =	swait.ge [sflag:s28], $0x1900  }
0xf0: {  	[sflag:s28] =	ssyncset.done $0x0  }
0xf1: {  	[sflag:s28] =	ssyncadd.s32 $0xFFFFE700  }
0xf2: {  	_ =	swait.ge [sflag:s28], $0x1900  }
0xf3: {  	s0 =	smov.u32 s6;
	s16 =	rddreg [dreg:$0x5];
	[sflag:s28] =	ssyncset.done $0x0  }
0xf4: {  	[sflag:s28] =	ssyncadd.s32 $0xFFFFE700;
	s15 =	sadd.s32 s0, s16  }
0xf5: {  	[hbm4b:s15+s3] =	stream.linear.scatter [tilespmem:s12], [sflag:$0x2], $0x6400, $0x38;
	[tilespmem:$0x13400] =	vst v63  }
0xf6: {  	_ =	swait.ge [sflag:s9], $0x6400  }
0xf7: {  	s17 =	rddreg [dreg:$0x4];
	[sflag:s9] =	ssyncset.done $0x0  }
0xf8: {  	[sflag:s9] =	ssyncadd.s32 $0xFFFF9C00;
	s16 =	sadd.s32 s0, s17  }
0xf9: {  	[hbm4b:s16+s3] =	stream.linear.scatter [tilespmem:s13], [sflag:$0x2], $0x6400, $0x38;
	[tilespmem:$0x13400] =	vst v63  }
0xfa: {  	_ =	swait.ge [sflag:s9], $0x6400  }
0xfb: {  	s17 =	rddreg [dreg:$0x3];
	[sflag:s9] =	ssyncset.done $0x0  }
0xfc: {  	[sflag:s9] =	ssyncadd.s32 $0xFFFF9C00;
	s0 =	sadd.s32 s0, s17  }
0xfd: {  	[hbm4b:s0+s3] =	stream.linear.scatter [tilespmem:s14], [sflag:$0x2], $0x6400, $0x38;
	[tilespmem:$0x13400] =	vst v63  }
0xfe: {  	_ =	swait.ge [sflag:s9], $0x6400  }
0xff: {  	[sflag:s9] =	ssyncset.done $0x0  }
0x100: {  	s17 =	rddreg [dreg:$0x9];
	[sflag:s9] =	ssyncadd.s32 $0xFFFF9C00  }
0x101: {  	[tilespmem:s12], [sflag:$0x1] =	stream.indirect.gather [hbm4b:s2+s11], $0x80, s17, s11, $0xb8;
	[tilespmem:$0x13400] =	vst v63  }
0x102: {  	_ = 	snop  }
0x103: {  	[tilespmem:s13], [sflag:$0x1] =	stream.indirect.gather [hbm4b:s4+s11], $0x80, s31, s11, $0xb8;
	[tilespmem:$0x13400] =	vst v63  }
0x104: {  	_ = 	snop  }
0x105: {  	[tilespmem:s14], [sflag:$0x1] =	stream.indirect.gather [hbm4b:s5+s11], $0x80, s31, s11, $0xb8;
	[tilespmem:$0x13400] =	vst v63  }
0x106: {  	s17 =	rddreg [dreg:$0xa]  }
0x107: {  	[tilespmem:s30], [sflag:$0x1] =	stream.indirect.gather [hbm4b:s2+s11], $0x80, s17, s11, $0xb8;
	[tilespmem:$0x13400] =	vst v63  }
0x108: {  	_ = 	snop  }
0x109: {  	[tilespmem:s25], [sflag:$0x1] =	stream.indirect.gather [hbm4b:s4+s11], $0x80, s1, s11, $0xb8;
	[tilespmem:$0x13400] =	vst v63  }
0x10a: {  	_ = 	snop  }
0x10b: {  	[tilespmem:s20], [sflag:$0x1] =	stream.indirect.gather [hbm4b:s5+s11], $0x80, s1, s11, $0xb8;
	[tilespmem:$0x13400] =	vst v63  }
0x10c: {  	s25 =	rddreg [dreg:$0xb]  }
0x10d: {  	[tilespmem:s24], [sflag:$0x1] =	stream.indirect.gather [hbm4b:s2+s11], $0x80, s25, s11, $0xb8;
	[tilespmem:$0x13400] =	vst v63  }
0x10e: {  	_ = 	snop  }
0x10f: {  	[tilespmem:s26], [sflag:$0x1] =	stream.indirect.gather [hbm4b:s4+s11], $0x80, s21, s11, $0xb8;
	[tilespmem:$0x13400] =	vst v63  }
0x110: {  	_ = 	snop  }
0x111: {  	[tilespmem:s22], [sflag:$0x1] =	stream.indirect.gather [hbm4b:s5+s11], $0x80, s21, s11, $0xb8;
	[tilespmem:$0x13400] =	vst v63  }
0x112: {  	s24 =	rddreg [dreg:$0xc]  }
0x113: {  	[tilespmem:s23], [sflag:$0x1] =	stream.indirect.gather [hbm4b:s2+s11], $0x80, s24, s11, $0xb8;
	[tilespmem:$0x13400] =	vst v63  }
0x114: {  	_ = 	snop  }
0x115: {  	[tilespmem:s18], [sflag:$0x1] =	stream.indirect.gather [hbm4b:s4+s11], $0x80, s29, s11, $0xb8;
	[tilespmem:$0x13400] =	vst v63  }
0x116: {  	_ = 	snop  }
0x117: {  	[tilespmem:s19], [sflag:$0x1] =	stream.indirect.gather [hbm4b:s5+s11], $0x80, s29, s11, $0xb8;
	[tilespmem:$0x13400] =	vst v63  }
0x118: {  	_ =	swait.ge [sflag:s28], $0x1900  }
0x119: {  	[sflag:s28] =	ssyncset.done $0x0  }
0x11a: {  	[sflag:s28] =	ssyncadd.s32 $0xFFFFE700  }
0x11b: {  	_ =	swait.ge [sflag:s28], $0x1900  }
0x11c: {  	[sflag:s28] =	ssyncset.done $0x0  }
0x11d: {  	[sflag:s28] =	ssyncadd.s32 $0xFFFFE700  }
0x11e: {  	_ =	swait.ge [sflag:s28], $0x1900  }
0x11f: {  	[sflag:s28] =	ssyncset.done $0x0  }
0x120: {  	[sflag:s28] =	ssyncadd.s32 $0xFFFFE700  }
0x121: {  	_ =	swait.ge [sflag:s28], $0x1900  }
0x122: {  	[sflag:s28] =	ssyncset.done $0x0  }
0x123: {  	[sflag:s28] =	ssyncadd.s32 $0xFFFFE700  }
0x124: {  	_ =	swait.ge [sflag:s28], $0x1900  }
0x125: {  	[sflag:s28] =	ssyncset.done $0x0  }
0x126: {  	[sflag:s28] =	ssyncadd.s32 $0xFFFFE700  }
0x127: {  	_ =	swait.ge [sflag:s28], $0x1900  }
0x128: {  	[sflag:s28] =	ssyncset.done $0x0  }
0x129: {  	[sflag:s28] =	ssyncadd.s32 $0xFFFFE700  }
0x12a: {  	_ =	swait.ge [sflag:s28], $0x1900  }
0x12b: {  	[sflag:s28] =	ssyncset.done $0x0  }
0x12c: {  	[sflag:s28] =	ssyncadd.s32 $0xFFFFE700  }
0x12d: {  	_ =	swait.ge [sflag:s28], $0x1900  }
0x12e: {  	[sflag:s28] =	ssyncset.done $0x0  }
0x12f: {  	[sflag:s28] =	ssyncadd.s32 $0xFFFFE700  }
0x130: {  	_ =	swait.ge [sflag:s28], $0x1900  }
0x131: {  	[sflag:s28] =	ssyncset.done $0x0  }
0x132: {  	[sflag:s28] =	ssyncadd.s32 $0xFFFFE700  }
0x133: {  	_ =	swait.ge [sflag:s28], $0x1900  }
0x134: {  	[sflag:s28] =	ssyncset.done $0x0  }
0x135: {  	[sflag:s28] =	ssyncadd.s32 $0xFFFFE700  }
0x136: {  	_ =	swait.ge [sflag:s28], $0x1900  }
0x137: {  	[sflag:s28] =	ssyncset.done $0x0  }
0x138: {  	[sflag:s28] =	ssyncadd.s32 $0xFFFFE700  }
0x139: {  	_ =	swait.ge [sflag:s28], $0x1900  }
0x13a: {  	[sflag:s28] =	ssyncset.done $0x0  }
0x13b: {  	s15 =	sadd.s32 $0xC80, s15;
	[sflag:s28] =	ssyncadd.s32 $0xFFFFE700  }
0x13c: {  	[hbm4b:s15+s3] =	stream.linear.scatter [tilespmem:s12], [sflag:$0x2], $0x6400, $0x38;
	[tilespmem:$0x13400] =	vst v63  }
0x13d: {  	_ =	swait.ge [sflag:s9], $0x6400  }
0x13e: {  	[sflag:s9] =	ssyncset.done $0x0  }
0x13f: {  	s25 =	sadd.s32 $0xC80, s16;
	[sflag:s9] =	ssyncadd.s32 $0xFFFF9C00  }
0x140: {  	[hbm4b:s25+s3] =	stream.linear.scatter [tilespmem:s13], [sflag:$0x2], $0x6400, $0x38;
	[tilespmem:$0x13400] =	vst v63  }
0x141: {  	p0 =	sne.s32 s6, $0x25800;
	_ =	swait.ge [sflag:s9], $0x6400  }
.Ltmp0:
0x142: {  	[sflag:s9] =	ssyncset.done $0x0;
	(pc) =	sbr.rel @p0 .LBB2_2-.Ltmp0, $4  }
0x143: {  	s0 =	sadd.s32 $0xC80, s0;
	[sflag:s9] =	ssyncadd.s32 $0xFFFF9C00  }
0x144: {  	[hbm4b:s0+s3] =	stream.linear.scatter [tilespmem:s14], [sflag:$0x2], $0x6400, $0x38;
	[tilespmem:$0x13400] =	vst v63  }
0x145: {  	_ =	swait.ge [sflag:s9], $0x6400  }
0x146: {  	s6 =	sadd.s32 $0x1900, s6;
	s17 =	simm.s32 $0x480;
	[sflag:s9] =	ssyncset.done $0x0  }
0x147: {  	s1 =	rddreg [dreg:$0x10]  }
0x148: {  	s0 =	rddreg [dreg:$0xd];
	s1 =	sadd.s32 $0x1, s1  }
0x149: {  	p0 =	sne.s32 s1, s0  }
.Ltmp1:
0x14a: {  	_ = 	snop;
	(pc) =	sbr.rel @p0 .LBB2_1-.Ltmp1, $4  }
0x14b: {  	[sflag:s9] =	ssyncadd.s32 $0xFFFF9C00;
	s6 =	simm.s32 $0x2100;
	s7 =	simm.s32 $0x8500  }
0x14c: {  	s8 =	simm.s32 $0xE900;
	s18 =	simm.s32 $0x3A00;
	s19 =	simm.s32 $0x500  }
0x14d: {  	s20 =	simm.s32 $0x9E00;
	s21 =	simm.s32 $0x10200;
	s22 =	simm.s32 $0x5300  }
0x14e: {  	s23 =	simm.s32 $0x580;
	s24 =	simm.s32 $0xB700;
	s25 =	simm.s32 $0x11B00  }
0x14f: {  	_ =	sfence.sel $0x180000  }
0x150: {  	[bflag:$0x0] =	sbarrier.arrive $0xFFFF  }
0x151: {  	_ =	strace $0x90000047  }
0x152: {  	s0 =	stileid.u32;
	[bflag:$0x2] =	sbarrier.arrive $0xFFFF  }
0x153: {  	p0 =	sne.s32 s0, $0x0;
	s0 =	rddreg [dreg:$0x2]  }
0x154: {  	s0 =	sadd.s32 @!p0 $0x100000, s0  }
0x155: {  	[sflag:s0] =	ssyncadd.tile.s32 @!p0 $0x1;
	_ =	shalt  }
.Lfunc_end2:
_tile_overlayer_lowered:
.L_overlay_start_2:
0x156: {  	(tag) =	ssettag $0x2  }
0x157: {  	s0 =	rddreg [dreg:$0x0];
	s2 =	stileid.u32  }
0x158: {  	s1 =	rddreg [dreg:$0x1];
	p0 =	sne.s32 s2, $0x0  }
0x159: {  	s3 =	rddreg [dreg:$0x2];
	[bflag:$0x3] =	sbarrier.arrive $0xFFFF;
	s2 =	simm.s32 @!p0 $0x1C02  }
0x15a: {  	[timem:s3], [sflag:s2] =	dma.local @!p0 [hbm:s0], s1  }
0x15b: {  	s0 =	simm.s32 @!p0 $0x2  }
0x15c: {  	_ =	swait.ge @!p0 [sflag:s0], s1  }
0x15d: {  	s1 =	ssub.s32 @!p0 $0x0, s1;
	[sflag:s0] =	ssyncset.done @!p0 $0x0  }
0x15e: {  	[sflag:s0] =	ssyncadd.s32 @!p0 s1  }
0x15f: {  	[bflag:$0x3] =	sbarrier.arrive $0xFFFF  }
0x160: {  	_ =	shalt  }

</sc_bundles>
